<compile_context>
chip_gen: v7x
topology: tpu7x:2x2x1
jax: 0.10.2.dev20260603
libtpu: 0.0.44.dev20260713+nightly
codegen_flags: <defaults>
</compile_context>

<pallas_src>
import functools

import jax
import jax.numpy as jnp
from jax import lax
from jax.experimental import pallas as pl
from jax.experimental.pallas import tpu as pltpu
from jax.experimental.pallas import tpu_sc as plsc

N = 10000
E = 320000
D_IN = 128
D_HID = 64
D_OUT = 128

NC = 2
NS = 16
NW = NC * NS
CK = 128
CH = 79
E_PAD = NW * CH * CK
N_ACC = 10112
ZROWS = N_ACC // NS
DEG_W = 8
DA = 64
NBURST = CH
LOOPB = NBURST - (NBURST % 3)
TROWS = N // NS
DEG_G = 8
EPW = E // NW
TAIL = CH * CK - EPW

_mesh = plsc.VectorSubcoreMesh(core_axis_name="c", subcore_axis_name="s")
_sc_params = pltpu.CompilerParams(use_tc_tiling_on_sc=False)


def _load_idx(ei_hbm, row, idx_v, w, junk):
    pltpu.sync_copy(ei_hbm.at[row, pl.ds(w * EPW, EPW)],
                    idx_v.at[pl.ds(0, EPW)])
    fill = jnp.full((16,), junk, jnp.int32)
    for k in range(TAIL // 16):
        idx_v[pl.ds(EPW + k * 16, 16)] = fill


def _deg_sc(edge_index, ones_hbm, zeros_hbm):

    @functools.partial(
        pl.kernel,
        out_type=jax.ShapeDtypeStruct((NC, N_ACC, DEG_W), jnp.float32),
        mesh=_mesh,
        scratch_types=[
            pltpu.VMEM((CH * CK,), jnp.int32),
            pltpu.VMEM((CK, DEG_W), jnp.float32),
            pltpu.VMEM_SHARED((N_ACC, DEG_W), jnp.float32),
            pltpu.SemaphoreType.DMA,
        ],
        compiler_params=_sc_params,
    )
    def deg_kernel(ei_hbm, ones_h, zeros_h, out_hbm, dst_v, ones_v, acc,
                   sem):
        c = lax.axis_index("c")
        s = lax.axis_index("s")
        w = c * NS + s
        pltpu.sync_copy(zeros_h.at[pl.ds(s * ZROWS, ZROWS)],
                        acc.at[pl.ds(s * ZROWS, ZROWS)])
        pltpu.sync_copy(ones_h, ones_v)
        _load_idx(ei_hbm, 1, dst_v, w, N)
        plsc.subcore_barrier()

        @pl.loop(0, CH)
        def _(j):
            pltpu.sync_copy(ones_v, acc.at[dst_v.at[pl.ds(j * CK, CK)]],
                            add=True)

        plsc.subcore_barrier()
        pltpu.sync_copy(acc.at[pl.ds(s * ZROWS, ZROWS)],
                        out_hbm.at[c, pl.ds(s * ZROWS, ZROWS)])

    return deg_kernel(edge_index, ones_hbm, zeros_hbm)


def _agg_sc(tables, edge_index, zeros_hbm):
    nh = tables.shape[0]

    @functools.partial(
        pl.kernel,
        out_type=jax.ShapeDtypeStruct((nh, NC, N_ACC, DA), jnp.float32),
        mesh=_mesh,
        scratch_types=[
            pltpu.VMEM((CH * CK,), jnp.int32),
            pltpu.VMEM((CH * CK,), jnp.int32),
            pltpu.VMEM((CK, DA), jnp.float32),
            pltpu.VMEM((CK, DA), jnp.float32),
            pltpu.VMEM((CK, DA), jnp.float32),
            pltpu.VMEM_SHARED((N_ACC, DA), jnp.float32),
            pltpu.VMEM_SHARED((N, DA), jnp.float32),
            pltpu.SemaphoreType.DMA,
            pltpu.SemaphoreType.DMA,
            pltpu.SemaphoreType.DMA,
            pltpu.SemaphoreType.DMA,
            pltpu.SemaphoreType.DMA,
            pltpu.SemaphoreType.DMA,
        ],
        compiler_params=_sc_params,
    )
    def agg_kernel(tables_hbm, ei_hbm, zeros_h, out_hbm,
                   src_v, dst_v, b0, b1, b2, acc, tab_s,
                   g0, g1, g2, s0, s1, s2):
        c = lax.axis_index("c")
        s = lax.axis_index("s")
        w = c * NS + s
        _load_idx(ei_hbm, 0, src_v, w, 0)
        _load_idx(ei_hbm, 1, dst_v, w, N)
        bufs = (b0, b1, b2)
        gsems = (g0, g1, g2)
        ssems = (s0, s1, s2)

        for h in range(nh):
            def fire_g(j, k):
                pltpu.async_copy(tab_s.at[src_v.at[pl.ds(j * CK, CK)]],
                                 bufs[k], gsems[k])

            def drain_g(k):
                pltpu.make_async_copy(tab_s.at[src_v.at[pl.ds(0, CK)]],
                                      bufs[k], gsems[k]).wait()

            def fire_s(j, k):
                pltpu.async_copy(bufs[k],
                                 acc.at[dst_v.at[pl.ds(j * CK, CK)]],
                                 ssems[k], add=True)

            def drain_s(k):
                pltpu.make_async_copy(bufs[k],
                                      acc.at[dst_v.at[pl.ds(0, CK)]],
                                      ssems[k]).wait()

            pltpu.sync_copy(zeros_h.at[pl.ds(s * ZROWS, ZROWS)],
                            acc.at[pl.ds(s * ZROWS, ZROWS)])
            pltpu.sync_copy(tables_hbm.at[h, pl.ds(s * TROWS, TROWS)],
                            tab_s.at[pl.ds(s * TROWS, TROWS)])
            plsc.subcore_barrier()

            fire_g(0, 0)
            fire_g(1, 1)

            @pl.loop(0, LOOPB, step=3)
            def _(i):
                for k in range(3):
                    j = i + k
                    k2 = (k + 2) % 3
                    drain_g(k)

                    @pl.when(j >= 1)
                    def _():
                        drain_s(k2)

                    fire_s(j, k)

                    @pl.when(j == 0)
                    def _():
                        fire_g(2, 2)

                    @pl.when((j >= 1) & (j + 2 < NBURST))
                    def _():
                        fire_g(j + 2, k2)

            for b in range(LOOPB, NBURST):
                drain_g(b % 3)
                drain_s((b + 2) % 3)
                fire_s(b, b % 3)
            drain_s((NBURST - 1) % 3)

            plsc.subcore_barrier()
            pltpu.sync_copy(acc.at[pl.ds(s * ZROWS, ZROWS)],
                            out_hbm.at[h, c, pl.ds(s * ZROWS, ZROWS)])

    return agg_kernel(tables, edge_index, zeros_hbm)


BN = 2000
GRID = N // BN


def _dinv_from(degp_ref):
    deg = degp_ref[0, :, :1] + degp_ref[1, :, :1] + 1.0
    return lax.rsqrt(deg)


def _tc_mm1_body(x_ref, w_ref, h_ref):
    h_ref[...] = jnp.dot(x_ref[...], w_ref[...],
                         preferred_element_type=jnp.float32)


def _tc_scale_body(h_ref, degp_ref, hs_ref):
    hs_ref[...] = h_ref[...] * _dinv_from(degp_ref)


def _tc2_body(hs1_ref, aggp_ref, degp_ref, w2_ref, b1_ref, hs2_ref):
    dinv = _dinv_from(degp_ref)
    pre = (aggp_ref[0, 0] + aggp_ref[0, 1] + hs1_ref[...]) * dinv \
        + b1_ref[...]
    out1 = jnp.maximum(pre, 0.0)
    h2 = jnp.dot(out1, w2_ref[...], preferred_element_type=jnp.float32)
    hs2 = h2 * dinv
    hs2_ref[0] = hs2[:, :DA]
    hs2_ref[1] = hs2[:, DA:]


def _tc3_body(hs2_ref, aggp_ref, degp_ref, b2_ref, out_ref):
    dinv = _dinv_from(degp_ref)
    lo = (aggp_ref[0, 0] + aggp_ref[0, 1] + hs2_ref[0]) * dinv
    hi = (aggp_ref[1, 0] + aggp_ref[1, 1] + hs2_ref[1]) * dinv
    out_ref[...] = jnp.concatenate([lo, hi], axis=1) + b2_ref[...]


_deg_spec = pl.BlockSpec((NC, BN, DEG_W), lambda i: (0, i, 0))


def kernel(x, edge_index, W1, b1, W2, b2):
    ones16 = jnp.ones((CK, DEG_W), jnp.float32)
    zeros_deg = jnp.zeros((N_ACC, DEG_W), jnp.float32)
    zeros_da = jnp.zeros((N_ACC, DA), jnp.float32)

    degp = _deg_sc(edge_index, ones16, zeros_deg)

    h1 = pl.pallas_call(
        _tc_mm1_body,
        out_shape=jax.ShapeDtypeStruct((N, D_HID), jnp.float32),
    )(x, W1)

    hs1 = pl.pallas_call(
        _tc_scale_body,
        grid=(GRID,),
        in_specs=[
            pl.BlockSpec((BN, D_HID), lambda i: (i, 0)),
            _deg_spec,
        ],
        out_specs=pl.BlockSpec((BN, D_HID), lambda i: (i, 0)),
        out_shape=jax.ShapeDtypeStruct((N, D_HID), jnp.float32),
    )(h1, degp)

    agg1 = _agg_sc(hs1.reshape(1, N, DA), edge_index, zeros_da)

    hs2 = pl.pallas_call(
        _tc2_body,
        grid=(GRID,),
        in_specs=[
            pl.BlockSpec((BN, D_HID), lambda i: (i, 0)),
            pl.BlockSpec((1, NC, BN, DA), lambda i: (0, 0, i, 0)),
            _deg_spec,
            pl.BlockSpec((D_HID, D_OUT), lambda i: (0, 0)),
            pl.BlockSpec((1, D_HID), lambda i: (0, 0)),
        ],
        out_specs=pl.BlockSpec((2, BN, DA), lambda i: (0, i, 0)),
        out_shape=jax.ShapeDtypeStruct((2, N, DA), jnp.float32),
    )(hs1, agg1, degp, W2, b1.reshape(1, D_HID))

    agg2 = _agg_sc(hs2, edge_index, zeros_da)

    out = pl.pallas_call(
        _tc3_body,
        grid=(GRID,),
        in_specs=[
            pl.BlockSpec((2, BN, DA), lambda i: (0, i, 0)),
            pl.BlockSpec((2, NC, BN, DA), lambda i: (0, 0, i, 0)),
            _deg_spec,
            pl.BlockSpec((1, D_OUT), lambda i: (0, 0)),
        ],
        out_specs=pl.BlockSpec((BN, D_OUT), lambda i: (i, 0)),
        out_shape=jax.ShapeDtypeStruct((N, D_OUT), jnp.float32),
    )(hs2, agg2, degp, b2.reshape(1, D_OUT))

    return out

# --- scband reference (transcript-rebuilt; emitter-appended) ---
"""Pipeline reference for scband-molecule-gcn-21560735826432 (READ-ONLY COPY).

The authoritative reference and input builder live on the scoring server;
editing this copy changes nothing except your own understanding.
"""

import jax, jax.numpy as jnp
import numpy as np

N = 10000
E = 320000
D_IN = 128
D_HID = 64
D_OUT = 128


def setup_inputs(seed: int = 0) -> dict:
    key = jax.random.key(seed)
    k1, k2, k3, k4 = jax.random.split(key, 4)
    x = jax.random.normal(k1, (N, D_IN), dtype=jnp.float32)
    edge_index = jax.random.randint(k2, (2, E), 0, N, dtype=jnp.int32)
    W1 = jax.random.normal(k3, (D_IN, D_HID), dtype=jnp.float32) * (1.0 / np.sqrt(D_IN))
    b1 = jnp.zeros((D_HID,), dtype=jnp.float32)
    W2 = jax.random.normal(k4, (D_HID, D_OUT), dtype=jnp.float32) * (1.0 / np.sqrt(D_HID))
    b2 = jnp.zeros((D_OUT,), dtype=jnp.float32)
    return {"x": x, "edge_index": edge_index, "W1": W1, "b1": b1, "W2": W2, "b2": b2}


def gcn_conv(x, edge_index, W, b):
    # PyG GCNConv: add self-loops, symmetric normalization, linear transform, scatter-add
    h = x @ W
    src = edge_index[0]
    dst = edge_index[1]
    loop = jnp.arange(N, dtype=edge_index.dtype)
    src = jnp.concatenate([src, loop])
    dst = jnp.concatenate([dst, loop])
    deg = jnp.zeros((N,), dtype=h.dtype).at[dst].add(1.0)
    dinv = jnp.where(deg > 0, deg ** -0.5, 0.0)
    norm = dinv[src] * dinv[dst]
    msg = h[src] * norm[:, None]
    out = jax.ops.segment_sum(msg, dst, num_segments=N)
    return out + b


def reference(x, edge_index, W1, b1, W2, b2):
    h = jax.nn.relu(gcn_conv(x, edge_index, W1, b1))
    out = gcn_conv(h, edge_index, W2, b2)
    return out

if __name__ == "__main__":
    import jax
    _d = setup_inputs()
    print(jax.jit(kernel)(*tuple(_d.values())))

</pallas_src>

<mosaic_0001>
#map = affine_map<(d0, d1) -> (0, 0)>
#map1 = affine_map<(d0, d1) -> (0, 0, 0)>
module attributes {stable_mosaic.version = 14 : i64} {
  func.func @deg_kernel(%arg0: i32, %arg1: i32, %arg2: memref<2x320000xi32, #tpu.memory_space<hbm>>, %arg3: memref<128x8xf32, #tpu.memory_space<hbm>>, %arg4: memref<10112x8xf32, #tpu.memory_space<hbm>>, %arg5: memref<2x10112x8xf32, #tpu.memory_space<hbm>>, %arg6: memref<10112xi32, #tpu.memory_space<vmem>>, %arg7: memref<128x8xf32, #tpu.memory_space<vmem>>, %arg8: memref<10112x8xf32, #tpu.memory_space<vmem_shared>>, %arg9: memref<!tpu.dma_semaphore, #tpu.memory_space<semaphore_mem>>) attributes {dimension_semantics = [#tpu.dimension_semantics<core_parallel>, #tpu.dimension_semantics<subcore_parallel>], iteration_bounds = array<i64: 2, 16>, scalar_prefetch = 0 : i64, scratch_operands = 4 : i64, tpu.core_type = #tpu.core_type<sc_vector_subcore>, window_params = [{transform_indices = #map}, {transform_indices = #map}, {transform_indices = #map}, {transform_indices = #map1}]} {
    %mul3A = arith.constant 16 : i32
    %mul3A_0 = arith.muli %arg0, %mul3A : i32
    %add3A = arith.addi %mul3A_0, %arg1 : i32
    %mul3A_1 = arith.constant 632 : i32
    %mul3A_2 = arith.muli %arg1, %mul3A_1 : i32
    %mul3A_3 = arith.constant 632 : i32
    %mul3A_4 = arith.muli %arg1, %mul3A_3 : i32
    "tpu.region"() ({
      %run_scoped3A_44 = tpu.sem_alloc : memref<!tpu.dma_semaphore, #tpu.memory_space<semaphore_mem>>
      %dma_start3A = arith.constant 0 : i32
      %dma_start3A_45 = tpu.memref_slice %arg8[%mul3A_4, %dma_start3A] : memref<10112x8xf32, #tpu.memory_space<vmem_shared>> -> memref<632x8xf32, #tpu.memory_space<vmem_shared>>
      %dma_start3A_46 = arith.constant 0 : i32
      %dma_start3A_47 = tpu.memref_slice %arg4[%mul3A_2, %dma_start3A_46] : memref<10112x8xf32, #tpu.memory_space<hbm>> -> memref<632x8xf32, #tpu.memory_space<hbm>>
      tpu.enqueue_dma source(%dma_start3A_47 : memref<632x8xf32, #tpu.memory_space<hbm>>) target(%dma_start3A_45 : memref<632x8xf32, #tpu.memory_space<vmem_shared>>) target_semaphore(%run_scoped3A_44 : memref<!tpu.dma_semaphore, #tpu.memory_space<semaphore_mem>>)
      %dma_wait3A = arith.constant 0 : i32
      %dma_wait3A_48 = tpu.memref_slice %arg8[%mul3A_4, %dma_wait3A] : memref<10112x8xf32, #tpu.memory_space<vmem_shared>> -> memref<632x8xf32, #tpu.memory_space<vmem_shared>>
      %dma_wait3A_49 = arith.constant 0 : i32
      %dma_wait3A_50 = tpu.memref_slice %arg4[%mul3A_2, %dma_wait3A_49] : memref<10112x8xf32, #tpu.memory_space<hbm>> -> memref<632x8xf32, #tpu.memory_space<hbm>>
      tpu.wait_dma2 semaphore(%run_scoped3A_44 : memref<!tpu.dma_semaphore, #tpu.memory_space<semaphore_mem>>) src(%dma_wait3A_50 : memref<632x8xf32, #tpu.memory_space<hbm>>) dst(%dma_wait3A_48 : memref<632x8xf32, #tpu.memory_space<vmem_shared>>)
      tpu.yield
    }) : () -> ()
    "tpu.region"() ({
      %run_scoped3A_44 = tpu.sem_alloc : memref<!tpu.dma_semaphore, #tpu.memory_space<semaphore_mem>>
      tpu.enqueue_dma source(%arg3 : memref<128x8xf32, #tpu.memory_space<hbm>>) target(%arg7 : memref<128x8xf32, #tpu.memory_space<vmem>>) target_semaphore(%run_scoped3A_44 : memref<!tpu.dma_semaphore, #tpu.memory_space<semaphore_mem>>)
      tpu.wait_dma2 semaphore(%run_scoped3A_44 : memref<!tpu.dma_semaphore, #tpu.memory_space<semaphore_mem>>) src(%arg3 : memref<128x8xf32, #tpu.memory_space<hbm>>) dst(%arg7 : memref<128x8xf32, #tpu.memory_space<vmem>>)
      tpu.yield
    }) : () -> ()
    %mul3A_5 = arith.constant 10000 : i32
    %mul3A_6 = arith.muli %add3A, %mul3A_5 : i32
    %run_scoped3A = arith.constant 1 : i32
    "tpu.region"() ({
      %run_scoped3A_44 = tpu.sem_alloc : memref<!tpu.dma_semaphore, #tpu.memory_space<semaphore_mem>>
      %dma_start3A = arith.constant 0 : i32
      %dma_start3A_45 = tpu.memref_slice %arg6[%dma_start3A] : memref<10112xi32, #tpu.memory_space<vmem>> -> memref<10000xi32, #tpu.memory_space<vmem>>
      %dma_start3A_46 = tpu.memref_slice %arg2[%run_scoped3A, %mul3A_6] : memref<2x320000xi32, #tpu.memory_space<hbm>> -> memref<1x10000xi32, #tpu.memory_space<hbm>>
      %dma_start3A_47 = tpu.memref_squeeze %dma_start3A_46 : memref<1x10000xi32, #tpu.memory_space<hbm>> -> memref<10000xi32, #tpu.memory_space<hbm>>
      %dma_start3A_48 = arith.constant 0 : i32
      %dma_start3A_49 = tpu.memref_slice %arg6[%dma_start3A_48] : memref<10112xi32, #tpu.memory_space<vmem>> -> memref<10000xi32, #tpu.memory_space<vmem>>
      %dma_start3A_50 = tpu.memref_slice %arg2[%run_scoped3A, %mul3A_6] : memref<2x320000xi32, #tpu.memory_space<hbm>> -> memref<1x10000xi32, #tpu.memory_space<hbm>>
      %dma_start3A_51 = tpu.memref_squeeze %dma_start3A_50 : memref<1x10000xi32, #tpu.memory_space<hbm>> -> memref<10000xi32, #tpu.memory_space<hbm>>
      tpu.enqueue_dma source(%dma_start3A_51 : memref<10000xi32, #tpu.memory_space<hbm>>) target(%dma_start3A_49 : memref<10000xi32, #tpu.memory_space<vmem>>) target_semaphore(%run_scoped3A_44 : memref<!tpu.dma_semaphore, #tpu.memory_space<semaphore_mem>>)
      %dma_wait3A = arith.constant 0 : i32
      %dma_wait3A_52 = tpu.memref_slice %arg6[%dma_wait3A] : memref<10112xi32, #tpu.memory_space<vmem>> -> memref<10000xi32, #tpu.memory_space<vmem>>
      %dma_wait3A_53 = tpu.memref_slice %arg2[%run_scoped3A, %mul3A_6] : memref<2x320000xi32, #tpu.memory_space<hbm>> -> memref<1x10000xi32, #tpu.memory_space<hbm>>
      %dma_wait3A_54 = tpu.memref_squeeze %dma_wait3A_53 : memref<1x10000xi32, #tpu.memory_space<hbm>> -> memref<10000xi32, #tpu.memory_space<hbm>>
      %dma_wait3A_55 = arith.constant 0 : i32
      %dma_wait3A_56 = tpu.memref_slice %arg6[%dma_wait3A_55] : memref<10112xi32, #tpu.memory_space<vmem>> -> memref<10000xi32, #tpu.memory_space<vmem>>
      %dma_wait3A_57 = tpu.memref_slice %arg2[%run_scoped3A, %mul3A_6] : memref<2x320000xi32, #tpu.memory_space<hbm>> -> memref<1x10000xi32, #tpu.memory_space<hbm>>
      %dma_wait3A_58 = tpu.memref_squeeze %dma_wait3A_57 : memref<1x10000xi32, #tpu.memory_space<hbm>> -> memref<10000xi32, #tpu.memory_space<hbm>>
      tpu.wait_dma2 semaphore(%run_scoped3A_44 : memref<!tpu.dma_semaphore, #tpu.memory_space<semaphore_mem>>) src(%dma_wait3A_58 : memref<10000xi32, #tpu.memory_space<hbm>>) dst(%dma_wait3A_56 : memref<10000xi32, #tpu.memory_space<vmem>>)
      tpu.yield
    }) : () -> ()
    %broadcast_in_dim3A = arith.constant 10000 : i32
    %broadcast_in_dim3A_7 = vector.broadcast %broadcast_in_dim3A : i32 to vector<16xi32>
    %swap3A = arith.constant 10000 : index
    %swap3A_8 = tpu.vector_load %arg6[%swap3A] {strides = array<i32>} : memref<10112xi32, #tpu.memory_space<vmem>>, vector<16xi32>,
    %swap3A_9 = vector.shape_cast %swap3A_8 : vector<16xi32> to vector<16xi32>
    %swap3A_10 = vector.shape_cast %broadcast_in_dim3A_7 : vector<16xi32> to vector<16xi32>
    tpu.vector_store %arg6[%swap3A], %swap3A_10 {strides = array<i32>} : memref<10112xi32, #tpu.memory_space<vmem>>, vector<16xi32>,
    %swap3A_11 = arith.constant 10016 : index
    %swap3A_12 = tpu.vector_load %arg6[%swap3A_11] {strides = array<i32>} : memref<10112xi32, #tpu.memory_space<vmem>>, vector<16xi32>,
    %swap3A_13 = vector.shape_cast %swap3A_12 : vector<16xi32> to vector<16xi32>
    %swap3A_14 = vector.shape_cast %broadcast_in_dim3A_7 : vector<16xi32> to vector<16xi32>
    tpu.vector_store %arg6[%swap3A_11], %swap3A_14 {strides = array<i32>} : memref<10112xi32, #tpu.memory_space<vmem>>, vector<16xi32>,
    %swap3A_15 = arith.constant 10032 : index
    %swap3A_16 = tpu.vector_load %arg6[%swap3A_15] {strides = array<i32>} : memref<10112xi32, #tpu.memory_space<vmem>>, vector<16xi32>,
    %swap3A_17 = vector.shape_cast %swap3A_16 : vector<16xi32> to vector<16xi32>
    %swap3A_18 = vector.shape_cast %broadcast_in_dim3A_7 : vector<16xi32> to vector<16xi32>
    tpu.vector_store %arg6[%swap3A_15], %swap3A_18 {strides = array<i32>} : memref<10112xi32, #tpu.memory_space<vmem>>, vector<16xi32>,
    %swap3A_19 = arith.constant 10048 : index
    %swap3A_20 = tpu.vector_load %arg6[%swap3A_19] {strides = array<i32>} : memref<10112xi32, #tpu.memory_space<vmem>>, vector<16xi32>,
    %swap3A_21 = vector.shape_cast %swap3A_20 : vector<16xi32> to vector<16xi32>
    %swap3A_22 = vector.shape_cast %broadcast_in_dim3A_7 : vector<16xi32> to vector<16xi32>
    tpu.vector_store %arg6[%swap3A_19], %swap3A_22 {strides = array<i32>} : memref<10112xi32, #tpu.memory_space<vmem>>, vector<16xi32>,
    %swap3A_23 = arith.constant 10064 : index
    %swap3A_24 = tpu.vector_load %arg6[%swap3A_23] {strides = array<i32>} : memref<10112xi32, #tpu.memory_space<vmem>>, vector<16xi32>,
    %swap3A_25 = vector.shape_cast %swap3A_24 : vector<16xi32> to vector<16xi32>
    %swap3A_26 = vector.shape_cast %broadcast_in_dim3A_7 : vector<16xi32> to vector<16xi32>
    tpu.vector_store %arg6[%swap3A_23], %swap3A_26 {strides = array<i32>} : memref<10112xi32, #tpu.memory_space<vmem>>, vector<16xi32>,
    %swap3A_27 = arith.constant 10080 : index
    %swap3A_28 = tpu.vector_load %arg6[%swap3A_27] {strides = array<i32>} : memref<10112xi32, #tpu.memory_space<vmem>>, vector<16xi32>,
    %swap3A_29 = vector.shape_cast %swap3A_28 : vector<16xi32> to vector<16xi32>
    %swap3A_30 = vector.shape_cast %broadcast_in_dim3A_7 : vector<16xi32> to vector<16xi32>
    tpu.vector_store %arg6[%swap3A_27], %swap3A_30 {strides = array<i32>} : memref<10112xi32, #tpu.memory_space<vmem>>, vector<16xi32>,
    %swap3A_31 = arith.constant 10096 : index
    %swap3A_32 = tpu.vector_load %arg6[%swap3A_31] {strides = array<i32>} : memref<10112xi32, #tpu.memory_space<vmem>>, vector<16xi32>,
    %swap3A_33 = vector.shape_cast %swap3A_32 : vector<16xi32> to vector<16xi32>
    %swap3A_34 = vector.shape_cast %broadcast_in_dim3A_7 : vector<16xi32> to vector<16xi32>
    tpu.vector_store %arg6[%swap3A_31], %swap3A_34 {strides = array<i32>} : memref<10112xi32, #tpu.memory_space<vmem>>, vector<16xi32>,
    %barrier3A = arith.constant 0 : index
    tpu.barrier barrier_id(%barrier3A)
    %scan3A = arith.constant 0 : i32
    %scan3A_35 = arith.constant 79 : i32
    %scan3A_36 = arith.addi %scan3A, %scan3A_35 : i32
    %scan3A_37 = arith.constant 1 : i32
    scf.for %scan3A_44 = %scan3A to %scan3A_36 step %scan3A_37  : i32 {
      %mul3A_45 = arith.constant 1 : i32
      %mul3A_46 = arith.muli %scan3A_44, %mul3A_45 : i32
      %add3A_47 = arith.constant 0 : i32
      %add3A_48 = arith.addi %add3A_47, %mul3A_46 : i32
      %mul3A_49 = arith.constant 128 : i32
      %mul3A_50 = arith.muli %add3A_48, %mul3A_49 : i32
      "tpu.region"() ({
        %run_scoped3A_51 = tpu.sem_alloc : memref<!tpu.dma_semaphore, #tpu.memory_space<semaphore_mem>>
        %dma_start3A = tpu.memref_slice %arg6[%mul3A_50] : memref<10112xi32, #tpu.memory_space<vmem>> -> memref<128xi32, #tpu.memory_space<vmem>>
        %dma_start3A_52 = arith.constant 0 : i32
        %dma_start3A_53 = arith.constant 0 : i32
        %dma_start3A_54 = tpu.memref_slice %arg8[%dma_start3A_52, %dma_start3A_53] : memref<10112x8xf32, #tpu.memory_space<vmem_shared>> -> memref<10112x8xf32, #tpu.memory_space<vmem_shared>>
        tpu.enqueue_indirect_dma source(%arg7 : memref<128x8xf32, #tpu.memory_space<vmem>>) target(%dma_start3A_54 : memref<10112x8xf32, #tpu.memory_space<vmem_shared>>) offsets(%dma_start3A : memref<128xi32, #tpu.memory_space<vmem>>) semaphore(%run_scoped3A_51 : memref<!tpu.dma_semaphore, #tpu.memory_space<semaphore_mem>>) {add = true}
        %dma_wait3A = tpu.memref_slice %arg6[%mul3A_50] : memref<10112xi32, #tpu.memory_space<vmem>> -> memref<128xi32, #tpu.memory_space<vmem>>
        %dma_wait3A_55 = arith.constant 0 : i32
        %dma_wait3A_56 = arith.constant 0 : i32
        %dma_wait3A_57 = tpu.memref_slice %arg8[%dma_wait3A_55, %dma_wait3A_56] : memref<10112x8xf32, #tpu.memory_space<vmem_shared>> -> memref<10112x8xf32, #tpu.memory_space<vmem_shared>>
        tpu.wait_indirect_dma semaphore(%run_scoped3A_51 : memref<!tpu.dma_semaphore, #tpu.memory_space<semaphore_mem>>) src(%arg7 : memref<128x8xf32, #tpu.memory_space<vmem>>) dst(%dma_wait3A_57 : memref<10112x8xf32, #tpu.memory_space<vmem_shared>>)
        tpu.yield
      }) : () -> ()
    }
    %scan3A_38 = arith.constant 79 : i32
    %barrier3A_39 = arith.constant 0 : index
    tpu.barrier barrier_id(%barrier3A_39)
    %mul3A_40 = arith.constant 632 : i32
    %mul3A_41 = arith.muli %arg1, %mul3A_40 : i32
    %mul3A_42 = arith.constant 632 : i32
    %mul3A_43 = arith.muli %arg1, %mul3A_42 : i32
    "tpu.region"() ({
      %run_scoped3A_44 = tpu.sem_alloc : memref<!tpu.dma_semaphore, #tpu.memory_space<semaphore_mem>>
      %dma_start3A = arith.constant 0 : i32
      %dma_start3A_45 = tpu.memref_slice %arg5[%arg0, %mul3A_43, %dma_start3A] : memref<2x10112x8xf32, #tpu.memory_space<hbm>> -> memref<1x632x8xf32, #tpu.memory_space<hbm>>
      %dma_start3A_46 = tpu.memref_squeeze %dma_start3A_45 : memref<1x632x8xf32, #tpu.memory_space<hbm>> -> memref<632x8xf32, #tpu.memory_space<hbm>>
      %dma_start3A_47 = arith.constant 0 : i32
      %dma_start3A_48 = tpu.memref_slice %arg8[%mul3A_41, %dma_start3A_47] : memref<10112x8xf32, #tpu.memory_space<vmem_shared>> -> memref<632x8xf32, #tpu.memory_space<vmem_shared>>
      tpu.enqueue_dma source(%dma_start3A_48 : memref<632x8xf32, #tpu.memory_space<vmem_shared>>) target(%dma_start3A_46 : memref<632x8xf32, #tpu.memory_space<hbm>>) target_semaphore(%run_scoped3A_44 : memref<!tpu.dma_semaphore, #tpu.memory_space<semaphore_mem>>)
      %dma_wait3A = arith.constant 0 : i32
      %dma_wait3A_49 = tpu.memref_slice %arg5[%arg0, %mul3A_43, %dma_wait3A] : memref<2x10112x8xf32, #tpu.memory_space<hbm>> -> memref<1x632x8xf32, #tpu.memory_space<hbm>>
      %dma_wait3A_50 = tpu.memref_squeeze %dma_wait3A_49 : memref<1x632x8xf32, #tpu.memory_space<hbm>> -> memref<632x8xf32, #tpu.memory_space<hbm>>
      %dma_wait3A_51 = arith.constant 0 : i32
      %dma_wait3A_52 = tpu.memref_slice %arg8[%mul3A_41, %dma_wait3A_51] : memref<10112x8xf32, #tpu.memory_space<vmem_shared>> -> memref<632x8xf32, #tpu.memory_space<vmem_shared>>
      tpu.wait_dma2 semaphore(%run_scoped3A_44 : memref<!tpu.dma_semaphore, #tpu.memory_space<semaphore_mem>>) src(%dma_wait3A_52 : memref<632x8xf32, #tpu.memory_space<vmem_shared>>) dst(%dma_wait3A_50 : memref<632x8xf32, #tpu.memory_space<hbm>>)
      tpu.yield
    }) : () -> ()
    return
  }
}

#map = affine_map<(d0, d1) -> (0, 0, 0)>
#map1 = affine_map<(d0, d1) -> (0, 0)>
#map2 = affine_map<(d0, d1) -> (0, 0, 0, 0)>
module attributes {stable_mosaic.version = 14 : i64} {
  func.func @agg_kernel(%arg0: i32, %arg1: i32, %arg2: memref<2x10000x64xf32, #tpu.memory_space<hbm>>, %arg3: memref<2x320000xi32, #tpu.memory_space<hbm>>, %arg4: memref<10112x64xf32, #tpu.memory_space<hbm>>, %arg5: memref<2x2x10112x64xf32, #tpu.memory_space<hbm>>, %arg6: memref<10112xi32, #tpu.memory_space<vmem>>, %arg7: memref<10112xi32, #tpu.memory_space<vmem>>, %arg8: memref<128x64xf32, #tpu.memory_space<vmem>>, %arg9: memref<128x64xf32, #tpu.memory_space<vmem>>, %arg10: memref<128x64xf32, #tpu.memory_space<vmem>>, %arg11: memref<10112x64xf32, #tpu.memory_space<vmem_shared>>, %arg12: memref<10000x64xf32, #tpu.memory_space<vmem_shared>>, %arg13: memref<!tpu.dma_semaphore, #tpu.memory_space<semaphore_mem>>, %arg14: memref<!tpu.dma_semaphore, #tpu.memory_space<semaphore_mem>>, %arg15: memref<!tpu.dma_semaphore, #tpu.memory_space<semaphore_mem>>, %arg16: memref<!tpu.dma_semaphore, #tpu.memory_space<semaphore_mem>>, %arg17: memref<!tpu.dma_semaphore, #tpu.memory_space<semaphore_mem>>, %arg18: memref<!tpu.dma_semaphore, #tpu.memory_space<semaphore_mem>>) attributes {dimension_semantics = [#tpu.dimension_semantics<core_parallel>, #tpu.dimension_semantics<subcore_parallel>], iteration_bounds = array<i64: 2, 16>, scalar_prefetch = 0 : i64, scratch_operands = 13 : i64, tpu.core_type = #tpu.core_type<sc_vector_subcore>, window_params = [{transform_indices = #map}, {transform_indices = #map1}, {transform_indices = #map1}, {transform_indices = #map2}]} {
    %mul3A = arith.constant 16 : i32
    %mul3A_0 = arith.muli %arg0, %mul3A : i32
    %add3A = arith.addi %mul3A_0, %arg1 : i32
    %mul3A_1 = arith.constant 10000 : i32
    %mul3A_2 = arith.muli %add3A, %mul3A_1 : i32
    %run_scoped3A = arith.constant 0 : i32
    "tpu.region"() ({
      %run_scoped3A_162 = tpu.sem_alloc : memref<!tpu.dma_semaphore, #tpu.memory_space<semaphore_mem>>
      %dma_start3A_163 = arith.constant 0 : i32
      %dma_start3A_164 = tpu.memref_slice %arg6[%dma_start3A_163] : memref<10112xi32, #tpu.memory_space<vmem>> -> memref<10000xi32, #tpu.memory_space<vmem>>
      %dma_start3A_165 = tpu.memref_slice %arg3[%run_scoped3A, %mul3A_2] : memref<2x320000xi32, #tpu.memory_space<hbm>> -> memref<1x10000xi32, #tpu.memory_space<hbm>>
      %dma_start3A_166 = tpu.memref_squeeze %dma_start3A_165 : memref<1x10000xi32, #tpu.memory_space<hbm>> -> memref<10000xi32, #tpu.memory_space<hbm>>
      %dma_start3A_167 = arith.constant 0 : i32
      %dma_start3A_168 = tpu.memref_slice %arg6[%dma_start3A_167] : memref<10112xi32, #tpu.memory_space<vmem>> -> memref<10000xi32, #tpu.memory_space<vmem>>
      %dma_start3A_169 = tpu.memref_slice %arg3[%run_scoped3A, %mul3A_2] : memref<2x320000xi32, #tpu.memory_space<hbm>> -> memref<1x10000xi32, #tpu.memory_space<hbm>>
      %dma_start3A_170 = tpu.memref_squeeze %dma_start3A_169 : memref<1x10000xi32, #tpu.memory_space<hbm>> -> memref<10000xi32, #tpu.memory_space<hbm>>
      tpu.enqueue_dma source(%dma_start3A_170 : memref<10000xi32, #tpu.memory_space<hbm>>) target(%dma_start3A_168 : memref<10000xi32, #tpu.memory_space<vmem>>) target_semaphore(%run_scoped3A_162 : memref<!tpu.dma_semaphore, #tpu.memory_space<semaphore_mem>>)
      %dma_wait3A_171 = arith.constant 0 : i32
      %dma_wait3A_172 = tpu.memref_slice %arg6[%dma_wait3A_171] : memref<10112xi32, #tpu.memory_space<vmem>> -> memref<10000xi32, #tpu.memory_space<vmem>>
      %dma_wait3A_173 = tpu.memref_slice %arg3[%run_scoped3A, %mul3A_2] : memref<2x320000xi32, #tpu.memory_space<hbm>> -> memref<1x10000xi32, #tpu.memory_space<hbm>>
      %dma_wait3A_174 = tpu.memref_squeeze %dma_wait3A_173 : memref<1x10000xi32, #tpu.memory_space<hbm>> -> memref<10000xi32, #tpu.memory_space<hbm>>
      %dma_wait3A_175 = arith.constant 0 : i32
      %dma_wait3A_176 = tpu.memref_slice %arg6[%dma_wait3A_175] : memref<10112xi32, #tpu.memory_space<vmem>> -> memref<10000xi32, #tpu.memory_space<vmem>>
      %dma_wait3A_177 = tpu.memref_slice %arg3[%run_scoped3A, %mul3A_2] : memref<2x320000xi32, #tpu.memory_space<hbm>> -> memref<1x10000xi32, #tpu.memory_space<hbm>>
      %dma_wait3A_178 = tpu.memref_squeeze %dma_wait3A_177 : memref<1x10000xi32, #tpu.memory_space<hbm>> -> memref<10000xi32, #tpu.memory_space<hbm>>
      tpu.wait_dma2 semaphore(%run_scoped3A_162 : memref<!tpu.dma_semaphore, #tpu.memory_space<semaphore_mem>>) src(%dma_wait3A_178 : memref<10000xi32, #tpu.memory_space<hbm>>) dst(%dma_wait3A_176 : memref<10000xi32, #tpu.memory_space<vmem>>)
      tpu.yield
    }) : () -> ()
    %broadcast_in_dim3A = arith.constant 0 : i32
    %broadcast_in_dim3A_3 = vector.broadcast %broadcast_in_dim3A : i32 to vector<16xi32>
    %swap3A = arith.constant 10000 : index
    %swap3A_4 = tpu.vector_load %arg6[%swap3A] {strides = array<i32>} : memref<10112xi32, #tpu.memory_space<vmem>>, vector<16xi32>,
    %swap3A_5 = vector.shape_cast %swap3A_4 : vector<16xi32> to vector<16xi32>
    %swap3A_6 = vector.shape_cast %broadcast_in_dim3A_3 : vector<16xi32> to vector<16xi32>
    tpu.vector_store %arg6[%swap3A], %swap3A_6 {strides = array<i32>} : memref<10112xi32, #tpu.memory_space<vmem>>, vector<16xi32>,
    %swap3A_7 = arith.constant 10016 : index
    %swap3A_8 = tpu.vector_load %arg6[%swap3A_7] {strides = array<i32>} : memref<10112xi32, #tpu.memory_space<vmem>>, vector<16xi32>,
    %swap3A_9 = vector.shape_cast %swap3A_8 : vector<16xi32> to vector<16xi32>
    %swap3A_10 = vector.shape_cast %broadcast_in_dim3A_3 : vector<16xi32> to vector<16xi32>
    tpu.vector_store %arg6[%swap3A_7], %swap3A_10 {strides = array<i32>} : memref<10112xi32, #tpu.memory_space<vmem>>, vector<16xi32>,
    %swap3A_11 = arith.constant 10032 : index
    %swap3A_12 = tpu.vector_load %arg6[%swap3A_11] {strides = array<i32>} : memref<10112xi32, #tpu.memory_space<vmem>>, vector<16xi32>,
    %swap3A_13 = vector.shape_cast %swap3A_12 : vector<16xi32> to vector<16xi32>
    %swap3A_14 = vector.shape_cast %broadcast_in_dim3A_3 : vector<16xi32> to vector<16xi32>
    tpu.vector_store %arg6[%swap3A_11], %swap3A_14 {strides = array<i32>} : memref<10112xi32, #tpu.memory_space<vmem>>, vector<16xi32>,
    %swap3A_15 = arith.constant 10048 : index
    %swap3A_16 = tpu.vector_load %arg6[%swap3A_15] {strides = array<i32>} : memref<10112xi32, #tpu.memory_space<vmem>>, vector<16xi32>,
    %swap3A_17 = vector.shape_cast %swap3A_16 : vector<16xi32> to vector<16xi32>
    %swap3A_18 = vector.shape_cast %broadcast_in_dim3A_3 : vector<16xi32> to vector<16xi32>
    tpu.vector_store %arg6[%swap3A_15], %swap3A_18 {strides = array<i32>} : memref<10112xi32, #tpu.memory_space<vmem>>, vector<16xi32>,
    %swap3A_19 = arith.constant 10064 : index
    %swap3A_20 = tpu.vector_load %arg6[%swap3A_19] {strides = array<i32>} : memref<10112xi32, #tpu.memory_space<vmem>>, vector<16xi32>,
    %swap3A_21 = vector.shape_cast %swap3A_20 : vector<16xi32> to vector<16xi32>
    %swap3A_22 = vector.shape_cast %broadcast_in_dim3A_3 : vector<16xi32> to vector<16xi32>
    tpu.vector_store %arg6[%swap3A_19], %swap3A_22 {strides = array<i32>} : memref<10112xi32, #tpu.memory_space<vmem>>, vector<16xi32>,
    %swap3A_23 = arith.constant 10080 : index
    %swap3A_24 = tpu.vector_load %arg6[%swap3A_23] {strides = array<i32>} : memref<10112xi32, #tpu.memory_space<vmem>>, vector<16xi32>,
    %swap3A_25 = vector.shape_cast %swap3A_24 : vector<16xi32> to vector<16xi32>
    %swap3A_26 = vector.shape_cast %broadcast_in_dim3A_3 : vector<16xi32> to vector<16xi32>
    tpu.vector_store %arg6[%swap3A_23], %swap3A_26 {strides = array<i32>} : memref<10112xi32, #tpu.memory_space<vmem>>, vector<16xi32>,
    %swap3A_27 = arith.constant 10096 : index
    %swap3A_28 = tpu.vector_load %arg6[%swap3A_27] {strides = array<i32>} : memref<10112xi32, #tpu.memory_space<vmem>>, vector<16xi32>,
    %swap3A_29 = vector.shape_cast %swap3A_28 : vector<16xi32> to vector<16xi32>
    %swap3A_30 = vector.shape_cast %broadcast_in_dim3A_3 : vector<16xi32> to vector<16xi32>
    tpu.vector_store %arg6[%swap3A_27], %swap3A_30 {strides = array<i32>} : memref<10112xi32, #tpu.memory_space<vmem>>, vector<16xi32>,
    %mul3A_31 = arith.constant 10000 : i32
    %mul3A_32 = arith.muli %add3A, %mul3A_31 : i32
    %run_scoped3A_33 = arith.constant 1 : i32
    "tpu.region"() ({
      %run_scoped3A_162 = tpu.sem_alloc : memref<!tpu.dma_semaphore, #tpu.memory_space<semaphore_mem>>
      %dma_start3A_163 = arith.constant 0 : i32
      %dma_start3A_164 = tpu.memref_slice %arg7[%dma_start3A_163] : memref<10112xi32, #tpu.memory_space<vmem>> -> memref<10000xi32, #tpu.memory_space<vmem>>
      %dma_start3A_165 = tpu.memref_slice %arg3[%run_scoped3A_33, %mul3A_32] : memref<2x320000xi32, #tpu.memory_space<hbm>> -> memref<1x10000xi32, #tpu.memory_space<hbm>>
      %dma_start3A_166 = tpu.memref_squeeze %dma_start3A_165 : memref<1x10000xi32, #tpu.memory_space<hbm>> -> memref<10000xi32, #tpu.memory_space<hbm>>
      %dma_start3A_167 = arith.constant 0 : i32
      %dma_start3A_168 = tpu.memref_slice %arg7[%dma_start3A_167] : memref<10112xi32, #tpu.memory_space<vmem>> -> memref<10000xi32, #tpu.memory_space<vmem>>
      %dma_start3A_169 = tpu.memref_slice %arg3[%run_scoped3A_33, %mul3A_32] : memref<2x320000xi32, #tpu.memory_space<hbm>> -> memref<1x10000xi32, #tpu.memory_space<hbm>>
      %dma_start3A_170 = tpu.memref_squeeze %dma_start3A_169 : memref<1x10000xi32, #tpu.memory_space<hbm>> -> memref<10000xi32, #tpu.memory_space<hbm>>
      tpu.enqueue_dma source(%dma_start3A_170 : memref<10000xi32, #tpu.memory_space<hbm>>) target(%dma_start3A_168 : memref<10000xi32, #tpu.memory_space<vmem>>) target_semaphore(%run_scoped3A_162 : memref<!tpu.dma_semaphore, #tpu.memory_space<semaphore_mem>>)
      %dma_wait3A_171 = arith.constant 0 : i32
      %dma_wait3A_172 = tpu.memref_slice %arg7[%dma_wait3A_171] : memref<10112xi32, #tpu.memory_space<vmem>> -> memref<10000xi32, #tpu.memory_space<vmem>>
      %dma_wait3A_173 = tpu.memref_slice %arg3[%run_scoped3A_33, %mul3A_32] : memref<2x320000xi32, #tpu.memory_space<hbm>> -> memref<1x10000xi32, #tpu.memory_space<hbm>>
      %dma_wait3A_174 = tpu.memref_squeeze %dma_wait3A_173 : memref<1x10000xi32, #tpu.memory_space<hbm>> -> memref<10000xi32, #tpu.memory_space<hbm>>
      %dma_wait3A_175 = arith.constant 0 : i32
      %dma_wait3A_176 = tpu.memref_slice %arg7[%dma_wait3A_175] : memref<10112xi32, #tpu.memory_space<vmem>> -> memref<10000xi32, #tpu.memory_space<vmem>>
      %dma_wait3A_177 = tpu.memref_slice %arg3[%run_scoped3A_33, %mul3A_32] : memref<2x320000xi32, #tpu.memory_space<hbm>> -> memref<1x10000xi32, #tpu.memory_space<hbm>>
      %dma_wait3A_178 = tpu.memref_squeeze %dma_wait3A_177 : memref<1x10000xi32, #tpu.memory_space<hbm>> -> memref<10000xi32, #tpu.memory_space<hbm>>
      tpu.wait_dma2 semaphore(%run_scoped3A_162 : memref<!tpu.dma_semaphore, #tpu.memory_space<semaphore_mem>>) src(%dma_wait3A_178 : memref<10000xi32, #tpu.memory_space<hbm>>) dst(%dma_wait3A_176 : memref<10000xi32, #tpu.memory_space<vmem>>)
      tpu.yield
    }) : () -> ()
    %broadcast_in_dim3A_34 = arith.constant 10000 : i32
    %broadcast_in_dim3A_35 = vector.broadcast %broadcast_in_dim3A_34 : i32 to vector<16xi32>
    %swap3A_36 = arith.constant 10000 : index
    %swap3A_37 = tpu.vector_load %arg7[%swap3A_36] {strides = array<i32>} : memref<10112xi32, #tpu.memory_space<vmem>>, vector<16xi32>,
    %swap3A_38 = vector.shape_cast %swap3A_37 : vector<16xi32> to vector<16xi32>
    %swap3A_39 = vector.shape_cast %broadcast_in_dim3A_35 : vector<16xi32> to vector<16xi32>
    tpu.vector_store %arg7[%swap3A_36], %swap3A_39 {strides = array<i32>} : memref<10112xi32, #tpu.memory_space<vmem>>, vector<16xi32>,
    %swap3A_40 = arith.constant 10016 : index
    %swap3A_41 = tpu.vector_load %arg7[%swap3A_40] {strides = array<i32>} : memref<10112xi32, #tpu.memory_space<vmem>>, vector<16xi32>,
    %swap3A_42 = vector.shape_cast %swap3A_41 : vector<16xi32> to vector<16xi32>
    %swap3A_43 = vector.shape_cast %broadcast_in_dim3A_35 : vector<16xi32> to vector<16xi32>
    tpu.vector_store %arg7[%swap3A_40], %swap3A_43 {strides = array<i32>} : memref<10112xi32, #tpu.memory_space<vmem>>, vector<16xi32>,
    %swap3A_44 = arith.constant 10032 : index
    %swap3A_45 = tpu.vector_load %arg7[%swap3A_44] {strides = array<i32>} : memref<10112xi32, #tpu.memory_space<vmem>>, vector<16xi32>,
    %swap3A_46 = vector.shape_cast %swap3A_45 : vector<16xi32> to vector<16xi32>
    %swap3A_47 = vector.shape_cast %broadcast_in_dim3A_35 : vector<16xi32> to vector<16xi32>
    tpu.vector_store %arg7[%swap3A_44], %swap3A_47 {strides = array<i32>} : memref<10112xi32, #tpu.memory_space<vmem>>, vector<16xi32>,
    %swap3A_48 = arith.constant 10048 : index
    %swap3A_49 = tpu.vector_load %arg7[%swap3A_48] {strides = array<i32>} : memref<10112xi32, #tpu.memory_space<vmem>>, vector<16xi32>,
    %swap3A_50 = vector.shape_cast %swap3A_49 : vector<16xi32> to vector<16xi32>
    %swap3A_51 = vector.shape_cast %broadcast_in_dim3A_35 : vector<16xi32> to vector<16xi32>
    tpu.vector_store %arg7[%swap3A_48], %swap3A_51 {strides = array<i32>} : memref<10112xi32, #tpu.memory_space<vmem>>, vector<16xi32>,
    %swap3A_52 = arith.constant 10064 : index
    %swap3A_53 = tpu.vector_load %arg7[%swap3A_52] {strides = array<i32>} : memref<10112xi32, #tpu.memory_space<vmem>>, vector<16xi32>,
    %swap3A_54 = vector.shape_cast %swap3A_53 : vector<16xi32> to vector<16xi32>
    %swap3A_55 = vector.shape_cast %broadcast_in_dim3A_35 : vector<16xi32> to vector<16xi32>
    tpu.vector_store %arg7[%swap3A_52], %swap3A_55 {strides = array<i32>} : memref<10112xi32, #tpu.memory_space<vmem>>, vector<16xi32>,
    %swap3A_56 = arith.constant 10080 : index
    %swap3A_57 = tpu.vector_load %arg7[%swap3A_56] {strides = array<i32>} : memref<10112xi32, #tpu.memory_space<vmem>>, vector<16xi32>,
    %swap3A_58 = vector.shape_cast %swap3A_57 : vector<16xi32> to vector<16xi32>
    %swap3A_59 = vector.shape_cast %broadcast_in_dim3A_35 : vector<16xi32> to vector<16xi32>
    tpu.vector_store %arg7[%swap3A_56], %swap3A_59 {strides = array<i32>} : memref<10112xi32, #tpu.memory_space<vmem>>, vector<16xi32>,
    %swap3A_60 = arith.constant 10096 : index
    %swap3A_61 = tpu.vector_load %arg7[%swap3A_60] {strides = array<i32>} : memref<10112xi32, #tpu.memory_space<vmem>>, vector<16xi32>,
    %swap3A_62 = vector.shape_cast %swap3A_61 : vector<16xi32> to vector<16xi32>
    %swap3A_63 = vector.shape_cast %broadcast_in_dim3A_35 : vector<16xi32> to vector<16xi32>
    tpu.vector_store %arg7[%swap3A_60], %swap3A_63 {strides = array<i32>} : memref<10112xi32, #tpu.memory_space<vmem>>, vector<16xi32>,
    %mul3A_64 = arith.constant 632 : i32
    %mul3A_65 = arith.muli %arg1, %mul3A_64 : i32
    %mul3A_66 = arith.constant 632 : i32
    %mul3A_67 = arith.muli %arg1, %mul3A_66 : i32
    "tpu.region"() ({
      %run_scoped3A_162 = tpu.sem_alloc : memref<!tpu.dma_semaphore, #tpu.memory_space<semaphore_mem>>
      %dma_start3A_163 = arith.constant 0 : i32
      %dma_start3A_164 = tpu.memref_slice %arg11[%mul3A_67, %dma_start3A_163] : memref<10112x64xf32, #tpu.memory_space<vmem_shared>> -> memref<632x64xf32, #tpu.memory_space<vmem_shared>>
      %dma_start3A_165 = arith.constant 0 : i32
      %dma_start3A_166 = tpu.memref_slice %arg4[%mul3A_65, %dma_start3A_165] : memref<10112x64xf32, #tpu.memory_space<hbm>> -> memref<632x64xf32, #tpu.memory_space<hbm>>
      tpu.enqueue_dma source(%dma_start3A_166 : memref<632x64xf32, #tpu.memory_space<hbm>>) target(%dma_start3A_164 : memref<632x64xf32, #tpu.memory_space<vmem_shared>>) target_semaphore(%run_scoped3A_162 : memref<!tpu.dma_semaphore, #tpu.memory_space<semaphore_mem>>)
      %dma_wait3A_167 = arith.constant 0 : i32
      %dma_wait3A_168 = tpu.memref_slice %arg11[%mul3A_67, %dma_wait3A_167] : memref<10112x64xf32, #tpu.memory_space<vmem_shared>> -> memref<632x64xf32, #tpu.memory_space<vmem_shared>>
      %dma_wait3A_169 = arith.constant 0 : i32
      %dma_wait3A_170 = tpu.memref_slice %arg4[%mul3A_65, %dma_wait3A_169] : memref<10112x64xf32, #tpu.memory_space<hbm>> -> memref<632x64xf32, #tpu.memory_space<hbm>>
      tpu.wait_dma2 semaphore(%run_scoped3A_162 : memref<!tpu.dma_semaphore, #tpu.memory_space<semaphore_mem>>) src(%dma_wait3A_170 : memref<632x64xf32, #tpu.memory_space<hbm>>) dst(%dma_wait3A_168 : memref<632x64xf32, #tpu.memory_space<vmem_shared>>)
      tpu.yield
    }) : () -> ()
    %mul3A_68 = arith.constant 625 : i32
    %mul3A_69 = arith.muli %arg1, %mul3A_68 : i32
    %mul3A_70 = arith.constant 625 : i32
    %mul3A_71 = arith.muli %arg1, %mul3A_70 : i32
    %run_scoped3A_72 = arith.constant 0 : i32
    "tpu.region"() ({
      %run_scoped3A_162 = tpu.sem_alloc : memref<!tpu.dma_semaphore, #tpu.memory_space<semaphore_mem>>
      %dma_start3A_163 = arith.constant 0 : i32
      %dma_start3A_164 = tpu.memref_slice %arg12[%mul3A_71, %dma_start3A_163] : memref<10000x64xf32, #tpu.memory_space<vmem_shared>> -> memref<625x64xf32, #tpu.memory_space<vmem_shared>>
      %dma_start3A_165 = arith.constant 0 : i32
      %dma_start3A_166 = tpu.memref_slice %arg2[%run_scoped3A_72, %mul3A_69, %dma_start3A_165] : memref<2x10000x64xf32, #tpu.memory_space<hbm>> -> memref<1x625x64xf32, #tpu.memory_space<hbm>>
      %dma_start3A_167 = tpu.memref_squeeze %dma_start3A_166 : memref<1x625x64xf32, #tpu.memory_space<hbm>> -> memref<625x64xf32, #tpu.memory_space<hbm>>
      tpu.enqueue_dma source(%dma_start3A_167 : memref<625x64xf32, #tpu.memory_space<hbm>>) target(%dma_start3A_164 : memref<625x64xf32, #tpu.memory_space<vmem_shared>>) target_semaphore(%run_scoped3A_162 : memref<!tpu.dma_semaphore, #tpu.memory_space<semaphore_mem>>)
      %dma_wait3A_168 = arith.constant 0 : i32
      %dma_wait3A_169 = tpu.memref_slice %arg12[%mul3A_71, %dma_wait3A_168] : memref<10000x64xf32, #tpu.memory_space<vmem_shared>> -> memref<625x64xf32, #tpu.memory_space<vmem_shared>>
      %dma_wait3A_170 = arith.constant 0 : i32
      %dma_wait3A_171 = tpu.memref_slice %arg2[%run_scoped3A_72, %mul3A_69, %dma_wait3A_170] : memref<2x10000x64xf32, #tpu.memory_space<hbm>> -> memref<1x625x64xf32, #tpu.memory_space<hbm>>
      %dma_wait3A_172 = tpu.memref_squeeze %dma_wait3A_171 : memref<1x625x64xf32, #tpu.memory_space<hbm>> -> memref<625x64xf32, #tpu.memory_space<hbm>>
      tpu.wait_dma2 semaphore(%run_scoped3A_162 : memref<!tpu.dma_semaphore, #tpu.memory_space<semaphore_mem>>) src(%dma_wait3A_172 : memref<625x64xf32, #tpu.memory_space<hbm>>) dst(%dma_wait3A_169 : memref<625x64xf32, #tpu.memory_space<vmem_shared>>)
      tpu.yield
    }) : () -> ()
    %barrier3A = arith.constant 0 : index
    tpu.barrier barrier_id(%barrier3A)
    %dma_start3A = arith.constant 0 : i32
    %dma_start3A_73 = tpu.memref_slice %arg6[%dma_start3A] : memref<10112xi32, #tpu.memory_space<vmem>> -> memref<128xi32, #tpu.memory_space<vmem>>
    %dma_start3A_74 = arith.constant 0 : i32
    %dma_start3A_75 = arith.constant 0 : i32
    %dma_start3A_76 = tpu.memref_slice %arg12[%dma_start3A_74, %dma_start3A_75] : memref<10000x64xf32, #tpu.memory_space<vmem_shared>> -> memref<10000x64xf32, #tpu.memory_space<vmem_shared>>
    tpu.enqueue_indirect_dma source(%dma_start3A_76 : memref<10000x64xf32, #tpu.memory_space<vmem_shared>>) target(%arg8 : memref<128x64xf32, #tpu.memory_space<vmem>>) offsets(%dma_start3A_73 : memref<128xi32, #tpu.memory_space<vmem>>) semaphore(%arg13 : memref<!tpu.dma_semaphore, #tpu.memory_space<semaphore_mem>>)
    %dma_start3A_77 = arith.constant 128 : i32
    %dma_start3A_78 = tpu.memref_slice %arg6[%dma_start3A_77] : memref<10112xi32, #tpu.memory_space<vmem>> -> memref<128xi32, #tpu.memory_space<vmem>>
    %dma_start3A_79 = arith.constant 0 : i32
    %dma_start3A_80 = arith.constant 0 : i32
    %dma_start3A_81 = tpu.memref_slice %arg12[%dma_start3A_79, %dma_start3A_80] : memref<10000x64xf32, #tpu.memory_space<vmem_shared>> -> memref<10000x64xf32, #tpu.memory_space<vmem_shared>>
    tpu.enqueue_indirect_dma source(%dma_start3A_81 : memref<10000x64xf32, #tpu.memory_space<vmem_shared>>) target(%arg9 : memref<128x64xf32, #tpu.memory_space<vmem>>) offsets(%dma_start3A_78 : memref<128xi32, #tpu.memory_space<vmem>>) semaphore(%arg14 : memref<!tpu.dma_semaphore, #tpu.memory_space<semaphore_mem>>)
    %scan3A = arith.constant 0 : i32
    %scan3A_82 = arith.constant 26 : i32
    %scan3A_83 = arith.addi %scan3A, %scan3A_82 : i32
    %scan3A_84 = arith.constant 1 : i32
    scf.for %scan3A_162 = %scan3A to %scan3A_83 step %scan3A_84  : i32 {
      %mul3A_163 = arith.constant 3 : i32
      %mul3A_164 = arith.muli %scan3A_162, %mul3A_163 : i32
      %add3A_165 = arith.constant 0 : i32
      %add3A_166 = arith.addi %add3A_165, %mul3A_164 : i32
      %add3A_167 = arith.constant 0 : i32
      %add3A_168 = arith.addi %add3A_166, %add3A_167 : i32
      %dma_wait3A_169 = arith.constant 0 : i32
      %dma_wait3A_170 = tpu.memref_slice %arg6[%dma_wait3A_169] : memref<10112xi32, #tpu.memory_space<vmem>> -> memref<128xi32, #tpu.memory_space<vmem>>
      %dma_wait3A_171 = arith.constant 0 : i32
      %dma_wait3A_172 = arith.constant 0 : i32
      %dma_wait3A_173 = tpu.memref_slice %arg12[%dma_wait3A_171, %dma_wait3A_172] : memref<10000x64xf32, #tpu.memory_space<vmem_shared>> -> memref<10000x64xf32, #tpu.memory_space<vmem_shared>>
      tpu.wait_indirect_dma semaphore(%arg13 : memref<!tpu.dma_semaphore, #tpu.memory_space<semaphore_mem>>) src(%dma_wait3A_173 : memref<10000x64xf32, #tpu.memory_space<vmem_shared>>) dst(%arg8 : memref<128x64xf32, #tpu.memory_space<vmem>>)
      %ge3A = arith.constant 1 : i32
      %ge3A_174 = arith.cmpi sge, %add3A_168, %ge3A : i32
      %convert_element_type3A = arith.extui %ge3A_174 : i1 to i32
      %cond3A = arith.constant 0 : i32
      %cond3A_175 = arith.cmpi ne, %convert_element_type3A, %cond3A : i32
      scf.if %cond3A_175 {
        %dma_wait3A_260 = arith.constant 0 : i32
        %dma_wait3A_261 = tpu.memref_slice %arg7[%dma_wait3A_260] : memref<10112xi32, #tpu.memory_space<vmem>> -> memref<128xi32, #tpu.memory_space<vmem>>
        %dma_wait3A_262 = arith.constant 0 : i32
        %dma_wait3A_263 = arith.constant 0 : i32
        %dma_wait3A_264 = tpu.memref_slice %arg11[%dma_wait3A_262, %dma_wait3A_263] : memref<10112x64xf32, #tpu.memory_space<vmem_shared>> -> memref<10112x64xf32, #tpu.memory_space<vmem_shared>>
        tpu.wait_indirect_dma semaphore(%arg18 : memref<!tpu.dma_semaphore, #tpu.memory_space<semaphore_mem>>) src(%arg10 : memref<128x64xf32, #tpu.memory_space<vmem>>) dst(%dma_wait3A_264 : memref<10112x64xf32, #tpu.memory_space<vmem_shared>>)
      } else {
      }
      %mul3A_176 = arith.constant 128 : i32
      %mul3A_177 = arith.muli %add3A_168, %mul3A_176 : i32
      %dma_start3A_178 = tpu.memref_slice %arg7[%mul3A_177] : memref<10112xi32, #tpu.memory_space<vmem>> -> memref<128xi32, #tpu.memory_space<vmem>>
      %dma_start3A_179 = arith.constant 0 : i32
      %dma_start3A_180 = arith.constant 0 : i32
      %dma_start3A_181 = tpu.memref_slice %arg11[%dma_start3A_179, %dma_start3A_180] : memref<10112x64xf32, #tpu.memory_space<vmem_shared>> -> memref<10112x64xf32, #tpu.memory_space<vmem_shared>>
      tpu.enqueue_indirect_dma source(%arg8 : memref<128x64xf32, #tpu.memory_space<vmem>>) target(%dma_start3A_181 : memref<10112x64xf32, #tpu.memory_space<vmem_shared>>) offsets(%dma_start3A_178 : memref<128xi32, #tpu.memory_space<vmem>>) semaphore(%arg16 : memref<!tpu.dma_semaphore, #tpu.memory_space<semaphore_mem>>) {add = true}
      %eq3A = arith.constant 0 : i32
      %eq3A_182 = arith.cmpi eq, %add3A_168, %eq3A : i32
      %convert_element_type3A_183 = arith.extui %eq3A_182 : i1 to i32
      %cond3A_184 = arith.constant 0 : i32
      %cond3A_185 = arith.cmpi ne, %convert_element_type3A_183, %cond3A_184 : i32
      scf.if %cond3A_185 {
        %dma_start3A_260 = arith.constant 256 : i32
        %dma_start3A_261 = tpu.memref_slice %arg6[%dma_start3A_260] : memref<10112xi32, #tpu.memory_space<vmem>> -> memref<128xi32, #tpu.memory_space<vmem>>
        %dma_start3A_262 = arith.constant 0 : i32
        %dma_start3A_263 = arith.constant 0 : i32
        %dma_start3A_264 = tpu.memref_slice %arg12[%dma_start3A_262, %dma_start3A_263] : memref<10000x64xf32, #tpu.memory_space<vmem_shared>> -> memref<10000x64xf32, #tpu.memory_space<vmem_shared>>
        tpu.enqueue_indirect_dma source(%dma_start3A_264 : memref<10000x64xf32, #tpu.memory_space<vmem_shared>>) target(%arg10 : memref<128x64xf32, #tpu.memory_space<vmem>>) offsets(%dma_start3A_261 : memref<128xi32, #tpu.memory_space<vmem>>) semaphore(%arg15 : memref<!tpu.dma_semaphore, #tpu.memory_space<semaphore_mem>>)
      } else {
      }
      %ge3A_186 = arith.constant 1 : i32
      %ge3A_187 = arith.cmpi sge, %add3A_168, %ge3A_186 : i32
      %add3A_188 = arith.constant 2 : i32
      %add3A_189 = arith.addi %add3A_168, %add3A_188 : i32
      %lt3A = arith.constant 79 : i32
      %lt3A_190 = arith.cmpi slt, %add3A_189, %lt3A : i32
      %and3A = arith.andi %ge3A_187, %lt3A_190 : i1
      %convert_element_type3A_191 = arith.extui %and3A : i1 to i32
      %cond3A_192 = arith.constant 0 : i32
      %cond3A_193 = arith.cmpi ne, %convert_element_type3A_191, %cond3A_192 : i32
      scf.if %cond3A_193 {
        %add3A_260 = arith.constant 2 : i32
        %add3A_261 = arith.addi %add3A_168, %add3A_260 : i32
        %mul3A_262 = arith.constant 128 : i32
        %mul3A_263 = arith.muli %add3A_261, %mul3A_262 : i32
        %dma_start3A_264 = tpu.memref_slice %arg6[%mul3A_263] : memref<10112xi32, #tpu.memory_space<vmem>> -> memref<128xi32, #tpu.memory_space<vmem>>
        %dma_start3A_265 = arith.constant 0 : i32
        %dma_start3A_266 = arith.constant 0 : i32
        %dma_start3A_267 = tpu.memref_slice %arg12[%dma_start3A_265, %dma_start3A_266] : memref<10000x64xf32, #tpu.memory_space<vmem_shared>> -> memref<10000x64xf32, #tpu.memory_space<vmem_shared>>
        tpu.enqueue_indirect_dma source(%dma_start3A_267 : memref<10000x64xf32, #tpu.memory_space<vmem_shared>>) target(%arg10 : memref<128x64xf32, #tpu.memory_space<vmem>>) offsets(%dma_start3A_264 : memref<128xi32, #tpu.memory_space<vmem>>) semaphore(%arg15 : memref<!tpu.dma_semaphore, #tpu.memory_space<semaphore_mem>>)
      } else {
      }
      %add3A_194 = arith.constant 1 : i32
      %add3A_195 = arith.addi %add3A_166, %add3A_194 : i32
      %dma_wait3A_196 = arith.constant 0 : i32
      %dma_wait3A_197 = tpu.memref_slice %arg6[%dma_wait3A_196] : memref<10112xi32, #tpu.memory_space<vmem>> -> memref<128xi32, #tpu.memory_space<vmem>>
      %dma_wait3A_198 = arith.constant 0 : i32
      %dma_wait3A_199 = arith.constant 0 : i32
      %dma_wait3A_200 = tpu.memref_slice %arg12[%dma_wait3A_198, %dma_wait3A_199] : memref<10000x64xf32, #tpu.memory_space<vmem_shared>> -> memref<10000x64xf32, #tpu.memory_space<vmem_shared>>
      tpu.wait_indirect_dma semaphore(%arg14 : memref<!tpu.dma_semaphore, #tpu.memory_space<semaphore_mem>>) src(%dma_wait3A_200 : memref<10000x64xf32, #tpu.memory_space<vmem_shared>>) dst(%arg9 : memref<128x64xf32, #tpu.memory_space<vmem>>)
      %ge3A_201 = arith.constant 1 : i32
      %ge3A_202 = arith.cmpi sge, %add3A_195, %ge3A_201 : i32
      %convert_element_type3A_203 = arith.extui %ge3A_202 : i1 to i32
      %cond3A_204 = arith.constant 0 : i32
      %cond3A_205 = arith.cmpi ne, %convert_element_type3A_203, %cond3A_204 : i32
      scf.if %cond3A_205 {
        %dma_wait3A_260 = arith.constant 0 : i32
        %dma_wait3A_261 = tpu.memref_slice %arg7[%dma_wait3A_260] : memref<10112xi32, #tpu.memory_space<vmem>> -> memref<128xi32, #tpu.memory_space<vmem>>
        %dma_wait3A_262 = arith.constant 0 : i32
        %dma_wait3A_263 = arith.constant 0 : i32
        %dma_wait3A_264 = tpu.memref_slice %arg11[%dma_wait3A_262, %dma_wait3A_263] : memref<10112x64xf32, #tpu.memory_space<vmem_shared>> -> memref<10112x64xf32, #tpu.memory_space<vmem_shared>>
        tpu.wait_indirect_dma semaphore(%arg16 : memref<!tpu.dma_semaphore, #tpu.memory_space<semaphore_mem>>) src(%arg8 : memref<128x64xf32, #tpu.memory_space<vmem>>) dst(%dma_wait3A_264 : memref<10112x64xf32, #tpu.memory_space<vmem_shared>>)
      } else {
      }
      %mul3A_206 = arith.constant 128 : i32
      %mul3A_207 = arith.muli %add3A_195, %mul3A_206 : i32
      %dma_start3A_208 = tpu.memref_slice %arg7[%mul3A_207] : memref<10112xi32, #tpu.memory_space<vmem>> -> memref<128xi32, #tpu.memory_space<vmem>>
      %dma_start3A_209 = arith.constant 0 : i32
      %dma_start3A_210 = arith.constant 0 : i32
      %dma_start3A_211 = tpu.memref_slice %arg11[%dma_start3A_209, %dma_start3A_210] : memref<10112x64xf32, #tpu.memory_space<vmem_shared>> -> memref<10112x64xf32, #tpu.memory_space<vmem_shared>>
      tpu.enqueue_indirect_dma source(%arg9 : memref<128x64xf32, #tpu.memory_space<vmem>>) target(%dma_start3A_211 : memref<10112x64xf32, #tpu.memory_space<vmem_shared>>) offsets(%dma_start3A_208 : memref<128xi32, #tpu.memory_space<vmem>>) semaphore(%arg17 : memref<!tpu.dma_semaphore, #tpu.memory_space<semaphore_mem>>) {add = true}
      %eq3A_212 = arith.constant 0 : i32
      %eq3A_213 = arith.cmpi eq, %add3A_195, %eq3A_212 : i32
      %convert_element_type3A_214 = arith.extui %eq3A_213 : i1 to i32
      %cond3A_215 = arith.constant 0 : i32
      %cond3A_216 = arith.cmpi ne, %convert_element_type3A_214, %cond3A_215 : i32
      scf.if %cond3A_216 {
        %dma_start3A_260 = arith.constant 256 : i32
        %dma_start3A_261 = tpu.memref_slice %arg6[%dma_start3A_260] : memref<10112xi32, #tpu.memory_space<vmem>> -> memref<128xi32, #tpu.memory_space<vmem>>
        %dma_start3A_262 = arith.constant 0 : i32
        %dma_start3A_263 = arith.constant 0 : i32
        %dma_start3A_264 = tpu.memref_slice %arg12[%dma_start3A_262, %dma_start3A_263] : memref<10000x64xf32, #tpu.memory_space<vmem_shared>> -> memref<10000x64xf32, #tpu.memory_space<vmem_shared>>
        tpu.enqueue_indirect_dma source(%dma_start3A_264 : memref<10000x64xf32, #tpu.memory_space<vmem_shared>>) target(%arg10 : memref<128x64xf32, #tpu.memory_space<vmem>>) offsets(%dma_start3A_261 : memref<128xi32, #tpu.memory_space<vmem>>) semaphore(%arg15 : memref<!tpu.dma_semaphore, #tpu.memory_space<semaphore_mem>>)
      } else {
      }
      %ge3A_217 = arith.constant 1 : i32
      %ge3A_218 = arith.cmpi sge, %add3A_195, %ge3A_217 : i32
      %add3A_219 = arith.constant 2 : i32
      %add3A_220 = arith.addi %add3A_195, %add3A_219 : i32
      %lt3A_221 = arith.constant 79 : i32
      %lt3A_222 = arith.cmpi slt, %add3A_220, %lt3A_221 : i32
      %and3A_223 = arith.andi %ge3A_218, %lt3A_222 : i1
      %convert_element_type3A_224 = arith.extui %and3A_223 : i1 to i32
      %cond3A_225 = arith.constant 0 : i32
      %cond3A_226 = arith.cmpi ne, %convert_element_type3A_224, %cond3A_225 : i32
      scf.if %cond3A_226 {
        %add3A_260 = arith.constant 2 : i32
        %add3A_261 = arith.addi %add3A_195, %add3A_260 : i32
        %mul3A_262 = arith.constant 128 : i32
        %mul3A_263 = arith.muli %add3A_261, %mul3A_262 : i32
        %dma_start3A_264 = tpu.memref_slice %arg6[%mul3A_263] : memref<10112xi32, #tpu.memory_space<vmem>> -> memref<128xi32, #tpu.memory_space<vmem>>
        %dma_start3A_265 = arith.constant 0 : i32
        %dma_start3A_266 = arith.constant 0 : i32
        %dma_start3A_267 = tpu.memref_slice %arg12[%dma_start3A_265, %dma_start3A_266] : memref<10000x64xf32, #tpu.memory_space<vmem_shared>> -> memref<10000x64xf32, #tpu.memory_space<vmem_shared>>
        tpu.enqueue_indirect_dma source(%dma_start3A_267 : memref<10000x64xf32, #tpu.memory_space<vmem_shared>>) target(%arg8 : memref<128x64xf32, #tpu.memory_space<vmem>>) offsets(%dma_start3A_264 : memref<128xi32, #tpu.memory_space<vmem>>) semaphore(%arg13 : memref<!tpu.dma_semaphore, #tpu.memory_space<semaphore_mem>>)
      } else {
      }
      %add3A_227 = arith.constant 2 : i32
      %add3A_228 = arith.addi %add3A_166, %add3A_227 : i32
      %dma_wait3A_229 = arith.constant 0 : i32
      %dma_wait3A_230 = tpu.memref_slice %arg6[%dma_wait3A_229] : memref<10112xi32, #tpu.memory_space<vmem>> -> memref<128xi32, #tpu.memory_space<vmem>>
      %dma_wait3A_231 = arith.constant 0 : i32
      %dma_wait3A_232 = arith.constant 0 : i32
      %dma_wait3A_233 = tpu.memref_slice %arg12[%dma_wait3A_231, %dma_wait3A_232] : memref<10000x64xf32, #tpu.memory_space<vmem_shared>> -> memref<10000x64xf32, #tpu.memory_space<vmem_shared>>
      tpu.wait_indirect_dma semaphore(%arg15 : memref<!tpu.dma_semaphore, #tpu.memory_space<semaphore_mem>>) src(%dma_wait3A_233 : memref<10000x64xf32, #tpu.memory_space<vmem_shared>>) dst(%arg10 : memref<128x64xf32, #tpu.memory_space<vmem>>)
      %ge3A_234 = arith.constant 1 : i32
      %ge3A_235 = arith.cmpi sge, %add3A_228, %ge3A_234 : i32
      %convert_element_type3A_236 = arith.extui %ge3A_235 : i1 to i32
      %cond3A_237 = arith.constant 0 : i32
      %cond3A_238 = arith.cmpi ne, %convert_element_type3A_236, %cond3A_237 : i32
      scf.if %cond3A_238 {
        %dma_wait3A_260 = arith.constant 0 : i32
        %dma_wait3A_261 = tpu.memref_slice %arg7[%dma_wait3A_260] : memref<10112xi32, #tpu.memory_space<vmem>> -> memref<128xi32, #tpu.memory_space<vmem>>
        %dma_wait3A_262 = arith.constant 0 : i32
        %dma_wait3A_263 = arith.constant 0 : i32
        %dma_wait3A_264 = tpu.memref_slice %arg11[%dma_wait3A_262, %dma_wait3A_263] : memref<10112x64xf32, #tpu.memory_space<vmem_shared>> -> memref<10112x64xf32, #tpu.memory_space<vmem_shared>>
        tpu.wait_indirect_dma semaphore(%arg17 : memref<!tpu.dma_semaphore, #tpu.memory_space<semaphore_mem>>) src(%arg9 : memref<128x64xf32, #tpu.memory_space<vmem>>) dst(%dma_wait3A_264 : memref<10112x64xf32, #tpu.memory_space<vmem_shared>>)
      } else {
      }
      %mul3A_239 = arith.constant 128 : i32
      %mul3A_240 = arith.muli %add3A_228, %mul3A_239 : i32
      %dma_start3A_241 = tpu.memref_slice %arg7[%mul3A_240] : memref<10112xi32, #tpu.memory_space<vmem>> -> memref<128xi32, #tpu.memory_space<vmem>>
      %dma_start3A_242 = arith.constant 0 : i32
      %dma_start3A_243 = arith.constant 0 : i32
      %dma_start3A_244 = tpu.memref_slice %arg11[%dma_start3A_242, %dma_start3A_243] : memref<10112x64xf32, #tpu.memory_space<vmem_shared>> -> memref<10112x64xf32, #tpu.memory_space<vmem_shared>>
      tpu.enqueue_indirect_dma source(%arg10 : memref<128x64xf32, #tpu.memory_space<vmem>>) target(%dma_start3A_244 : memref<10112x64xf32, #tpu.memory_space<vmem_shared>>) offsets(%dma_start3A_241 : memref<128xi32, #tpu.memory_space<vmem>>) semaphore(%arg18 : memref<!tpu.dma_semaphore, #tpu.memory_space<semaphore_mem>>) {add = true}
      %eq3A_245 = arith.constant 0 : i32
      %eq3A_246 = arith.cmpi eq, %add3A_228, %eq3A_245 : i32
      %convert_element_type3A_247 = arith.extui %eq3A_246 : i1 to i32
      %cond3A_248 = arith.constant 0 : i32
      %cond3A_249 = arith.cmpi ne, %convert_element_type3A_247, %cond3A_248 : i32
      scf.if %cond3A_249 {
        %dma_start3A_260 = arith.constant 256 : i32
        %dma_start3A_261 = tpu.memref_slice %arg6[%dma_start3A_260] : memref<10112xi32, #tpu.memory_space<vmem>> -> memref<128xi32, #tpu.memory_space<vmem>>
        %dma_start3A_262 = arith.constant 0 : i32
        %dma_start3A_263 = arith.constant 0 : i32
        %dma_start3A_264 = tpu.memref_slice %arg12[%dma_start3A_262, %dma_start3A_263] : memref<10000x64xf32, #tpu.memory_space<vmem_shared>> -> memref<10000x64xf32, #tpu.memory_space<vmem_shared>>
        tpu.enqueue_indirect_dma source(%dma_start3A_264 : memref<10000x64xf32, #tpu.memory_space<vmem_shared>>) target(%arg10 : memref<128x64xf32, #tpu.memory_space<vmem>>) offsets(%dma_start3A_261 : memref<128xi32, #tpu.memory_space<vmem>>) semaphore(%arg15 : memref<!tpu.dma_semaphore, #tpu.memory_space<semaphore_mem>>)
      } else {
      }
      %ge3A_250 = arith.constant 1 : i32
      %ge3A_251 = arith.cmpi sge, %add3A_228, %ge3A_250 : i32
      %add3A_252 = arith.constant 2 : i32
      %add3A_253 = arith.addi %add3A_228, %add3A_252 : i32
      %lt3A_254 = arith.constant 79 : i32
      %lt3A_255 = arith.cmpi slt, %add3A_253, %lt3A_254 : i32
      %and3A_256 = arith.andi %ge3A_251, %lt3A_255 : i1
      %convert_element_type3A_257 = arith.extui %and3A_256 : i1 to i32
      %cond3A_258 = arith.constant 0 : i32
      %cond3A_259 = arith.cmpi ne, %convert_element_type3A_257, %cond3A_258 : i32
      scf.if %cond3A_259 {
        %add3A_260 = arith.constant 2 : i32
        %add3A_261 = arith.addi %add3A_228, %add3A_260 : i32
        %mul3A_262 = arith.constant 128 : i32
        %mul3A_263 = arith.muli %add3A_261, %mul3A_262 : i32
        %dma_start3A_264 = tpu.memref_slice %arg6[%mul3A_263] : memref<10112xi32, #tpu.memory_space<vmem>> -> memref<128xi32, #tpu.memory_space<vmem>>
        %dma_start3A_265 = arith.constant 0 : i32
        %dma_start3A_266 = arith.constant 0 : i32
        %dma_start3A_267 = tpu.memref_slice %arg12[%dma_start3A_265, %dma_start3A_266] : memref<10000x64xf32, #tpu.memory_space<vmem_shared>> -> memref<10000x64xf32, #tpu.memory_space<vmem_shared>>
        tpu.enqueue_indirect_dma source(%dma_start3A_267 : memref<10000x64xf32, #tpu.memory_space<vmem_shared>>) target(%arg9 : memref<128x64xf32, #tpu.memory_space<vmem>>) offsets(%dma_start3A_264 : memref<128xi32, #tpu.memory_space<vmem>>) semaphore(%arg14 : memref<!tpu.dma_semaphore, #tpu.memory_space<semaphore_mem>>)
      } else {
      }
    }
    %scan3A_85 = arith.constant 26 : i32
    %dma_wait3A = arith.constant 0 : i32
    %dma_wait3A_86 = tpu.memref_slice %arg6[%dma_wait3A] : memref<10112xi32, #tpu.memory_space<vmem>> -> memref<128xi32, #tpu.memory_space<vmem>>
    %dma_wait3A_87 = arith.constant 0 : i32
    %dma_wait3A_88 = arith.constant 0 : i32
    %dma_wait3A_89 = tpu.memref_slice %arg12[%dma_wait3A_87, %dma_wait3A_88] : memref<10000x64xf32, #tpu.memory_space<vmem_shared>> -> memref<10000x64xf32, #tpu.memory_space<vmem_shared>>
    tpu.wait_indirect_dma semaphore(%arg13 : memref<!tpu.dma_semaphore, #tpu.memory_space<semaphore_mem>>) src(%dma_wait3A_89 : memref<10000x64xf32, #tpu.memory_space<vmem_shared>>) dst(%arg8 : memref<128x64xf32, #tpu.memory_space<vmem>>)
    %dma_wait3A_90 = arith.constant 0 : i32
    %dma_wait3A_91 = tpu.memref_slice %arg7[%dma_wait3A_90] : memref<10112xi32, #tpu.memory_space<vmem>> -> memref<128xi32, #tpu.memory_space<vmem>>
    %dma_wait3A_92 = arith.constant 0 : i32
    %dma_wait3A_93 = arith.constant 0 : i32
    %dma_wait3A_94 = tpu.memref_slice %arg11[%dma_wait3A_92, %dma_wait3A_93] : memref<10112x64xf32, #tpu.memory_space<vmem_shared>> -> memref<10112x64xf32, #tpu.memory_space<vmem_shared>>
    tpu.wait_indirect_dma semaphore(%arg18 : memref<!tpu.dma_semaphore, #tpu.memory_space<semaphore_mem>>) src(%arg10 : memref<128x64xf32, #tpu.memory_space<vmem>>) dst(%dma_wait3A_94 : memref<10112x64xf32, #tpu.memory_space<vmem_shared>>)
    %dma_start3A_95 = arith.constant 9984 : i32
    %dma_start3A_96 = tpu.memref_slice %arg7[%dma_start3A_95] : memref<10112xi32, #tpu.memory_space<vmem>> -> memref<128xi32, #tpu.memory_space<vmem>>
    %dma_start3A_97 = arith.constant 0 : i32
    %dma_start3A_98 = arith.constant 0 : i32
    %dma_start3A_99 = tpu.memref_slice %arg11[%dma_start3A_97, %dma_start3A_98] : memref<10112x64xf32, #tpu.memory_space<vmem_shared>> -> memref<10112x64xf32, #tpu.memory_space<vmem_shared>>
    tpu.enqueue_indirect_dma source(%arg8 : memref<128x64xf32, #tpu.memory_space<vmem>>) target(%dma_start3A_99 : memref<10112x64xf32, #tpu.memory_space<vmem_shared>>) offsets(%dma_start3A_96 : memref<128xi32, #tpu.memory_space<vmem>>) semaphore(%arg16 : memref<!tpu.dma_semaphore, #tpu.memory_space<semaphore_mem>>) {add = true}
    %dma_wait3A_100 = arith.constant 0 : i32
    %dma_wait3A_101 = tpu.memref_slice %arg7[%dma_wait3A_100] : memref<10112xi32, #tpu.memory_space<vmem>> -> memref<128xi32, #tpu.memory_space<vmem>>
    %dma_wait3A_102 = arith.constant 0 : i32
    %dma_wait3A_103 = arith.constant 0 : i32
    %dma_wait3A_104 = tpu.memref_slice %arg11[%dma_wait3A_102, %dma_wait3A_103] : memref<10112x64xf32, #tpu.memory_space<vmem_shared>> -> memref<10112x64xf32, #tpu.memory_space<vmem_shared>>
    tpu.wait_indirect_dma semaphore(%arg16 : memref<!tpu.dma_semaphore, #tpu.memory_space<semaphore_mem>>) src(%arg8 : memref<128x64xf32, #tpu.memory_space<vmem>>) dst(%dma_wait3A_104 : memref<10112x64xf32, #tpu.memory_space<vmem_shared>>)
    %barrier3A_105 = arith.constant 0 : index
    tpu.barrier barrier_id(%barrier3A_105)
    %mul3A_106 = arith.constant 632 : i32
    %mul3A_107 = arith.muli %arg1, %mul3A_106 : i32
    %mul3A_108 = arith.constant 632 : i32
    %mul3A_109 = arith.muli %arg1, %mul3A_108 : i32
    %run_scoped3A_110 = arith.constant 0 : i32
    "tpu.region"() ({
      %run_scoped3A_162 = tpu.sem_alloc : memref<!tpu.dma_semaphore, #tpu.memory_space<semaphore_mem>>
      %dma_start3A_163 = arith.constant 0 : i32
      %dma_start3A_164 = tpu.memref_slice %arg5[%run_scoped3A_110, %arg0, %mul3A_109, %dma_start3A_163] : memref<2x2x10112x64xf32, #tpu.memory_space<hbm>> -> memref<1x1x632x64xf32, #tpu.memory_space<hbm>>
      %dma_start3A_165 = tpu.memref_squeeze %dma_start3A_164 : memref<1x1x632x64xf32, #tpu.memory_space<hbm>> -> memref<632x64xf32, #tpu.memory_space<hbm>>
      %dma_start3A_166 = arith.constant 0 : i32
      %dma_start3A_167 = tpu.memref_slice %arg11[%mul3A_107, %dma_start3A_166] : memref<10112x64xf32, #tpu.memory_space<vmem_shared>> -> memref<632x64xf32, #tpu.memory_space<vmem_shared>>
      tpu.enqueue_dma source(%dma_start3A_167 : memref<632x64xf32, #tpu.memory_space<vmem_shared>>) target(%dma_start3A_165 : memref<632x64xf32, #tpu.memory_space<hbm>>) target_semaphore(%run_scoped3A_162 : memref<!tpu.dma_semaphore, #tpu.memory_space<semaphore_mem>>)
      %dma_wait3A_168 = arith.constant 0 : i32
      %dma_wait3A_169 = tpu.memref_slice %arg5[%run_scoped3A_110, %arg0, %mul3A_109, %dma_wait3A_168] : memref<2x2x10112x64xf32, #tpu.memory_space<hbm>> -> memref<1x1x632x64xf32, #tpu.memory_space<hbm>>
      %dma_wait3A_170 = tpu.memref_squeeze %dma_wait3A_169 : memref<1x1x632x64xf32, #tpu.memory_space<hbm>> -> memref<632x64xf32, #tpu.memory_space<hbm>>
      %dma_wait3A_171 = arith.constant 0 : i32
      %dma_wait3A_172 = tpu.memref_slice %arg11[%mul3A_107, %dma_wait3A_171] : memref<10112x64xf32, #tpu.memory_space<vmem_shared>> -> memref<632x64xf32, #tpu.memory_space<vmem_shared>>
      tpu.wait_dma2 semaphore(%run_scoped3A_162 : memref<!tpu.dma_semaphore, #tpu.memory_space<semaphore_mem>>) src(%dma_wait3A_172 : memref<632x64xf32, #tpu.memory_space<vmem_shared>>) dst(%dma_wait3A_170 : memref<632x64xf32, #tpu.memory_space<hbm>>)
      tpu.yield
    }) : () -> ()
    %mul3A_111 = arith.constant 632 : i32
    %mul3A_112 = arith.muli %arg1, %mul3A_111 : i32
    %mul3A_113 = arith.constant 632 : i32
    %mul3A_114 = arith.muli %arg1, %mul3A_113 : i32
    "tpu.region"() ({
      %run_scoped3A_162 = tpu.sem_alloc : memref<!tpu.dma_semaphore, #tpu.memory_space<semaphore_mem>>
      %dma_start3A_163 = arith.constant 0 : i32
      %dma_start3A_164 = tpu.memref_slice %arg11[%mul3A_114, %dma_start3A_163] : memref<10112x64xf32, #tpu.memory_space<vmem_shared>> -> memref<632x64xf32, #tpu.memory_space<vmem_shared>>
      %dma_start3A_165 = arith.constant 0 : i32
      %dma_start3A_166 = tpu.memref_slice %arg4[%mul3A_112, %dma_start3A_165] : memref<10112x64xf32, #tpu.memory_space<hbm>> -> memref<632x64xf32, #tpu.memory_space<hbm>>
      tpu.enqueue_dma source(%dma_start3A_166 : memref<632x64xf32, #tpu.memory_space<hbm>>) target(%dma_start3A_164 : memref<632x64xf32, #tpu.memory_space<vmem_shared>>) target_semaphore(%run_scoped3A_162 : memref<!tpu.dma_semaphore, #tpu.memory_space<semaphore_mem>>)
      %dma_wait3A_167 = arith.constant 0 : i32
      %dma_wait3A_168 = tpu.memref_slice %arg11[%mul3A_114, %dma_wait3A_167] : memref<10112x64xf32, #tpu.memory_space<vmem_shared>> -> memref<632x64xf32, #tpu.memory_space<vmem_shared>>
      %dma_wait3A_169 = arith.constant 0 : i32
      %dma_wait3A_170 = tpu.memref_slice %arg4[%mul3A_112, %dma_wait3A_169] : memref<10112x64xf32, #tpu.memory_space<hbm>> -> memref<632x64xf32, #tpu.memory_space<hbm>>
      tpu.wait_dma2 semaphore(%run_scoped3A_162 : memref<!tpu.dma_semaphore, #tpu.memory_space<semaphore_mem>>) src(%dma_wait3A_170 : memref<632x64xf32, #tpu.memory_space<hbm>>) dst(%dma_wait3A_168 : memref<632x64xf32, #tpu.memory_space<vmem_shared>>)
      tpu.yield
    }) : () -> ()
    %mul3A_115 = arith.constant 625 : i32
    %mul3A_116 = arith.muli %arg1, %mul3A_115 : i32
    %mul3A_117 = arith.constant 625 : i32
    %mul3A_118 = arith.muli %arg1, %mul3A_117 : i32
    %run_scoped3A_119 = arith.constant 1 : i32
    "tpu.region"() ({
      %run_scoped3A_162 = tpu.sem_alloc : memref<!tpu.dma_semaphore, #tpu.memory_space<semaphore_mem>>
      %dma_start3A_163 = arith.constant 0 : i32
      %dma_start3A_164 = tpu.memref_slice %arg12[%mul3A_118, %dma_start3A_163] : memref<10000x64xf32, #tpu.memory_space<vmem_shared>> -> memref<625x64xf32, #tpu.memory_space<vmem_shared>>
      %dma_start3A_165 = arith.constant 0 : i32
      %dma_start3A_166 = tpu.memref_slice %arg2[%run_scoped3A_119, %mul3A_116, %dma_start3A_165] : memref<2x10000x64xf32, #tpu.memory_space<hbm>> -> memref<1x625x64xf32, #tpu.memory_space<hbm>>
      %dma_start3A_167 = tpu.memref_squeeze %dma_start3A_166 : memref<1x625x64xf32, #tpu.memory_space<hbm>> -> memref<625x64xf32, #tpu.memory_space<hbm>>
      tpu.enqueue_dma source(%dma_start3A_167 : memref<625x64xf32, #tpu.memory_space<hbm>>) target(%dma_start3A_164 : memref<625x64xf32, #tpu.memory_space<vmem_shared>>) target_semaphore(%run_scoped3A_162 : memref<!tpu.dma_semaphore, #tpu.memory_space<semaphore_mem>>)
      %dma_wait3A_168 = arith.constant 0 : i32
      %dma_wait3A_169 = tpu.memref_slice %arg12[%mul3A_118, %dma_wait3A_168] : memref<10000x64xf32, #tpu.memory_space<vmem_shared>> -> memref<625x64xf32, #tpu.memory_space<vmem_shared>>
      %dma_wait3A_170 = arith.constant 0 : i32
      %dma_wait3A_171 = tpu.memref_slice %arg2[%run_scoped3A_119, %mul3A_116, %dma_wait3A_170] : memref<2x10000x64xf32, #tpu.memory_space<hbm>> -> memref<1x625x64xf32, #tpu.memory_space<hbm>>
      %dma_wait3A_172 = tpu.memref_squeeze %dma_wait3A_171 : memref<1x625x64xf32, #tpu.memory_space<hbm>> -> memref<625x64xf32, #tpu.memory_space<hbm>>
      tpu.wait_dma2 semaphore(%run_scoped3A_162 : memref<!tpu.dma_semaphore, #tpu.memory_space<semaphore_mem>>) src(%dma_wait3A_172 : memref<625x64xf32, #tpu.memory_space<hbm>>) dst(%dma_wait3A_169 : memref<625x64xf32, #tpu.memory_space<vmem_shared>>)
      tpu.yield
    }) : () -> ()
    %barrier3A_120 = arith.constant 0 : index
    tpu.barrier barrier_id(%barrier3A_120)
    %dma_start3A_121 = arith.constant 0 : i32
    %dma_start3A_122 = tpu.memref_slice %arg6[%dma_start3A_121] : memref<10112xi32, #tpu.memory_space<vmem>> -> memref<128xi32, #tpu.memory_space<vmem>>
    %dma_start3A_123 = arith.constant 0 : i32
    %dma_start3A_124 = arith.constant 0 : i32
    %dma_start3A_125 = tpu.memref_slice %arg12[%dma_start3A_123, %dma_start3A_124] : memref<10000x64xf32, #tpu.memory_space<vmem_shared>> -> memref<10000x64xf32, #tpu.memory_space<vmem_shared>>
    tpu.enqueue_indirect_dma source(%dma_start3A_125 : memref<10000x64xf32, #tpu.memory_space<vmem_shared>>) target(%arg8 : memref<128x64xf32, #tpu.memory_space<vmem>>) offsets(%dma_start3A_122 : memref<128xi32, #tpu.memory_space<vmem>>) semaphore(%arg13 : memref<!tpu.dma_semaphore, #tpu.memory_space<semaphore_mem>>)
    %dma_start3A_126 = arith.constant 128 : i32
    %dma_start3A_127 = tpu.memref_slice %arg6[%dma_start3A_126] : memref<10112xi32, #tpu.memory_space<vmem>> -> memref<128xi32, #tpu.memory_space<vmem>>
    %dma_start3A_128 = arith.constant 0 : i32
    %dma_start3A_129 = arith.constant 0 : i32
    %dma_start3A_130 = tpu.memref_slice %arg12[%dma_start3A_128, %dma_start3A_129] : memref<10000x64xf32, #tpu.memory_space<vmem_shared>> -> memref<10000x64xf32, #tpu.memory_space<vmem_shared>>
    tpu.enqueue_indirect_dma source(%dma_start3A_130 : memref<10000x64xf32, #tpu.memory_space<vmem_shared>>) target(%arg9 : memref<128x64xf32, #tpu.memory_space<vmem>>) offsets(%dma_start3A_127 : memref<128xi32, #tpu.memory_space<vmem>>) semaphore(%arg14 : memref<!tpu.dma_semaphore, #tpu.memory_space<semaphore_mem>>)
    %scan3A_131 = arith.constant 0 : i32
    %scan3A_132 = arith.constant 26 : i32
    %scan3A_133 = arith.addi %scan3A_131, %scan3A_132 : i32
    %scan3A_134 = arith.constant 1 : i32
    scf.for %scan3A_162 = %scan3A_131 to %scan3A_133 step %scan3A_134  : i32 {
      %mul3A_163 = arith.constant 3 : i32
      %mul3A_164 = arith.muli %scan3A_162, %mul3A_163 : i32
      %add3A_165 = arith.constant 0 : i32
      %add3A_166 = arith.addi %add3A_165, %mul3A_164 : i32
      %add3A_167 = arith.constant 0 : i32
      %add3A_168 = arith.addi %add3A_166, %add3A_167 : i32
      %dma_wait3A_169 = arith.constant 0 : i32
      %dma_wait3A_170 = tpu.memref_slice %arg6[%dma_wait3A_169] : memref<10112xi32, #tpu.memory_space<vmem>> -> memref<128xi32, #tpu.memory_space<vmem>>
      %dma_wait3A_171 = arith.constant 0 : i32
      %dma_wait3A_172 = arith.constant 0 : i32
      %dma_wait3A_173 = tpu.memref_slice %arg12[%dma_wait3A_171, %dma_wait3A_172] : memref<10000x64xf32, #tpu.memory_space<vmem_shared>> -> memref<10000x64xf32, #tpu.memory_space<vmem_shared>>
      tpu.wait_indirect_dma semaphore(%arg13 : memref<!tpu.dma_semaphore, #tpu.memory_space<semaphore_mem>>) src(%dma_wait3A_173 : memref<10000x64xf32, #tpu.memory_space<vmem_shared>>) dst(%arg8 : memref<128x64xf32, #tpu.memory_space<vmem>>)
      %ge3A = arith.constant 1 : i32
      %ge3A_174 = arith.cmpi sge, %add3A_168, %ge3A : i32
      %convert_element_type3A = arith.extui %ge3A_174 : i1 to i32
      %cond3A = arith.constant 0 : i32
      %cond3A_175 = arith.cmpi ne, %convert_element_type3A, %cond3A : i32
      scf.if %cond3A_175 {
        %dma_wait3A_260 = arith.constant 0 : i32
        %dma_wait3A_261 = tpu.memref_slice %arg7[%dma_wait3A_260] : memref<10112xi32, #tpu.memory_space<vmem>> -> memref<128xi32, #tpu.memory_space<vmem>>
        %dma_wait3A_262 = arith.constant 0 : i32
        %dma_wait3A_263 = arith.constant 0 : i32
        %dma_wait3A_264 = tpu.memref_slice %arg11[%dma_wait3A_262, %dma_wait3A_263] : memref<10112x64xf32, #tpu.memory_space<vmem_shared>> -> memref<10112x64xf32, #tpu.memory_space<vmem_shared>>
        tpu.wait_indirect_dma semaphore(%arg18 : memref<!tpu.dma_semaphore, #tpu.memory_space<semaphore_mem>>) src(%arg10 : memref<128x64xf32, #tpu.memory_space<vmem>>) dst(%dma_wait3A_264 : memref<10112x64xf32, #tpu.memory_space<vmem_shared>>)
      } else {
      }
      %mul3A_176 = arith.constant 128 : i32
      %mul3A_177 = arith.muli %add3A_168, %mul3A_176 : i32
      %dma_start3A_178 = tpu.memref_slice %arg7[%mul3A_177] : memref<10112xi32, #tpu.memory_space<vmem>> -> memref<128xi32, #tpu.memory_space<vmem>>
      %dma_start3A_179 = arith.constant 0 : i32
      %dma_start3A_180 = arith.constant 0 : i32
      %dma_start3A_181 = tpu.memref_slice %arg11[%dma_start3A_179, %dma_start3A_180] : memref<10112x64xf32, #tpu.memory_space<vmem_shared>> -> memref<10112x64xf32, #tpu.memory_space<vmem_shared>>
      tpu.enqueue_indirect_dma source(%arg8 : memref<128x64xf32, #tpu.memory_space<vmem>>) target(%dma_start3A_181 : memref<10112x64xf32, #tpu.memory_space<vmem_shared>>) offsets(%dma_start3A_178 : memref<128xi32, #tpu.memory_space<vmem>>) semaphore(%arg16 : memref<!tpu.dma_semaphore, #tpu.memory_space<semaphore_mem>>) {add = true}
      %eq3A = arith.constant 0 : i32
      %eq3A_182 = arith.cmpi eq, %add3A_168, %eq3A : i32
      %convert_element_type3A_183 = arith.extui %eq3A_182 : i1 to i32
      %cond3A_184 = arith.constant 0 : i32
      %cond3A_185 = arith.cmpi ne, %convert_element_type3A_183, %cond3A_184 : i32
      scf.if %cond3A_185 {
        %dma_start3A_260 = arith.constant 256 : i32
        %dma_start3A_261 = tpu.memref_slice %arg6[%dma_start3A_260] : memref<10112xi32, #tpu.memory_space<vmem>> -> memref<128xi32, #tpu.memory_space<vmem>>
        %dma_start3A_262 = arith.constant 0 : i32
        %dma_start3A_263 = arith.constant 0 : i32
        %dma_start3A_264 = tpu.memref_slice %arg12[%dma_start3A_262, %dma_start3A_263] : memref<10000x64xf32, #tpu.memory_space<vmem_shared>> -> memref<10000x64xf32, #tpu.memory_space<vmem_shared>>
        tpu.enqueue_indirect_dma source(%dma_start3A_264 : memref<10000x64xf32, #tpu.memory_space<vmem_shared>>) target(%arg10 : memref<128x64xf32, #tpu.memory_space<vmem>>) offsets(%dma_start3A_261 : memref<128xi32, #tpu.memory_space<vmem>>) semaphore(%arg15 : memref<!tpu.dma_semaphore, #tpu.memory_space<semaphore_mem>>)
      } else {
      }
      %ge3A_186 = arith.constant 1 : i32
      %ge3A_187 = arith.cmpi sge, %add3A_168, %ge3A_186 : i32
      %add3A_188 = arith.constant 2 : i32
      %add3A_189 = arith.addi %add3A_168, %add3A_188 : i32
      %lt3A = arith.constant 79 : i32
      %lt3A_190 = arith.cmpi slt, %add3A_189, %lt3A : i32
      %and3A = arith.andi %ge3A_187, %lt3A_190 : i1
      %convert_element_type3A_191 = arith.extui %and3A : i1 to i32
      %cond3A_192 = arith.constant 0 : i32
      %cond3A_193 = arith.cmpi ne, %convert_element_type3A_191, %cond3A_192 : i32
      scf.if %cond3A_193 {
        %add3A_260 = arith.constant 2 : i32
        %add3A_261 = arith.addi %add3A_168, %add3A_260 : i32
        %mul3A_262 = arith.constant 128 : i32
        %mul3A_263 = arith.muli %add3A_261, %mul3A_262 : i32
        %dma_start3A_264 = tpu.memref_slice %arg6[%mul3A_263] : memref<10112xi32, #tpu.memory_space<vmem>> -> memref<128xi32, #tpu.memory_space<vmem>>
        %dma_start3A_265 = arith.constant 0 : i32
        %dma_start3A_266 = arith.constant 0 : i32
        %dma_start3A_267 = tpu.memref_slice %arg12[%dma_start3A_265, %dma_start3A_266] : memref<10000x64xf32, #tpu.memory_space<vmem_shared>> -> memref<10000x64xf32, #tpu.memory_space<vmem_shared>>
        tpu.enqueue_indirect_dma source(%dma_start3A_267 : memref<10000x64xf32, #tpu.memory_space<vmem_shared>>) target(%arg10 : memref<128x64xf32, #tpu.memory_space<vmem>>) offsets(%dma_start3A_264 : memref<128xi32, #tpu.memory_space<vmem>>) semaphore(%arg15 : memref<!tpu.dma_semaphore, #tpu.memory_space<semaphore_mem>>)
      } else {
      }
      %add3A_194 = arith.constant 1 : i32
      %add3A_195 = arith.addi %add3A_166, %add3A_194 : i32
      %dma_wait3A_196 = arith.constant 0 : i32
      %dma_wait3A_197 = tpu.memref_slice %arg6[%dma_wait3A_196] : memref<10112xi32, #tpu.memory_space<vmem>> -> memref<128xi32, #tpu.memory_space<vmem>>
      %dma_wait3A_198 = arith.constant 0 : i32
      %dma_wait3A_199 = arith.constant 0 : i32
      %dma_wait3A_200 = tpu.memref_slice %arg12[%dma_wait3A_198, %dma_wait3A_199] : memref<10000x64xf32, #tpu.memory_space<vmem_shared>> -> memref<10000x64xf32, #tpu.memory_space<vmem_shared>>
      tpu.wait_indirect_dma semaphore(%arg14 : memref<!tpu.dma_semaphore, #tpu.memory_space<semaphore_mem>>) src(%dma_wait3A_200 : memref<10000x64xf32, #tpu.memory_space<vmem_shared>>) dst(%arg9 : memref<128x64xf32, #tpu.memory_space<vmem>>)
      %ge3A_201 = arith.constant 1 : i32
      %ge3A_202 = arith.cmpi sge, %add3A_195, %ge3A_201 : i32
      %convert_element_type3A_203 = arith.extui %ge3A_202 : i1 to i32
      %cond3A_204 = arith.constant 0 : i32
      %cond3A_205 = arith.cmpi ne, %convert_element_type3A_203, %cond3A_204 : i32
      scf.if %cond3A_205 {
        %dma_wait3A_260 = arith.constant 0 : i32
        %dma_wait3A_261 = tpu.memref_slice %arg7[%dma_wait3A_260] : memref<10112xi32, #tpu.memory_space<vmem>> -> memref<128xi32, #tpu.memory_space<vmem>>
        %dma_wait3A_262 = arith.constant 0 : i32
        %dma_wait3A_263 = arith.constant 0 : i32
        %dma_wait3A_264 = tpu.memref_slice %arg11[%dma_wait3A_262, %dma_wait3A_263] : memref<10112x64xf32, #tpu.memory_space<vmem_shared>> -> memref<10112x64xf32, #tpu.memory_space<vmem_shared>>
        tpu.wait_indirect_dma semaphore(%arg16 : memref<!tpu.dma_semaphore, #tpu.memory_space<semaphore_mem>>) src(%arg8 : memref<128x64xf32, #tpu.memory_space<vmem>>) dst(%dma_wait3A_264 : memref<10112x64xf32, #tpu.memory_space<vmem_shared>>)
      } else {
      }
      %mul3A_206 = arith.constant 128 : i32
      %mul3A_207 = arith.muli %add3A_195, %mul3A_206 : i32
      %dma_start3A_208 = tpu.memref_slice %arg7[%mul3A_207] : memref<10112xi32, #tpu.memory_space<vmem>> -> memref<128xi32, #tpu.memory_space<vmem>>
      %dma_start3A_209 = arith.constant 0 : i32
      %dma_start3A_210 = arith.constant 0 : i32
      %dma_start3A_211 = tpu.memref_slice %arg11[%dma_start3A_209, %dma_start3A_210] : memref<10112x64xf32, #tpu.memory_space<vmem_shared>> -> memref<10112x64xf32, #tpu.memory_space<vmem_shared>>
      tpu.enqueue_indirect_dma source(%arg9 : memref<128x64xf32, #tpu.memory_space<vmem>>) target(%dma_start3A_211 : memref<10112x64xf32, #tpu.memory_space<vmem_shared>>) offsets(%dma_start3A_208 : memref<128xi32, #tpu.memory_space<vmem>>) semaphore(%arg17 : memref<!tpu.dma_semaphore, #tpu.memory_space<semaphore_mem>>) {add = true}
      %eq3A_212 = arith.constant 0 : i32
      %eq3A_213 = arith.cmpi eq, %add3A_195, %eq3A_212 : i32
      %convert_element_type3A_214 = arith.extui %eq3A_213 : i1 to i32
      %cond3A_215 = arith.constant 0 : i32
      %cond3A_216 = arith.cmpi ne, %convert_element_type3A_214, %cond3A_215 : i32
      scf.if %cond3A_216 {
        %dma_start3A_260 = arith.constant 256 : i32
        %dma_start3A_261 = tpu.memref_slice %arg6[%dma_start3A_260] : memref<10112xi32, #tpu.memory_space<vmem>> -> memref<128xi32, #tpu.memory_space<vmem>>
        %dma_start3A_262 = arith.constant 0 : i32
        %dma_start3A_263 = arith.constant 0 : i32
        %dma_start3A_264 = tpu.memref_slice %arg12[%dma_start3A_262, %dma_start3A_263] : memref<10000x64xf32, #tpu.memory_space<vmem_shared>> -> memref<10000x64xf32, #tpu.memory_space<vmem_shared>>
        tpu.enqueue_indirect_dma source(%dma_start3A_264 : memref<10000x64xf32, #tpu.memory_space<vmem_shared>>) target(%arg10 : memref<128x64xf32, #tpu.memory_space<vmem>>) offsets(%dma_start3A_261 : memref<128xi32, #tpu.memory_space<vmem>>) semaphore(%arg15 : memref<!tpu.dma_semaphore, #tpu.memory_space<semaphore_mem>>)
      } else {
      }
      %ge3A_217 = arith.constant 1 : i32
      %ge3A_218 = arith.cmpi sge, %add3A_195, %ge3A_217 : i32
      %add3A_219 = arith.constant 2 : i32
      %add3A_220 = arith.addi %add3A_195, %add3A_219 : i32
      %lt3A_221 = arith.constant 79 : i32
      %lt3A_222 = arith.cmpi slt, %add3A_220, %lt3A_221 : i32
      %and3A_223 = arith.andi %ge3A_218, %lt3A_222 : i1
      %convert_element_type3A_224 = arith.extui %and3A_223 : i1 to i32
      %cond3A_225 = arith.constant 0 : i32
      %cond3A_226 = arith.cmpi ne, %convert_element_type3A_224, %cond3A_225 : i32
      scf.if %cond3A_226 {
        %add3A_260 = arith.constant 2 : i32
        %add3A_261 = arith.addi %add3A_195, %add3A_260 : i32
        %mul3A_262 = arith.constant 128 : i32
        %mul3A_263 = arith.muli %add3A_261, %mul3A_262 : i32
        %dma_start3A_264 = tpu.memref_slice %arg6[%mul3A_263] : memref<10112xi32, #tpu.memory_space<vmem>> -> memref<128xi32, #tpu.memory_space<vmem>>
        %dma_start3A_265 = arith.constant 0 : i32
        %dma_start3A_266 = arith.constant 0 : i32
        %dma_start3A_267 = tpu.memref_slice %arg12[%dma_start3A_265, %dma_start3A_266] : memref<10000x64xf32, #tpu.memory_space<vmem_shared>> -> memref<10000x64xf32, #tpu.memory_space<vmem_shared>>
        tpu.enqueue_indirect_dma source(%dma_start3A_267 : memref<10000x64xf32, #tpu.memory_space<vmem_shared>>) target(%arg8 : memref<128x64xf32, #tpu.memory_space<vmem>>) offsets(%dma_start3A_264 : memref<128xi32, #tpu.memory_space<vmem>>) semaphore(%arg13 : memref<!tpu.dma_semaphore, #tpu.memory_space<semaphore_mem>>)
      } else {
      }
      %add3A_227 = arith.constant 2 : i32
      %add3A_228 = arith.addi %add3A_166, %add3A_227 : i32
      %dma_wait3A_229 = arith.constant 0 : i32
      %dma_wait3A_230 = tpu.memref_slice %arg6[%dma_wait3A_229] : memref<10112xi32, #tpu.memory_space<vmem>> -> memref<128xi32, #tpu.memory_space<vmem>>
      %dma_wait3A_231 = arith.constant 0 : i32
      %dma_wait3A_232 = arith.constant 0 : i32
      %dma_wait3A_233 = tpu.memref_slice %arg12[%dma_wait3A_231, %dma_wait3A_232] : memref<10000x64xf32, #tpu.memory_space<vmem_shared>> -> memref<10000x64xf32, #tpu.memory_space<vmem_shared>>
      tpu.wait_indirect_dma semaphore(%arg15 : memref<!tpu.dma_semaphore, #tpu.memory_space<semaphore_mem>>) src(%dma_wait3A_233 : memref<10000x64xf32, #tpu.memory_space<vmem_shared>>) dst(%arg10 : memref<128x64xf32, #tpu.memory_space<vmem>>)
      %ge3A_234 = arith.constant 1 : i32
      %ge3A_235 = arith.cmpi sge, %add3A_228, %ge3A_234 : i32
      %convert_element_type3A_236 = arith.extui %ge3A_235 : i1 to i32
      %cond3A_237 = arith.constant 0 : i32
      %cond3A_238 = arith.cmpi ne, %convert_element_type3A_236, %cond3A_237 : i32
      scf.if %cond3A_238 {
        %dma_wait3A_260 = arith.constant 0 : i32
        %dma_wait3A_261 = tpu.memref_slice %arg7[%dma_wait3A_260] : memref<10112xi32, #tpu.memory_space<vmem>> -> memref<128xi32, #tpu.memory_space<vmem>>
        %dma_wait3A_262 = arith.constant 0 : i32
        %dma_wait3A_263 = arith.constant 0 : i32
        %dma_wait3A_264 = tpu.memref_slice %arg11[%dma_wait3A_262, %dma_wait3A_263] : memref<10112x64xf32, #tpu.memory_space<vmem_shared>> -> memref<10112x64xf32, #tpu.memory_space<vmem_shared>>
        tpu.wait_indirect_dma semaphore(%arg17 : memref<!tpu.dma_semaphore, #tpu.memory_space<semaphore_mem>>) src(%arg9 : memref<128x64xf32, #tpu.memory_space<vmem>>) dst(%dma_wait3A_264 : memref<10112x64xf32, #tpu.memory_space<vmem_shared>>)
      } else {
      }
      %mul3A_239 = arith.constant 128 : i32
      %mul3A_240 = arith.muli %add3A_228, %mul3A_239 : i32
      %dma_start3A_241 = tpu.memref_slice %arg7[%mul3A_240] : memref<10112xi32, #tpu.memory_space<vmem>> -> memref<128xi32, #tpu.memory_space<vmem>>
      %dma_start3A_242 = arith.constant 0 : i32
      %dma_start3A_243 = arith.constant 0 : i32
      %dma_start3A_244 = tpu.memref_slice %arg11[%dma_start3A_242, %dma_start3A_243] : memref<10112x64xf32, #tpu.memory_space<vmem_shared>> -> memref<10112x64xf32, #tpu.memory_space<vmem_shared>>
      tpu.enqueue_indirect_dma source(%arg10 : memref<128x64xf32, #tpu.memory_space<vmem>>) target(%dma_start3A_244 : memref<10112x64xf32, #tpu.memory_space<vmem_shared>>) offsets(%dma_start3A_241 : memref<128xi32, #tpu.memory_space<vmem>>) semaphore(%arg18 : memref<!tpu.dma_semaphore, #tpu.memory_space<semaphore_mem>>) {add = true}
      %eq3A_245 = arith.constant 0 : i32
      %eq3A_246 = arith.cmpi eq, %add3A_228, %eq3A_245 : i32
      %convert_element_type3A_247 = arith.extui %eq3A_246 : i1 to i32
      %cond3A_248 = arith.constant 0 : i32
      %cond3A_249 = arith.cmpi ne, %convert_element_type3A_247, %cond3A_248 : i32
      scf.if %cond3A_249 {
        %dma_start3A_260 = arith.constant 256 : i32
        %dma_start3A_261 = tpu.memref_slice %arg6[%dma_start3A_260] : memref<10112xi32, #tpu.memory_space<vmem>> -> memref<128xi32, #tpu.memory_space<vmem>>
        %dma_start3A_262 = arith.constant 0 : i32
        %dma_start3A_263 = arith.constant 0 : i32
        %dma_start3A_264 = tpu.memref_slice %arg12[%dma_start3A_262, %dma_start3A_263] : memref<10000x64xf32, #tpu.memory_space<vmem_shared>> -> memref<10000x64xf32, #tpu.memory_space<vmem_shared>>
        tpu.enqueue_indirect_dma source(%dma_start3A_264 : memref<10000x64xf32, #tpu.memory_space<vmem_shared>>) target(%arg10 : memref<128x64xf32, #tpu.memory_space<vmem>>) offsets(%dma_start3A_261 : memref<128xi32, #tpu.memory_space<vmem>>) semaphore(%arg15 : memref<!tpu.dma_semaphore, #tpu.memory_space<semaphore_mem>>)
      } else {
      }
      %ge3A_250 = arith.constant 1 : i32
      %ge3A_251 = arith.cmpi sge, %add3A_228, %ge3A_250 : i32
      %add3A_252 = arith.constant 2 : i32
      %add3A_253 = arith.addi %add3A_228, %add3A_252 : i32
      %lt3A_254 = arith.constant 79 : i32
      %lt3A_255 = arith.cmpi slt, %add3A_253, %lt3A_254 : i32
      %and3A_256 = arith.andi %ge3A_251, %lt3A_255 : i1
      %convert_element_type3A_257 = arith.extui %and3A_256 : i1 to i32
      %cond3A_258 = arith.constant 0 : i32
      %cond3A_259 = arith.cmpi ne, %convert_element_type3A_257, %cond3A_258 : i32
      scf.if %cond3A_259 {
        %add3A_260 = arith.constant 2 : i32
        %add3A_261 = arith.addi %add3A_228, %add3A_260 : i32
        %mul3A_262 = arith.constant 128 : i32
        %mul3A_263 = arith.muli %add3A_261, %mul3A_262 : i32
        %dma_start3A_264 = tpu.memref_slice %arg6[%mul3A_263] : memref<10112xi32, #tpu.memory_space<vmem>> -> memref<128xi32, #tpu.memory_space<vmem>>
        %dma_start3A_265 = arith.constant 0 : i32
        %dma_start3A_266 = arith.constant 0 : i32
        %dma_start3A_267 = tpu.memref_slice %arg12[%dma_start3A_265, %dma_start3A_266] : memref<10000x64xf32, #tpu.memory_space<vmem_shared>> -> memref<10000x64xf32, #tpu.memory_space<vmem_shared>>
        tpu.enqueue_indirect_dma source(%dma_start3A_267 : memref<10000x64xf32, #tpu.memory_space<vmem_shared>>) target(%arg9 : memref<128x64xf32, #tpu.memory_space<vmem>>) offsets(%dma_start3A_264 : memref<128xi32, #tpu.memory_space<vmem>>) semaphore(%arg14 : memref<!tpu.dma_semaphore, #tpu.memory_space<semaphore_mem>>)
      } else {
      }
    }
    %scan3A_135 = arith.constant 26 : i32
    %dma_wait3A_136 = arith.constant 0 : i32
    %dma_wait3A_137 = tpu.memref_slice %arg6[%dma_wait3A_136] : memref<10112xi32, #tpu.memory_space<vmem>> -> memref<128xi32, #tpu.memory_space<vmem>>
    %dma_wait3A_138 = arith.constant 0 : i32
    %dma_wait3A_139 = arith.constant 0 : i32
    %dma_wait3A_140 = tpu.memref_slice %arg12[%dma_wait3A_138, %dma_wait3A_139] : memref<10000x64xf32, #tpu.memory_space<vmem_shared>> -> memref<10000x64xf32, #tpu.memory_space<vmem_shared>>
    tpu.wait_indirect_dma semaphore(%arg13 : memref<!tpu.dma_semaphore, #tpu.memory_space<semaphore_mem>>) src(%dma_wait3A_140 : memref<10000x64xf32, #tpu.memory_space<vmem_shared>>) dst(%arg8 : memref<128x64xf32, #tpu.memory_space<vmem>>)
    %dma_wait3A_141 = arith.constant 0 : i32
    %dma_wait3A_142 = tpu.memref_slice %arg7[%dma_wait3A_141] : memref<10112xi32, #tpu.memory_space<vmem>> -> memref<128xi32, #tpu.memory_space<vmem>>
    %dma_wait3A_143 = arith.constant 0 : i32
    %dma_wait3A_144 = arith.constant 0 : i32
    %dma_wait3A_145 = tpu.memref_slice %arg11[%dma_wait3A_143, %dma_wait3A_144] : memref<10112x64xf32, #tpu.memory_space<vmem_shared>> -> memref<10112x64xf32, #tpu.memory_space<vmem_shared>>
    tpu.wait_indirect_dma semaphore(%arg18 : memref<!tpu.dma_semaphore, #tpu.memory_space<semaphore_mem>>) src(%arg10 : memref<128x64xf32, #tpu.memory_space<vmem>>) dst(%dma_wait3A_145 : memref<10112x64xf32, #tpu.memory_space<vmem_shared>>)
    %dma_start3A_146 = arith.constant 9984 : i32
    %dma_start3A_147 = tpu.memref_slice %arg7[%dma_start3A_146] : memref<10112xi32, #tpu.memory_space<vmem>> -> memref<128xi32, #tpu.memory_space<vmem>>
    %dma_start3A_148 = arith.constant 0 : i32
    %dma_start3A_149 = arith.constant 0 : i32
    %dma_start3A_150 = tpu.memref_slice %arg11[%dma_start3A_148, %dma_start3A_149] : memref<10112x64xf32, #tpu.memory_space<vmem_shared>> -> memref<10112x64xf32, #tpu.memory_space<vmem_shared>>
    tpu.enqueue_indirect_dma source(%arg8 : memref<128x64xf32, #tpu.memory_space<vmem>>) target(%dma_start3A_150 : memref<10112x64xf32, #tpu.memory_space<vmem_shared>>) offsets(%dma_start3A_147 : memref<128xi32, #tpu.memory_space<vmem>>) semaphore(%arg16 : memref<!tpu.dma_semaphore, #tpu.memory_space<semaphore_mem>>) {add = true}
    %dma_wait3A_151 = arith.constant 0 : i32
    %dma_wait3A_152 = tpu.memref_slice %arg7[%dma_wait3A_151] : memref<10112xi32, #tpu.memory_space<vmem>> -> memref<128xi32, #tpu.memory_space<vmem>>
    %dma_wait3A_153 = arith.constant 0 : i32
    %dma_wait3A_154 = arith.constant 0 : i32
    %dma_wait3A_155 = tpu.memref_slice %arg11[%dma_wait3A_153, %dma_wait3A_154] : memref<10112x64xf32, #tpu.memory_space<vmem_shared>> -> memref<10112x64xf32, #tpu.memory_space<vmem_shared>>
    tpu.wait_indirect_dma semaphore(%arg16 : memref<!tpu.dma_semaphore, #tpu.memory_space<semaphore_mem>>) src(%arg8 : memref<128x64xf32, #tpu.memory_space<vmem>>) dst(%dma_wait3A_155 : memref<10112x64xf32, #tpu.memory_space<vmem_shared>>)
    %barrier3A_156 = arith.constant 0 : index
    tpu.barrier barrier_id(%barrier3A_156)
    %mul3A_157 = arith.constant 632 : i32
    %mul3A_158 = arith.muli %arg1, %mul3A_157 : i32
    %mul3A_159 = arith.constant 632 : i32
    %mul3A_160 = arith.muli %arg1, %mul3A_159 : i32
    %run_scoped3A_161 = arith.constant 1 : i32
    "tpu.region"() ({
      %run_scoped3A_162 = tpu.sem_alloc : memref<!tpu.dma_semaphore, #tpu.memory_space<semaphore_mem>>
      %dma_start3A_163 = arith.constant 0 : i32
      %dma_start3A_164 = tpu.memref_slice %arg5[%run_scoped3A_161, %arg0, %mul3A_160, %dma_start3A_163] : memref<2x2x10112x64xf32, #tpu.memory_space<hbm>> -> memref<1x1x632x64xf32, #tpu.memory_space<hbm>>
      %dma_start3A_165 = tpu.memref_squeeze %dma_start3A_164 : memref<1x1x632x64xf32, #tpu.memory_space<hbm>> -> memref<632x64xf32, #tpu.memory_space<hbm>>
      %dma_start3A_166 = arith.constant 0 : i32
      %dma_start3A_167 = tpu.memref_slice %arg11[%mul3A_158, %dma_start3A_166] : memref<10112x64xf32, #tpu.memory_space<vmem_shared>> -> memref<632x64xf32, #tpu.memory_space<vmem_shared>>
      tpu.enqueue_dma source(%dma_start3A_167 : memref<632x64xf32, #tpu.memory_space<vmem_shared>>) target(%dma_start3A_165 : memref<632x64xf32, #tpu.memory_space<hbm>>) target_semaphore(%run_scoped3A_162 : memref<!tpu.dma_semaphore, #tpu.memory_space<semaphore_mem>>)
      %dma_wait3A_168 = arith.constant 0 : i32
      %dma_wait3A_169 = tpu.memref_slice %arg5[%run_scoped3A_161, %arg0, %mul3A_160, %dma_wait3A_168] : memref<2x2x10112x64xf32, #tpu.memory_space<hbm>> -> memref<1x1x632x64xf32, #tpu.memory_space<hbm>>
      %dma_wait3A_170 = tpu.memref_squeeze %dma_wait3A_169 : memref<1x1x632x64xf32, #tpu.memory_space<hbm>> -> memref<632x64xf32, #tpu.memory_space<hbm>>
      %dma_wait3A_171 = arith.constant 0 : i32
      %dma_wait3A_172 = tpu.memref_slice %arg11[%mul3A_158, %dma_wait3A_171] : memref<10112x64xf32, #tpu.memory_space<vmem_shared>> -> memref<632x64xf32, #tpu.memory_space<vmem_shared>>
      tpu.wait_dma2 semaphore(%run_scoped3A_162 : memref<!tpu.dma_semaphore, #tpu.memory_space<semaphore_mem>>) src(%dma_wait3A_172 : memref<632x64xf32, #tpu.memory_space<vmem_shared>>) dst(%dma_wait3A_170 : memref<632x64xf32, #tpu.memory_space<hbm>>)
      tpu.yield
    }) : () -> ()
    return
  }
}

#map = affine_map<(d0, d1) -> (0, 0, 0)>
#map1 = affine_map<(d0, d1) -> (0, 0)>
#map2 = affine_map<(d0, d1) -> (0, 0, 0, 0)>
module attributes {stable_mosaic.version = 14 : i64} {
  func.func @agg_kernel(%arg0: i32, %arg1: i32, %arg2: memref<1x10000x64xf32, #tpu.memory_space<hbm>>, %arg3: memref<2x320000xi32, #tpu.memory_space<hbm>>, %arg4: memref<10112x64xf32, #tpu.memory_space<hbm>>, %arg5: memref<1x2x10112x64xf32, #tpu.memory_space<hbm>>, %arg6: memref<10112xi32, #tpu.memory_space<vmem>>, %arg7: memref<10112xi32, #tpu.memory_space<vmem>>, %arg8: memref<128x64xf32, #tpu.memory_space<vmem>>, %arg9: memref<128x64xf32, #tpu.memory_space<vmem>>, %arg10: memref<128x64xf32, #tpu.memory_space<vmem>>, %arg11: memref<10112x64xf32, #tpu.memory_space<vmem_shared>>, %arg12: memref<10000x64xf32, #tpu.memory_space<vmem_shared>>, %arg13: memref<!tpu.dma_semaphore, #tpu.memory_space<semaphore_mem>>, %arg14: memref<!tpu.dma_semaphore, #tpu.memory_space<semaphore_mem>>, %arg15: memref<!tpu.dma_semaphore, #tpu.memory_space<semaphore_mem>>, %arg16: memref<!tpu.dma_semaphore, #tpu.memory_space<semaphore_mem>>, %arg17: memref<!tpu.dma_semaphore, #tpu.memory_space<semaphore_mem>>, %arg18: memref<!tpu.dma_semaphore, #tpu.memory_space<semaphore_mem>>) attributes {dimension_semantics = [#tpu.dimension_semantics<core_parallel>, #tpu.dimension_semantics<subcore_parallel>], iteration_bounds = array<i64: 2, 16>, scalar_prefetch = 0 : i64, scratch_operands = 13 : i64, tpu.core_type = #tpu.core_type<sc_vector_subcore>, window_params = [{transform_indices = #map}, {transform_indices = #map1}, {transform_indices = #map1}, {transform_indices = #map2}]} {
    %mul3A = arith.constant 16 : i32
    %mul3A_0 = arith.muli %arg0, %mul3A : i32
    %add3A = arith.addi %mul3A_0, %arg1 : i32
    %mul3A_1 = arith.constant 10000 : i32
    %mul3A_2 = arith.muli %add3A, %mul3A_1 : i32
    %run_scoped3A = arith.constant 0 : i32
    "tpu.region"() ({
      %run_scoped3A_111 = tpu.sem_alloc : memref<!tpu.dma_semaphore, #tpu.memory_space<semaphore_mem>>
      %dma_start3A_112 = arith.constant 0 : i32
      %dma_start3A_113 = tpu.memref_slice %arg6[%dma_start3A_112] : memref<10112xi32, #tpu.memory_space<vmem>> -> memref<10000xi32, #tpu.memory_space<vmem>>
      %dma_start3A_114 = tpu.memref_slice %arg3[%run_scoped3A, %mul3A_2] : memref<2x320000xi32, #tpu.memory_space<hbm>> -> memref<1x10000xi32, #tpu.memory_space<hbm>>
      %dma_start3A_115 = tpu.memref_squeeze %dma_start3A_114 : memref<1x10000xi32, #tpu.memory_space<hbm>> -> memref<10000xi32, #tpu.memory_space<hbm>>
      %dma_start3A_116 = arith.constant 0 : i32
      %dma_start3A_117 = tpu.memref_slice %arg6[%dma_start3A_116] : memref<10112xi32, #tpu.memory_space<vmem>> -> memref<10000xi32, #tpu.memory_space<vmem>>
      %dma_start3A_118 = tpu.memref_slice %arg3[%run_scoped3A, %mul3A_2] : memref<2x320000xi32, #tpu.memory_space<hbm>> -> memref<1x10000xi32, #tpu.memory_space<hbm>>
      %dma_start3A_119 = tpu.memref_squeeze %dma_start3A_118 : memref<1x10000xi32, #tpu.memory_space<hbm>> -> memref<10000xi32, #tpu.memory_space<hbm>>
      tpu.enqueue_dma source(%dma_start3A_119 : memref<10000xi32, #tpu.memory_space<hbm>>) target(%dma_start3A_117 : memref<10000xi32, #tpu.memory_space<vmem>>) target_semaphore(%run_scoped3A_111 : memref<!tpu.dma_semaphore, #tpu.memory_space<semaphore_mem>>)
      %dma_wait3A_120 = arith.constant 0 : i32
      %dma_wait3A_121 = tpu.memref_slice %arg6[%dma_wait3A_120] : memref<10112xi32, #tpu.memory_space<vmem>> -> memref<10000xi32, #tpu.memory_space<vmem>>
      %dma_wait3A_122 = tpu.memref_slice %arg3[%run_scoped3A, %mul3A_2] : memref<2x320000xi32, #tpu.memory_space<hbm>> -> memref<1x10000xi32, #tpu.memory_space<hbm>>
      %dma_wait3A_123 = tpu.memref_squeeze %dma_wait3A_122 : memref<1x10000xi32, #tpu.memory_space<hbm>> -> memref<10000xi32, #tpu.memory_space<hbm>>
      %dma_wait3A_124 = arith.constant 0 : i32
      %dma_wait3A_125 = tpu.memref_slice %arg6[%dma_wait3A_124] : memref<10112xi32, #tpu.memory_space<vmem>> -> memref<10000xi32, #tpu.memory_space<vmem>>
      %dma_wait3A_126 = tpu.memref_slice %arg3[%run_scoped3A, %mul3A_2] : memref<2x320000xi32, #tpu.memory_space<hbm>> -> memref<1x10000xi32, #tpu.memory_space<hbm>>
      %dma_wait3A_127 = tpu.memref_squeeze %dma_wait3A_126 : memref<1x10000xi32, #tpu.memory_space<hbm>> -> memref<10000xi32, #tpu.memory_space<hbm>>
      tpu.wait_dma2 semaphore(%run_scoped3A_111 : memref<!tpu.dma_semaphore, #tpu.memory_space<semaphore_mem>>) src(%dma_wait3A_127 : memref<10000xi32, #tpu.memory_space<hbm>>) dst(%dma_wait3A_125 : memref<10000xi32, #tpu.memory_space<vmem>>)
      tpu.yield
    }) : () -> ()
    %broadcast_in_dim3A = arith.constant 0 : i32
    %broadcast_in_dim3A_3 = vector.broadcast %broadcast_in_dim3A : i32 to vector<16xi32>
    %swap3A = arith.constant 10000 : index
    %swap3A_4 = tpu.vector_load %arg6[%swap3A] {strides = array<i32>} : memref<10112xi32, #tpu.memory_space<vmem>>, vector<16xi32>,
    %swap3A_5 = vector.shape_cast %swap3A_4 : vector<16xi32> to vector<16xi32>
    %swap3A_6 = vector.shape_cast %broadcast_in_dim3A_3 : vector<16xi32> to vector<16xi32>
    tpu.vector_store %arg6[%swap3A], %swap3A_6 {strides = array<i32>} : memref<10112xi32, #tpu.memory_space<vmem>>, vector<16xi32>,
    %swap3A_7 = arith.constant 10016 : index
    %swap3A_8 = tpu.vector_load %arg6[%swap3A_7] {strides = array<i32>} : memref<10112xi32, #tpu.memory_space<vmem>>, vector<16xi32>,
    %swap3A_9 = vector.shape_cast %swap3A_8 : vector<16xi32> to vector<16xi32>
    %swap3A_10 = vector.shape_cast %broadcast_in_dim3A_3 : vector<16xi32> to vector<16xi32>
    tpu.vector_store %arg6[%swap3A_7], %swap3A_10 {strides = array<i32>} : memref<10112xi32, #tpu.memory_space<vmem>>, vector<16xi32>,
    %swap3A_11 = arith.constant 10032 : index
    %swap3A_12 = tpu.vector_load %arg6[%swap3A_11] {strides = array<i32>} : memref<10112xi32, #tpu.memory_space<vmem>>, vector<16xi32>,
    %swap3A_13 = vector.shape_cast %swap3A_12 : vector<16xi32> to vector<16xi32>
    %swap3A_14 = vector.shape_cast %broadcast_in_dim3A_3 : vector<16xi32> to vector<16xi32>
    tpu.vector_store %arg6[%swap3A_11], %swap3A_14 {strides = array<i32>} : memref<10112xi32, #tpu.memory_space<vmem>>, vector<16xi32>,
    %swap3A_15 = arith.constant 10048 : index
    %swap3A_16 = tpu.vector_load %arg6[%swap3A_15] {strides = array<i32>} : memref<10112xi32, #tpu.memory_space<vmem>>, vector<16xi32>,
    %swap3A_17 = vector.shape_cast %swap3A_16 : vector<16xi32> to vector<16xi32>
    %swap3A_18 = vector.shape_cast %broadcast_in_dim3A_3 : vector<16xi32> to vector<16xi32>
    tpu.vector_store %arg6[%swap3A_15], %swap3A_18 {strides = array<i32>} : memref<10112xi32, #tpu.memory_space<vmem>>, vector<16xi32>,
    %swap3A_19 = arith.constant 10064 : index
    %swap3A_20 = tpu.vector_load %arg6[%swap3A_19] {strides = array<i32>} : memref<10112xi32, #tpu.memory_space<vmem>>, vector<16xi32>,
    %swap3A_21 = vector.shape_cast %swap3A_20 : vector<16xi32> to vector<16xi32>
    %swap3A_22 = vector.shape_cast %broadcast_in_dim3A_3 : vector<16xi32> to vector<16xi32>
    tpu.vector_store %arg6[%swap3A_19], %swap3A_22 {strides = array<i32>} : memref<10112xi32, #tpu.memory_space<vmem>>, vector<16xi32>,
    %swap3A_23 = arith.constant 10080 : index
    %swap3A_24 = tpu.vector_load %arg6[%swap3A_23] {strides = array<i32>} : memref<10112xi32, #tpu.memory_space<vmem>>, vector<16xi32>,
    %swap3A_25 = vector.shape_cast %swap3A_24 : vector<16xi32> to vector<16xi32>
    %swap3A_26 = vector.shape_cast %broadcast_in_dim3A_3 : vector<16xi32> to vector<16xi32>
    tpu.vector_store %arg6[%swap3A_23], %swap3A_26 {strides = array<i32>} : memref<10112xi32, #tpu.memory_space<vmem>>, vector<16xi32>,
    %swap3A_27 = arith.constant 10096 : index
    %swap3A_28 = tpu.vector_load %arg6[%swap3A_27] {strides = array<i32>} : memref<10112xi32, #tpu.memory_space<vmem>>, vector<16xi32>,
    %swap3A_29 = vector.shape_cast %swap3A_28 : vector<16xi32> to vector<16xi32>
    %swap3A_30 = vector.shape_cast %broadcast_in_dim3A_3 : vector<16xi32> to vector<16xi32>
    tpu.vector_store %arg6[%swap3A_27], %swap3A_30 {strides = array<i32>} : memref<10112xi32, #tpu.memory_space<vmem>>, vector<16xi32>,
    %mul3A_31 = arith.constant 10000 : i32
    %mul3A_32 = arith.muli %add3A, %mul3A_31 : i32
    %run_scoped3A_33 = arith.constant 1 : i32
    "tpu.region"() ({
      %run_scoped3A_111 = tpu.sem_alloc : memref<!tpu.dma_semaphore, #tpu.memory_space<semaphore_mem>>
      %dma_start3A_112 = arith.constant 0 : i32
      %dma_start3A_113 = tpu.memref_slice %arg7[%dma_start3A_112] : memref<10112xi32, #tpu.memory_space<vmem>> -> memref<10000xi32, #tpu.memory_space<vmem>>
      %dma_start3A_114 = tpu.memref_slice %arg3[%run_scoped3A_33, %mul3A_32] : memref<2x320000xi32, #tpu.memory_space<hbm>> -> memref<1x10000xi32, #tpu.memory_space<hbm>>
      %dma_start3A_115 = tpu.memref_squeeze %dma_start3A_114 : memref<1x10000xi32, #tpu.memory_space<hbm>> -> memref<10000xi32, #tpu.memory_space<hbm>>
      %dma_start3A_116 = arith.constant 0 : i32
      %dma_start3A_117 = tpu.memref_slice %arg7[%dma_start3A_116] : memref<10112xi32, #tpu.memory_space<vmem>> -> memref<10000xi32, #tpu.memory_space<vmem>>
      %dma_start3A_118 = tpu.memref_slice %arg3[%run_scoped3A_33, %mul3A_32] : memref<2x320000xi32, #tpu.memory_space<hbm>> -> memref<1x10000xi32, #tpu.memory_space<hbm>>
      %dma_start3A_119 = tpu.memref_squeeze %dma_start3A_118 : memref<1x10000xi32, #tpu.memory_space<hbm>> -> memref<10000xi32, #tpu.memory_space<hbm>>
      tpu.enqueue_dma source(%dma_start3A_119 : memref<10000xi32, #tpu.memory_space<hbm>>) target(%dma_start3A_117 : memref<10000xi32, #tpu.memory_space<vmem>>) target_semaphore(%run_scoped3A_111 : memref<!tpu.dma_semaphore, #tpu.memory_space<semaphore_mem>>)
      %dma_wait3A_120 = arith.constant 0 : i32
      %dma_wait3A_121 = tpu.memref_slice %arg7[%dma_wait3A_120] : memref<10112xi32, #tpu.memory_space<vmem>> -> memref<10000xi32, #tpu.memory_space<vmem>>
      %dma_wait3A_122 = tpu.memref_slice %arg3[%run_scoped3A_33, %mul3A_32] : memref<2x320000xi32, #tpu.memory_space<hbm>> -> memref<1x10000xi32, #tpu.memory_space<hbm>>
      %dma_wait3A_123 = tpu.memref_squeeze %dma_wait3A_122 : memref<1x10000xi32, #tpu.memory_space<hbm>> -> memref<10000xi32, #tpu.memory_space<hbm>>
      %dma_wait3A_124 = arith.constant 0 : i32
      %dma_wait3A_125 = tpu.memref_slice %arg7[%dma_wait3A_124] : memref<10112xi32, #tpu.memory_space<vmem>> -> memref<10000xi32, #tpu.memory_space<vmem>>
      %dma_wait3A_126 = tpu.memref_slice %arg3[%run_scoped3A_33, %mul3A_32] : memref<2x320000xi32, #tpu.memory_space<hbm>> -> memref<1x10000xi32, #tpu.memory_space<hbm>>
      %dma_wait3A_127 = tpu.memref_squeeze %dma_wait3A_126 : memref<1x10000xi32, #tpu.memory_space<hbm>> -> memref<10000xi32, #tpu.memory_space<hbm>>
      tpu.wait_dma2 semaphore(%run_scoped3A_111 : memref<!tpu.dma_semaphore, #tpu.memory_space<semaphore_mem>>) src(%dma_wait3A_127 : memref<10000xi32, #tpu.memory_space<hbm>>) dst(%dma_wait3A_125 : memref<10000xi32, #tpu.memory_space<vmem>>)
      tpu.yield
    }) : () -> ()
    %broadcast_in_dim3A_34 = arith.constant 10000 : i32
    %broadcast_in_dim3A_35 = vector.broadcast %broadcast_in_dim3A_34 : i32 to vector<16xi32>
    %swap3A_36 = arith.constant 10000 : index
    %swap3A_37 = tpu.vector_load %arg7[%swap3A_36] {strides = array<i32>} : memref<10112xi32, #tpu.memory_space<vmem>>, vector<16xi32>,
    %swap3A_38 = vector.shape_cast %swap3A_37 : vector<16xi32> to vector<16xi32>
    %swap3A_39 = vector.shape_cast %broadcast_in_dim3A_35 : vector<16xi32> to vector<16xi32>
    tpu.vector_store %arg7[%swap3A_36], %swap3A_39 {strides = array<i32>} : memref<10112xi32, #tpu.memory_space<vmem>>, vector<16xi32>,
    %swap3A_40 = arith.constant 10016 : index
    %swap3A_41 = tpu.vector_load %arg7[%swap3A_40] {strides = array<i32>} : memref<10112xi32, #tpu.memory_space<vmem>>, vector<16xi32>,
    %swap3A_42 = vector.shape_cast %swap3A_41 : vector<16xi32> to vector<16xi32>
    %swap3A_43 = vector.shape_cast %broadcast_in_dim3A_35 : vector<16xi32> to vector<16xi32>
    tpu.vector_store %arg7[%swap3A_40], %swap3A_43 {strides = array<i32>} : memref<10112xi32, #tpu.memory_space<vmem>>, vector<16xi32>,
    %swap3A_44 = arith.constant 10032 : index
    %swap3A_45 = tpu.vector_load %arg7[%swap3A_44] {strides = array<i32>} : memref<10112xi32, #tpu.memory_space<vmem>>, vector<16xi32>,
    %swap3A_46 = vector.shape_cast %swap3A_45 : vector<16xi32> to vector<16xi32>
    %swap3A_47 = vector.shape_cast %broadcast_in_dim3A_35 : vector<16xi32> to vector<16xi32>
    tpu.vector_store %arg7[%swap3A_44], %swap3A_47 {strides = array<i32>} : memref<10112xi32, #tpu.memory_space<vmem>>, vector<16xi32>,
    %swap3A_48 = arith.constant 10048 : index
    %swap3A_49 = tpu.vector_load %arg7[%swap3A_48] {strides = array<i32>} : memref<10112xi32, #tpu.memory_space<vmem>>, vector<16xi32>,
    %swap3A_50 = vector.shape_cast %swap3A_49 : vector<16xi32> to vector<16xi32>
    %swap3A_51 = vector.shape_cast %broadcast_in_dim3A_35 : vector<16xi32> to vector<16xi32>
    tpu.vector_store %arg7[%swap3A_48], %swap3A_51 {strides = array<i32>} : memref<10112xi32, #tpu.memory_space<vmem>>, vector<16xi32>,
    %swap3A_52 = arith.constant 10064 : index
    %swap3A_53 = tpu.vector_load %arg7[%swap3A_52] {strides = array<i32>} : memref<10112xi32, #tpu.memory_space<vmem>>, vector<16xi32>,
    %swap3A_54 = vector.shape_cast %swap3A_53 : vector<16xi32> to vector<16xi32>
    %swap3A_55 = vector.shape_cast %broadcast_in_dim3A_35 : vector<16xi32> to vector<16xi32>
    tpu.vector_store %arg7[%swap3A_52], %swap3A_55 {strides = array<i32>} : memref<10112xi32, #tpu.memory_space<vmem>>, vector<16xi32>,
    %swap3A_56 = arith.constant 10080 : index
    %swap3A_57 = tpu.vector_load %arg7[%swap3A_56] {strides = array<i32>} : memref<10112xi32, #tpu.memory_space<vmem>>, vector<16xi32>,
    %swap3A_58 = vector.shape_cast %swap3A_57 : vector<16xi32> to vector<16xi32>
    %swap3A_59 = vector.shape_cast %broadcast_in_dim3A_35 : vector<16xi32> to vector<16xi32>
    tpu.vector_store %arg7[%swap3A_56], %swap3A_59 {strides = array<i32>} : memref<10112xi32, #tpu.memory_space<vmem>>, vector<16xi32>,
    %swap3A_60 = arith.constant 10096 : index
    %swap3A_61 = tpu.vector_load %arg7[%swap3A_60] {strides = array<i32>} : memref<10112xi32, #tpu.memory_space<vmem>>, vector<16xi32>,
    %swap3A_62 = vector.shape_cast %swap3A_61 : vector<16xi32> to vector<16xi32>
    %swap3A_63 = vector.shape_cast %broadcast_in_dim3A_35 : vector<16xi32> to vector<16xi32>
    tpu.vector_store %arg7[%swap3A_60], %swap3A_63 {strides = array<i32>} : memref<10112xi32, #tpu.memory_space<vmem>>, vector<16xi32>,
    %mul3A_64 = arith.constant 632 : i32
    %mul3A_65 = arith.muli %arg1, %mul3A_64 : i32
    %mul3A_66 = arith.constant 632 : i32
    %mul3A_67 = arith.muli %arg1, %mul3A_66 : i32
    "tpu.region"() ({
      %run_scoped3A_111 = tpu.sem_alloc : memref<!tpu.dma_semaphore, #tpu.memory_space<semaphore_mem>>
      %dma_start3A_112 = arith.constant 0 : i32
      %dma_start3A_113 = tpu.memref_slice %arg11[%mul3A_67, %dma_start3A_112] : memref<10112x64xf32, #tpu.memory_space<vmem_shared>> -> memref<632x64xf32, #tpu.memory_space<vmem_shared>>
      %dma_start3A_114 = arith.constant 0 : i32
      %dma_start3A_115 = tpu.memref_slice %arg4[%mul3A_65, %dma_start3A_114] : memref<10112x64xf32, #tpu.memory_space<hbm>> -> memref<632x64xf32, #tpu.memory_space<hbm>>
      tpu.enqueue_dma source(%dma_start3A_115 : memref<632x64xf32, #tpu.memory_space<hbm>>) target(%dma_start3A_113 : memref<632x64xf32, #tpu.memory_space<vmem_shared>>) target_semaphore(%run_scoped3A_111 : memref<!tpu.dma_semaphore, #tpu.memory_space<semaphore_mem>>)
      %dma_wait3A_116 = arith.constant 0 : i32
      %dma_wait3A_117 = tpu.memref_slice %arg11[%mul3A_67, %dma_wait3A_116] : memref<10112x64xf32, #tpu.memory_space<vmem_shared>> -> memref<632x64xf32, #tpu.memory_space<vmem_shared>>
      %dma_wait3A_118 = arith.constant 0 : i32
      %dma_wait3A_119 = tpu.memref_slice %arg4[%mul3A_65, %dma_wait3A_118] : memref<10112x64xf32, #tpu.memory_space<hbm>> -> memref<632x64xf32, #tpu.memory_space<hbm>>
      tpu.wait_dma2 semaphore(%run_scoped3A_111 : memref<!tpu.dma_semaphore, #tpu.memory_space<semaphore_mem>>) src(%dma_wait3A_119 : memref<632x64xf32, #tpu.memory_space<hbm>>) dst(%dma_wait3A_117 : memref<632x64xf32, #tpu.memory_space<vmem_shared>>)
      tpu.yield
    }) : () -> ()
    %mul3A_68 = arith.constant 625 : i32
    %mul3A_69 = arith.muli %arg1, %mul3A_68 : i32
    %mul3A_70 = arith.constant 625 : i32
    %mul3A_71 = arith.muli %arg1, %mul3A_70 : i32
    %run_scoped3A_72 = arith.constant 0 : i32
    "tpu.region"() ({
      %run_scoped3A_111 = tpu.sem_alloc : memref<!tpu.dma_semaphore, #tpu.memory_space<semaphore_mem>>
      %dma_start3A_112 = arith.constant 0 : i32
      %dma_start3A_113 = tpu.memref_slice %arg12[%mul3A_71, %dma_start3A_112] : memref<10000x64xf32, #tpu.memory_space<vmem_shared>> -> memref<625x64xf32, #tpu.memory_space<vmem_shared>>
      %dma_start3A_114 = arith.constant 0 : i32
      %dma_start3A_115 = tpu.memref_slice %arg2[%run_scoped3A_72, %mul3A_69, %dma_start3A_114] : memref<1x10000x64xf32, #tpu.memory_space<hbm>> -> memref<1x625x64xf32, #tpu.memory_space<hbm>>
      %dma_start3A_116 = tpu.memref_squeeze %dma_start3A_115 : memref<1x625x64xf32, #tpu.memory_space<hbm>> -> memref<625x64xf32, #tpu.memory_space<hbm>>
      tpu.enqueue_dma source(%dma_start3A_116 : memref<625x64xf32, #tpu.memory_space<hbm>>) target(%dma_start3A_113 : memref<625x64xf32, #tpu.memory_space<vmem_shared>>) target_semaphore(%run_scoped3A_111 : memref<!tpu.dma_semaphore, #tpu.memory_space<semaphore_mem>>)
      %dma_wait3A_117 = arith.constant 0 : i32
      %dma_wait3A_118 = tpu.memref_slice %arg12[%mul3A_71, %dma_wait3A_117] : memref<10000x64xf32, #tpu.memory_space<vmem_shared>> -> memref<625x64xf32, #tpu.memory_space<vmem_shared>>
      %dma_wait3A_119 = arith.constant 0 : i32
      %dma_wait3A_120 = tpu.memref_slice %arg2[%run_scoped3A_72, %mul3A_69, %dma_wait3A_119] : memref<1x10000x64xf32, #tpu.memory_space<hbm>> -> memref<1x625x64xf32, #tpu.memory_space<hbm>>
      %dma_wait3A_121 = tpu.memref_squeeze %dma_wait3A_120 : memref<1x625x64xf32, #tpu.memory_space<hbm>> -> memref<625x64xf32, #tpu.memory_space<hbm>>
      tpu.wait_dma2 semaphore(%run_scoped3A_111 : memref<!tpu.dma_semaphore, #tpu.memory_space<semaphore_mem>>) src(%dma_wait3A_121 : memref<625x64xf32, #tpu.memory_space<hbm>>) dst(%dma_wait3A_118 : memref<625x64xf32, #tpu.memory_space<vmem_shared>>)
      tpu.yield
    }) : () -> ()
    %barrier3A = arith.constant 0 : index
    tpu.barrier barrier_id(%barrier3A)
    %dma_start3A = arith.constant 0 : i32
    %dma_start3A_73 = tpu.memref_slice %arg6[%dma_start3A] : memref<10112xi32, #tpu.memory_space<vmem>> -> memref<128xi32, #tpu.memory_space<vmem>>
    %dma_start3A_74 = arith.constant 0 : i32
    %dma_start3A_75 = arith.constant 0 : i32
    %dma_start3A_76 = tpu.memref_slice %arg12[%dma_start3A_74, %dma_start3A_75] : memref<10000x64xf32, #tpu.memory_space<vmem_shared>> -> memref<10000x64xf32, #tpu.memory_space<vmem_shared>>
    tpu.enqueue_indirect_dma source(%dma_start3A_76 : memref<10000x64xf32, #tpu.memory_space<vmem_shared>>) target(%arg8 : memref<128x64xf32, #tpu.memory_space<vmem>>) offsets(%dma_start3A_73 : memref<128xi32, #tpu.memory_space<vmem>>) semaphore(%arg13 : memref<!tpu.dma_semaphore, #tpu.memory_space<semaphore_mem>>)
    %dma_start3A_77 = arith.constant 128 : i32
    %dma_start3A_78 = tpu.memref_slice %arg6[%dma_start3A_77] : memref<10112xi32, #tpu.memory_space<vmem>> -> memref<128xi32, #tpu.memory_space<vmem>>
    %dma_start3A_79 = arith.constant 0 : i32
    %dma_start3A_80 = arith.constant 0 : i32
    %dma_start3A_81 = tpu.memref_slice %arg12[%dma_start3A_79, %dma_start3A_80] : memref<10000x64xf32, #tpu.memory_space<vmem_shared>> -> memref<10000x64xf32, #tpu.memory_space<vmem_shared>>
    tpu.enqueue_indirect_dma source(%dma_start3A_81 : memref<10000x64xf32, #tpu.memory_space<vmem_shared>>) target(%arg9 : memref<128x64xf32, #tpu.memory_space<vmem>>) offsets(%dma_start3A_78 : memref<128xi32, #tpu.memory_space<vmem>>) semaphore(%arg14 : memref<!tpu.dma_semaphore, #tpu.memory_space<semaphore_mem>>)
    %scan3A = arith.constant 0 : i32
    %scan3A_82 = arith.constant 26 : i32
    %scan3A_83 = arith.addi %scan3A, %scan3A_82 : i32
    %scan3A_84 = arith.constant 1 : i32
    scf.for %scan3A_111 = %scan3A to %scan3A_83 step %scan3A_84  : i32 {
      %mul3A_112 = arith.constant 3 : i32
      %mul3A_113 = arith.muli %scan3A_111, %mul3A_112 : i32
      %add3A_114 = arith.constant 0 : i32
      %add3A_115 = arith.addi %add3A_114, %mul3A_113 : i32
      %add3A_116 = arith.constant 0 : i32
      %add3A_117 = arith.addi %add3A_115, %add3A_116 : i32
      %dma_wait3A_118 = arith.constant 0 : i32
      %dma_wait3A_119 = tpu.memref_slice %arg6[%dma_wait3A_118] : memref<10112xi32, #tpu.memory_space<vmem>> -> memref<128xi32, #tpu.memory_space<vmem>>
      %dma_wait3A_120 = arith.constant 0 : i32
      %dma_wait3A_121 = arith.constant 0 : i32
      %dma_wait3A_122 = tpu.memref_slice %arg12[%dma_wait3A_120, %dma_wait3A_121] : memref<10000x64xf32, #tpu.memory_space<vmem_shared>> -> memref<10000x64xf32, #tpu.memory_space<vmem_shared>>
      tpu.wait_indirect_dma semaphore(%arg13 : memref<!tpu.dma_semaphore, #tpu.memory_space<semaphore_mem>>) src(%dma_wait3A_122 : memref<10000x64xf32, #tpu.memory_space<vmem_shared>>) dst(%arg8 : memref<128x64xf32, #tpu.memory_space<vmem>>)
      %ge3A = arith.constant 1 : i32
      %ge3A_123 = arith.cmpi sge, %add3A_117, %ge3A : i32
      %convert_element_type3A = arith.extui %ge3A_123 : i1 to i32
      %cond3A = arith.constant 0 : i32
      %cond3A_124 = arith.cmpi ne, %convert_element_type3A, %cond3A : i32
      scf.if %cond3A_124 {
        %dma_wait3A_209 = arith.constant 0 : i32
        %dma_wait3A_210 = tpu.memref_slice %arg7[%dma_wait3A_209] : memref<10112xi32, #tpu.memory_space<vmem>> -> memref<128xi32, #tpu.memory_space<vmem>>
        %dma_wait3A_211 = arith.constant 0 : i32
        %dma_wait3A_212 = arith.constant 0 : i32
        %dma_wait3A_213 = tpu.memref_slice %arg11[%dma_wait3A_211, %dma_wait3A_212] : memref<10112x64xf32, #tpu.memory_space<vmem_shared>> -> memref<10112x64xf32, #tpu.memory_space<vmem_shared>>
        tpu.wait_indirect_dma semaphore(%arg18 : memref<!tpu.dma_semaphore, #tpu.memory_space<semaphore_mem>>) src(%arg10 : memref<128x64xf32, #tpu.memory_space<vmem>>) dst(%dma_wait3A_213 : memref<10112x64xf32, #tpu.memory_space<vmem_shared>>)
      } else {
      }
      %mul3A_125 = arith.constant 128 : i32
      %mul3A_126 = arith.muli %add3A_117, %mul3A_125 : i32
      %dma_start3A_127 = tpu.memref_slice %arg7[%mul3A_126] : memref<10112xi32, #tpu.memory_space<vmem>> -> memref<128xi32, #tpu.memory_space<vmem>>
      %dma_start3A_128 = arith.constant 0 : i32
      %dma_start3A_129 = arith.constant 0 : i32
      %dma_start3A_130 = tpu.memref_slice %arg11[%dma_start3A_128, %dma_start3A_129] : memref<10112x64xf32, #tpu.memory_space<vmem_shared>> -> memref<10112x64xf32, #tpu.memory_space<vmem_shared>>
      tpu.enqueue_indirect_dma source(%arg8 : memref<128x64xf32, #tpu.memory_space<vmem>>) target(%dma_start3A_130 : memref<10112x64xf32, #tpu.memory_space<vmem_shared>>) offsets(%dma_start3A_127 : memref<128xi32, #tpu.memory_space<vmem>>) semaphore(%arg16 : memref<!tpu.dma_semaphore, #tpu.memory_space<semaphore_mem>>) {add = true}
      %eq3A = arith.constant 0 : i32
      %eq3A_131 = arith.cmpi eq, %add3A_117, %eq3A : i32
      %convert_element_type3A_132 = arith.extui %eq3A_131 : i1 to i32
      %cond3A_133 = arith.constant 0 : i32
      %cond3A_134 = arith.cmpi ne, %convert_element_type3A_132, %cond3A_133 : i32
      scf.if %cond3A_134 {
        %dma_start3A_209 = arith.constant 256 : i32
        %dma_start3A_210 = tpu.memref_slice %arg6[%dma_start3A_209] : memref<10112xi32, #tpu.memory_space<vmem>> -> memref<128xi32, #tpu.memory_space<vmem>>
        %dma_start3A_211 = arith.constant 0 : i32
        %dma_start3A_212 = arith.constant 0 : i32
        %dma_start3A_213 = tpu.memref_slice %arg12[%dma_start3A_211, %dma_start3A_212] : memref<10000x64xf32, #tpu.memory_space<vmem_shared>> -> memref<10000x64xf32, #tpu.memory_space<vmem_shared>>
        tpu.enqueue_indirect_dma source(%dma_start3A_213 : memref<10000x64xf32, #tpu.memory_space<vmem_shared>>) target(%arg10 : memref<128x64xf32, #tpu.memory_space<vmem>>) offsets(%dma_start3A_210 : memref<128xi32, #tpu.memory_space<vmem>>) semaphore(%arg15 : memref<!tpu.dma_semaphore, #tpu.memory_space<semaphore_mem>>)
      } else {
      }
      %ge3A_135 = arith.constant 1 : i32
      %ge3A_136 = arith.cmpi sge, %add3A_117, %ge3A_135 : i32
      %add3A_137 = arith.constant 2 : i32
      %add3A_138 = arith.addi %add3A_117, %add3A_137 : i32
      %lt3A = arith.constant 79 : i32
      %lt3A_139 = arith.cmpi slt, %add3A_138, %lt3A : i32
      %and3A = arith.andi %ge3A_136, %lt3A_139 : i1
      %convert_element_type3A_140 = arith.extui %and3A : i1 to i32
      %cond3A_141 = arith.constant 0 : i32
      %cond3A_142 = arith.cmpi ne, %convert_element_type3A_140, %cond3A_141 : i32
      scf.if %cond3A_142 {
        %add3A_209 = arith.constant 2 : i32
        %add3A_210 = arith.addi %add3A_117, %add3A_209 : i32
        %mul3A_211 = arith.constant 128 : i32
        %mul3A_212 = arith.muli %add3A_210, %mul3A_211 : i32
        %dma_start3A_213 = tpu.memref_slice %arg6[%mul3A_212] : memref<10112xi32, #tpu.memory_space<vmem>> -> memref<128xi32, #tpu.memory_space<vmem>>
        %dma_start3A_214 = arith.constant 0 : i32
        %dma_start3A_215 = arith.constant 0 : i32
        %dma_start3A_216 = tpu.memref_slice %arg12[%dma_start3A_214, %dma_start3A_215] : memref<10000x64xf32, #tpu.memory_space<vmem_shared>> -> memref<10000x64xf32, #tpu.memory_space<vmem_shared>>
        tpu.enqueue_indirect_dma source(%dma_start3A_216 : memref<10000x64xf32, #tpu.memory_space<vmem_shared>>) target(%arg10 : memref<128x64xf32, #tpu.memory_space<vmem>>) offsets(%dma_start3A_213 : memref<128xi32, #tpu.memory_space<vmem>>) semaphore(%arg15 : memref<!tpu.dma_semaphore, #tpu.memory_space<semaphore_mem>>)
      } else {
      }
      %add3A_143 = arith.constant 1 : i32
      %add3A_144 = arith.addi %add3A_115, %add3A_143 : i32
      %dma_wait3A_145 = arith.constant 0 : i32
      %dma_wait3A_146 = tpu.memref_slice %arg6[%dma_wait3A_145] : memref<10112xi32, #tpu.memory_space<vmem>> -> memref<128xi32, #tpu.memory_space<vmem>>
      %dma_wait3A_147 = arith.constant 0 : i32
      %dma_wait3A_148 = arith.constant 0 : i32
      %dma_wait3A_149 = tpu.memref_slice %arg12[%dma_wait3A_147, %dma_wait3A_148] : memref<10000x64xf32, #tpu.memory_space<vmem_shared>> -> memref<10000x64xf32, #tpu.memory_space<vmem_shared>>
      tpu.wait_indirect_dma semaphore(%arg14 : memref<!tpu.dma_semaphore, #tpu.memory_space<semaphore_mem>>) src(%dma_wait3A_149 : memref<10000x64xf32, #tpu.memory_space<vmem_shared>>) dst(%arg9 : memref<128x64xf32, #tpu.memory_space<vmem>>)
      %ge3A_150 = arith.constant 1 : i32
      %ge3A_151 = arith.cmpi sge, %add3A_144, %ge3A_150 : i32
      %convert_element_type3A_152 = arith.extui %ge3A_151 : i1 to i32
      %cond3A_153 = arith.constant 0 : i32
      %cond3A_154 = arith.cmpi ne, %convert_element_type3A_152, %cond3A_153 : i32
      scf.if %cond3A_154 {
        %dma_wait3A_209 = arith.constant 0 : i32
        %dma_wait3A_210 = tpu.memref_slice %arg7[%dma_wait3A_209] : memref<10112xi32, #tpu.memory_space<vmem>> -> memref<128xi32, #tpu.memory_space<vmem>>
        %dma_wait3A_211 = arith.constant 0 : i32
        %dma_wait3A_212 = arith.constant 0 : i32
        %dma_wait3A_213 = tpu.memref_slice %arg11[%dma_wait3A_211, %dma_wait3A_212] : memref<10112x64xf32, #tpu.memory_space<vmem_shared>> -> memref<10112x64xf32, #tpu.memory_space<vmem_shared>>
        tpu.wait_indirect_dma semaphore(%arg16 : memref<!tpu.dma_semaphore, #tpu.memory_space<semaphore_mem>>) src(%arg8 : memref<128x64xf32, #tpu.memory_space<vmem>>) dst(%dma_wait3A_213 : memref<10112x64xf32, #tpu.memory_space<vmem_shared>>)
      } else {
      }
      %mul3A_155 = arith.constant 128 : i32
      %mul3A_156 = arith.muli %add3A_144, %mul3A_155 : i32
      %dma_start3A_157 = tpu.memref_slice %arg7[%mul3A_156] : memref<10112xi32, #tpu.memory_space<vmem>> -> memref<128xi32, #tpu.memory_space<vmem>>
      %dma_start3A_158 = arith.constant 0 : i32
      %dma_start3A_159 = arith.constant 0 : i32
      %dma_start3A_160 = tpu.memref_slice %arg11[%dma_start3A_158, %dma_start3A_159] : memref<10112x64xf32, #tpu.memory_space<vmem_shared>> -> memref<10112x64xf32, #tpu.memory_space<vmem_shared>>
      tpu.enqueue_indirect_dma source(%arg9 : memref<128x64xf32, #tpu.memory_space<vmem>>) target(%dma_start3A_160 : memref<10112x64xf32, #tpu.memory_space<vmem_shared>>) offsets(%dma_start3A_157 : memref<128xi32, #tpu.memory_space<vmem>>) semaphore(%arg17 : memref<!tpu.dma_semaphore, #tpu.memory_space<semaphore_mem>>) {add = true}
      %eq3A_161 = arith.constant 0 : i32
      %eq3A_162 = arith.cmpi eq, %add3A_144, %eq3A_161 : i32
      %convert_element_type3A_163 = arith.extui %eq3A_162 : i1 to i32
      %cond3A_164 = arith.constant 0 : i32
      %cond3A_165 = arith.cmpi ne, %convert_element_type3A_163, %cond3A_164 : i32
      scf.if %cond3A_165 {
        %dma_start3A_209 = arith.constant 256 : i32
        %dma_start3A_210 = tpu.memref_slice %arg6[%dma_start3A_209] : memref<10112xi32, #tpu.memory_space<vmem>> -> memref<128xi32, #tpu.memory_space<vmem>>
        %dma_start3A_211 = arith.constant 0 : i32
        %dma_start3A_212 = arith.constant 0 : i32
        %dma_start3A_213 = tpu.memref_slice %arg12[%dma_start3A_211, %dma_start3A_212] : memref<10000x64xf32, #tpu.memory_space<vmem_shared>> -> memref<10000x64xf32, #tpu.memory_space<vmem_shared>>
        tpu.enqueue_indirect_dma source(%dma_start3A_213 : memref<10000x64xf32, #tpu.memory_space<vmem_shared>>) target(%arg10 : memref<128x64xf32, #tpu.memory_space<vmem>>) offsets(%dma_start3A_210 : memref<128xi32, #tpu.memory_space<vmem>>) semaphore(%arg15 : memref<!tpu.dma_semaphore, #tpu.memory_space<semaphore_mem>>)
      } else {
      }
      %ge3A_166 = arith.constant 1 : i32
      %ge3A_167 = arith.cmpi sge, %add3A_144, %ge3A_166 : i32
      %add3A_168 = arith.constant 2 : i32
      %add3A_169 = arith.addi %add3A_144, %add3A_168 : i32
      %lt3A_170 = arith.constant 79 : i32
      %lt3A_171 = arith.cmpi slt, %add3A_169, %lt3A_170 : i32
      %and3A_172 = arith.andi %ge3A_167, %lt3A_171 : i1
      %convert_element_type3A_173 = arith.extui %and3A_172 : i1 to i32
      %cond3A_174 = arith.constant 0 : i32
      %cond3A_175 = arith.cmpi ne, %convert_element_type3A_173, %cond3A_174 : i32
      scf.if %cond3A_175 {
        %add3A_209 = arith.constant 2 : i32
        %add3A_210 = arith.addi %add3A_144, %add3A_209 : i32
        %mul3A_211 = arith.constant 128 : i32
        %mul3A_212 = arith.muli %add3A_210, %mul3A_211 : i32
        %dma_start3A_213 = tpu.memref_slice %arg6[%mul3A_212] : memref<10112xi32, #tpu.memory_space<vmem>> -> memref<128xi32, #tpu.memory_space<vmem>>
        %dma_start3A_214 = arith.constant 0 : i32
        %dma_start3A_215 = arith.constant 0 : i32
        %dma_start3A_216 = tpu.memref_slice %arg12[%dma_start3A_214, %dma_start3A_215] : memref<10000x64xf32, #tpu.memory_space<vmem_shared>> -> memref<10000x64xf32, #tpu.memory_space<vmem_shared>>
        tpu.enqueue_indirect_dma source(%dma_start3A_216 : memref<10000x64xf32, #tpu.memory_space<vmem_shared>>) target(%arg8 : memref<128x64xf32, #tpu.memory_space<vmem>>) offsets(%dma_start3A_213 : memref<128xi32, #tpu.memory_space<vmem>>) semaphore(%arg13 : memref<!tpu.dma_semaphore, #tpu.memory_space<semaphore_mem>>)
      } else {
      }
      %add3A_176 = arith.constant 2 : i32
      %add3A_177 = arith.addi %add3A_115, %add3A_176 : i32
      %dma_wait3A_178 = arith.constant 0 : i32
      %dma_wait3A_179 = tpu.memref_slice %arg6[%dma_wait3A_178] : memref<10112xi32, #tpu.memory_space<vmem>> -> memref<128xi32, #tpu.memory_space<vmem>>
      %dma_wait3A_180 = arith.constant 0 : i32
      %dma_wait3A_181 = arith.constant 0 : i32
      %dma_wait3A_182 = tpu.memref_slice %arg12[%dma_wait3A_180, %dma_wait3A_181] : memref<10000x64xf32, #tpu.memory_space<vmem_shared>> -> memref<10000x64xf32, #tpu.memory_space<vmem_shared>>
      tpu.wait_indirect_dma semaphore(%arg15 : memref<!tpu.dma_semaphore, #tpu.memory_space<semaphore_mem>>) src(%dma_wait3A_182 : memref<10000x64xf32, #tpu.memory_space<vmem_shared>>) dst(%arg10 : memref<128x64xf32, #tpu.memory_space<vmem>>)
      %ge3A_183 = arith.constant 1 : i32
      %ge3A_184 = arith.cmpi sge, %add3A_177, %ge3A_183 : i32
      %convert_element_type3A_185 = arith.extui %ge3A_184 : i1 to i32
      %cond3A_186 = arith.constant 0 : i32
      %cond3A_187 = arith.cmpi ne, %convert_element_type3A_185, %cond3A_186 : i32
      scf.if %cond3A_187 {
        %dma_wait3A_209 = arith.constant 0 : i32
        %dma_wait3A_210 = tpu.memref_slice %arg7[%dma_wait3A_209] : memref<10112xi32, #tpu.memory_space<vmem>> -> memref<128xi32, #tpu.memory_space<vmem>>
        %dma_wait3A_211 = arith.constant 0 : i32
        %dma_wait3A_212 = arith.constant 0 : i32
        %dma_wait3A_213 = tpu.memref_slice %arg11[%dma_wait3A_211, %dma_wait3A_212] : memref<10112x64xf32, #tpu.memory_space<vmem_shared>> -> memref<10112x64xf32, #tpu.memory_space<vmem_shared>>
        tpu.wait_indirect_dma semaphore(%arg17 : memref<!tpu.dma_semaphore, #tpu.memory_space<semaphore_mem>>) src(%arg9 : memref<128x64xf32, #tpu.memory_space<vmem>>) dst(%dma_wait3A_213 : memref<10112x64xf32, #tpu.memory_space<vmem_shared>>)
      } else {
      }
      %mul3A_188 = arith.constant 128 : i32
      %mul3A_189 = arith.muli %add3A_177, %mul3A_188 : i32
      %dma_start3A_190 = tpu.memref_slice %arg7[%mul3A_189] : memref<10112xi32, #tpu.memory_space<vmem>> -> memref<128xi32, #tpu.memory_space<vmem>>
      %dma_start3A_191 = arith.constant 0 : i32
      %dma_start3A_192 = arith.constant 0 : i32
      %dma_start3A_193 = tpu.memref_slice %arg11[%dma_start3A_191, %dma_start3A_192] : memref<10112x64xf32, #tpu.memory_space<vmem_shared>> -> memref<10112x64xf32, #tpu.memory_space<vmem_shared>>
      tpu.enqueue_indirect_dma source(%arg10 : memref<128x64xf32, #tpu.memory_space<vmem>>) target(%dma_start3A_193 : memref<10112x64xf32, #tpu.memory_space<vmem_shared>>) offsets(%dma_start3A_190 : memref<128xi32, #tpu.memory_space<vmem>>) semaphore(%arg18 : memref<!tpu.dma_semaphore, #tpu.memory_space<semaphore_mem>>) {add = true}
      %eq3A_194 = arith.constant 0 : i32
      %eq3A_195 = arith.cmpi eq, %add3A_177, %eq3A_194 : i32
      %convert_element_type3A_196 = arith.extui %eq3A_195 : i1 to i32
      %cond3A_197 = arith.constant 0 : i32
      %cond3A_198 = arith.cmpi ne, %convert_element_type3A_196, %cond3A_197 : i32
      scf.if %cond3A_198 {
        %dma_start3A_209 = arith.constant 256 : i32
        %dma_start3A_210 = tpu.memref_slice %arg6[%dma_start3A_209] : memref<10112xi32, #tpu.memory_space<vmem>> -> memref<128xi32, #tpu.memory_space<vmem>>
        %dma_start3A_211 = arith.constant 0 : i32
        %dma_start3A_212 = arith.constant 0 : i32
        %dma_start3A_213 = tpu.memref_slice %arg12[%dma_start3A_211, %dma_start3A_212] : memref<10000x64xf32, #tpu.memory_space<vmem_shared>> -> memref<10000x64xf32, #tpu.memory_space<vmem_shared>>
        tpu.enqueue_indirect_dma source(%dma_start3A_213 : memref<10000x64xf32, #tpu.memory_space<vmem_shared>>) target(%arg10 : memref<128x64xf32, #tpu.memory_space<vmem>>) offsets(%dma_start3A_210 : memref<128xi32, #tpu.memory_space<vmem>>) semaphore(%arg15 : memref<!tpu.dma_semaphore, #tpu.memory_space<semaphore_mem>>)
      } else {
      }
      %ge3A_199 = arith.constant 1 : i32
      %ge3A_200 = arith.cmpi sge, %add3A_177, %ge3A_199 : i32
      %add3A_201 = arith.constant 2 : i32
      %add3A_202 = arith.addi %add3A_177, %add3A_201 : i32
      %lt3A_203 = arith.constant 79 : i32
      %lt3A_204 = arith.cmpi slt, %add3A_202, %lt3A_203 : i32
      %and3A_205 = arith.andi %ge3A_200, %lt3A_204 : i1
      %convert_element_type3A_206 = arith.extui %and3A_205 : i1 to i32
      %cond3A_207 = arith.constant 0 : i32
      %cond3A_208 = arith.cmpi ne, %convert_element_type3A_206, %cond3A_207 : i32
      scf.if %cond3A_208 {
        %add3A_209 = arith.constant 2 : i32
        %add3A_210 = arith.addi %add3A_177, %add3A_209 : i32
        %mul3A_211 = arith.constant 128 : i32
        %mul3A_212 = arith.muli %add3A_210, %mul3A_211 : i32
        %dma_start3A_213 = tpu.memref_slice %arg6[%mul3A_212] : memref<10112xi32, #tpu.memory_space<vmem>> -> memref<128xi32, #tpu.memory_space<vmem>>
        %dma_start3A_214 = arith.constant 0 : i32
        %dma_start3A_215 = arith.constant 0 : i32
        %dma_start3A_216 = tpu.memref_slice %arg12[%dma_start3A_214, %dma_start3A_215] : memref<10000x64xf32, #tpu.memory_space<vmem_shared>> -> memref<10000x64xf32, #tpu.memory_space<vmem_shared>>
        tpu.enqueue_indirect_dma source(%dma_start3A_216 : memref<10000x64xf32, #tpu.memory_space<vmem_shared>>) target(%arg9 : memref<128x64xf32, #tpu.memory_space<vmem>>) offsets(%dma_start3A_213 : memref<128xi32, #tpu.memory_space<vmem>>) semaphore(%arg14 : memref<!tpu.dma_semaphore, #tpu.memory_space<semaphore_mem>>)
      } else {
      }
    }
    %scan3A_85 = arith.constant 26 : i32
    %dma_wait3A = arith.constant 0 : i32
    %dma_wait3A_86 = tpu.memref_slice %arg6[%dma_wait3A] : memref<10112xi32, #tpu.memory_space<vmem>> -> memref<128xi32, #tpu.memory_space<vmem>>
    %dma_wait3A_87 = arith.constant 0 : i32
    %dma_wait3A_88 = arith.constant 0 : i32
    %dma_wait3A_89 = tpu.memref_slice %arg12[%dma_wait3A_87, %dma_wait3A_88] : memref<10000x64xf32, #tpu.memory_space<vmem_shared>> -> memref<10000x64xf32, #tpu.memory_space<vmem_shared>>
    tpu.wait_indirect_dma semaphore(%arg13 : memref<!tpu.dma_semaphore, #tpu.memory_space<semaphore_mem>>) src(%dma_wait3A_89 : memref<10000x64xf32, #tpu.memory_space<vmem_shared>>) dst(%arg8 : memref<128x64xf32, #tpu.memory_space<vmem>>)
    %dma_wait3A_90 = arith.constant 0 : i32
    %dma_wait3A_91 = tpu.memref_slice %arg7[%dma_wait3A_90] : memref<10112xi32, #tpu.memory_space<vmem>> -> memref<128xi32, #tpu.memory_space<vmem>>
    %dma_wait3A_92 = arith.constant 0 : i32
    %dma_wait3A_93 = arith.constant 0 : i32
    %dma_wait3A_94 = tpu.memref_slice %arg11[%dma_wait3A_92, %dma_wait3A_93] : memref<10112x64xf32, #tpu.memory_space<vmem_shared>> -> memref<10112x64xf32, #tpu.memory_space<vmem_shared>>
    tpu.wait_indirect_dma semaphore(%arg18 : memref<!tpu.dma_semaphore, #tpu.memory_space<semaphore_mem>>) src(%arg10 : memref<128x64xf32, #tpu.memory_space<vmem>>) dst(%dma_wait3A_94 : memref<10112x64xf32, #tpu.memory_space<vmem_shared>>)
    %dma_start3A_95 = arith.constant 9984 : i32
    %dma_start3A_96 = tpu.memref_slice %arg7[%dma_start3A_95] : memref<10112xi32, #tpu.memory_space<vmem>> -> memref<128xi32, #tpu.memory_space<vmem>>
    %dma_start3A_97 = arith.constant 0 : i32
    %dma_start3A_98 = arith.constant 0 : i32
    %dma_start3A_99 = tpu.memref_slice %arg11[%dma_start3A_97, %dma_start3A_98] : memref<10112x64xf32, #tpu.memory_space<vmem_shared>> -> memref<10112x64xf32, #tpu.memory_space<vmem_shared>>
    tpu.enqueue_indirect_dma source(%arg8 : memref<128x64xf32, #tpu.memory_space<vmem>>) target(%dma_start3A_99 : memref<10112x64xf32, #tpu.memory_space<vmem_shared>>) offsets(%dma_start3A_96 : memref<128xi32, #tpu.memory_space<vmem>>) semaphore(%arg16 : memref<!tpu.dma_semaphore, #tpu.memory_space<semaphore_mem>>) {add = true}
    %dma_wait3A_100 = arith.constant 0 : i32
    %dma_wait3A_101 = tpu.memref_slice %arg7[%dma_wait3A_100] : memref<10112xi32, #tpu.memory_space<vmem>> -> memref<128xi32, #tpu.memory_space<vmem>>
    %dma_wait3A_102 = arith.constant 0 : i32
    %dma_wait3A_103 = arith.constant 0 : i32
    %dma_wait3A_104 = tpu.memref_slice %arg11[%dma_wait3A_102, %dma_wait3A_103] : memref<10112x64xf32, #tpu.memory_space<vmem_shared>> -> memref<10112x64xf32, #tpu.memory_space<vmem_shared>>
    tpu.wait_indirect_dma semaphore(%arg16 : memref<!tpu.dma_semaphore, #tpu.memory_space<semaphore_mem>>) src(%arg8 : memref<128x64xf32, #tpu.memory_space<vmem>>) dst(%dma_wait3A_104 : memref<10112x64xf32, #tpu.memory_space<vmem_shared>>)
    %barrier3A_105 = arith.constant 0 : index
    tpu.barrier barrier_id(%barrier3A_105)
    %mul3A_106 = arith.constant 632 : i32
    %mul3A_107 = arith.muli %arg1, %mul3A_106 : i32
    %mul3A_108 = arith.constant 632 : i32
    %mul3A_109 = arith.muli %arg1, %mul3A_108 : i32
    %run_scoped3A_110 = arith.constant 0 : i32
    "tpu.region"() ({
      %run_scoped3A_111 = tpu.sem_alloc : memref<!tpu.dma_semaphore, #tpu.memory_space<semaphore_mem>>
      %dma_start3A_112 = arith.constant 0 : i32
      %dma_start3A_113 = tpu.memref_slice %arg5[%run_scoped3A_110, %arg0, %mul3A_109, %dma_start3A_112] : memref<1x2x10112x64xf32, #tpu.memory_space<hbm>> -> memref<1x1x632x64xf32, #tpu.memory_space<hbm>>
      %dma_start3A_114 = tpu.memref_squeeze %dma_start3A_113 : memref<1x1x632x64xf32, #tpu.memory_space<hbm>> -> memref<632x64xf32, #tpu.memory_space<hbm>>
      %dma_start3A_115 = arith.constant 0 : i32
      %dma_start3A_116 = tpu.memref_slice %arg11[%mul3A_107, %dma_start3A_115] : memref<10112x64xf32, #tpu.memory_space<vmem_shared>> -> memref<632x64xf32, #tpu.memory_space<vmem_shared>>
      tpu.enqueue_dma source(%dma_start3A_116 : memref<632x64xf32, #tpu.memory_space<vmem_shared>>) target(%dma_start3A_114 : memref<632x64xf32, #tpu.memory_space<hbm>>) target_semaphore(%run_scoped3A_111 : memref<!tpu.dma_semaphore, #tpu.memory_space<semaphore_mem>>)
      %dma_wait3A_117 = arith.constant 0 : i32
      %dma_wait3A_118 = tpu.memref_slice %arg5[%run_scoped3A_110, %arg0, %mul3A_109, %dma_wait3A_117] : memref<1x2x10112x64xf32, #tpu.memory_space<hbm>> -> memref<1x1x632x64xf32, #tpu.memory_space<hbm>>
      %dma_wait3A_119 = tpu.memref_squeeze %dma_wait3A_118 : memref<1x1x632x64xf32, #tpu.memory_space<hbm>> -> memref<632x64xf32, #tpu.memory_space<hbm>>
      %dma_wait3A_120 = arith.constant 0 : i32
      %dma_wait3A_121 = tpu.memref_slice %arg11[%mul3A_107, %dma_wait3A_120] : memref<10112x64xf32, #tpu.memory_space<vmem_shared>> -> memref<632x64xf32, #tpu.memory_space<vmem_shared>>
      tpu.wait_dma2 semaphore(%run_scoped3A_111 : memref<!tpu.dma_semaphore, #tpu.memory_space<semaphore_mem>>) src(%dma_wait3A_121 : memref<632x64xf32, #tpu.memory_space<vmem_shared>>) dst(%dma_wait3A_119 : memref<632x64xf32, #tpu.memory_space<hbm>>)
      tpu.yield
    }) : () -> ()
    return
  }
}

module attributes {stable_mosaic.version = 14 : i64} {
  func.func @_tc_mm1_body(%arg0: memref<10000x128xf32, #tpu.memory_space<vmem>>, %arg1: memref<128x64xf32, #tpu.memory_space<vmem>>, %arg2: memref<10000x64xf32, #tpu.memory_space<vmem>>) attributes {dimension_semantics = [], scalar_prefetch = 0 : i64, scratch_operands = 0 : i64, tpu.core_type = #tpu.core_type<tc>} {
    %get3A = arith.constant 0 : index
    %get3A_0 = arith.constant 0 : index
    %get3A_1 = vector.load %arg0[%get3A, %get3A_0] : memref<10000x128xf32, #tpu.memory_space<vmem>>, vector<10000x128xf32>
    %get3A_2 = arith.constant 0 : index
    %get3A_3 = arith.constant 0 : index
    %get3A_4 = vector.load %arg1[%get3A_2, %get3A_3] : memref<128x64xf32, #tpu.memory_space<vmem>>, vector<128x64xf32>
    %dot_general3A = arith.constant dense<0.000000e+00> : vector<10000x64xf32>
    %dot_general3A_5 = tpu.matmul %get3A_1, %get3A_4, %dot_general3A {dimension_numbers = #tpu.dot_dimension_numbers<[1], [0], [0], [1], [0, 0, 1, 1], [], []>, transpose_lhs_hint = false} : vector<10000x128xf32>, vector<128x64xf32>, vector<10000x64xf32> -> vector<10000x64xf32>
    %swap3A = arith.constant 0 : index
    %swap3A_6 = arith.constant 0 : index
    %swap3A_7 = vector.load %arg2[%swap3A, %swap3A_6] : memref<10000x64xf32, #tpu.memory_space<vmem>>, vector<10000x64xf32>
    tpu.vector_store %arg2[%swap3A, %swap3A_6], %dot_general3A_5 {strides = array<i32>} : memref<10000x64xf32, #tpu.memory_space<vmem>>, vector<10000x64xf32>,
    return
  }
}

module attributes {stable_mosaic.version = 14 : i64} {
  func.func @_tc_scale_body(%arg0: i32, %arg1: memref<2000x64xf32, #tpu.memory_space<vmem>>, %arg2: memref<2x2000x8xf32, #tpu.memory_space<vmem>>, %arg3: memref<2000x64xf32, #tpu.memory_space<vmem>>) attributes {dimension_semantics = [#tpu.dimension_semantics<arbitrary>], iteration_bounds = array<i64: 5>, scalar_prefetch = 0 : i64, scratch_operands = 0 : i64, tpu.core_type = #tpu.core_type<tc>, window_params = [{transform_indices = @transform_0, window_bounds = array<i64: 2000, 64>}, {transform_indices = @transform_1, window_bounds = array<i64: 2, 2000, 8>}, {transform_indices = @transform_2, window_bounds = array<i64: 2000, 64>}]} {
    %get3A = arith.constant 0 : index
    %get3A_0 = arith.constant 0 : index
    %get3A_1 = vector.load %arg1[%get3A, %get3A_0] : memref<2000x64xf32, #tpu.memory_space<vmem>>, vector<2000x64xf32>
    %get3A_2 = arith.constant 0 : index
    %get3A_3 = arith.constant 0 : index
    %get3A_4 = arith.constant 0 : index
    %get3A_5 = vector.load %arg2[%get3A_2, %get3A_3, %get3A_4] : memref<2x2000x8xf32, #tpu.memory_space<vmem>>, vector<1x2000x1xf32>
    %get3A_6 = vector.shape_cast %get3A_5 : vector<1x2000x1xf32> to vector<2000x1xf32>
    %get3A_7 = arith.constant 1 : index
    %get3A_8 = arith.constant 0 : index
    %get3A_9 = arith.constant 0 : index
    %get3A_10 = vector.load %arg2[%get3A_7, %get3A_8, %get3A_9] : memref<2x2000x8xf32, #tpu.memory_space<vmem>>, vector<1x2000x1xf32>
    %get3A_11 = vector.shape_cast %get3A_10 : vector<1x2000x1xf32> to vector<2000x1xf32>
    %add3A = arith.addf %get3A_6, %get3A_11 : vector<2000x1xf32>
    %add3A_12 = arith.constant 1.000000e+00 : f32
    %add3A_13 = vector.broadcast %add3A_12 : f32 to vector<2000x1xf32>
    %add3A_14 = arith.addf %add3A, %add3A_13 : vector<2000x1xf32>
    %rsqrt3A = math.rsqrt %add3A_14 : vector<2000x1xf32>
    %mul3A = vector.broadcast %rsqrt3A : vector<2000x1xf32> to vector<2000x64xf32>
    %mul3A_15 = arith.mulf %get3A_1, %mul3A : vector<2000x64xf32>
    %swap3A = arith.constant 0 : index
    %swap3A_16 = arith.constant 0 : index
    %swap3A_17 = vector.load %arg3[%swap3A, %swap3A_16] : memref<2000x64xf32, #tpu.memory_space<vmem>>, vector<2000x64xf32>
    tpu.vector_store %arg3[%swap3A, %swap3A_16], %mul3A_15 {strides = array<i32>} : memref<2000x64xf32, #tpu.memory_space<vmem>>, vector<2000x64xf32>,
    return
  }
  func.func @transform_0(%arg0: i32) -> (i32, i32) {
    %c0_i32 = arith.constant 0 : i32
    %c0_i32_0 = arith.constant 0 : i32
    return %arg0, %c0_i32 : i32, i32
  }
  func.func @transform_1(%arg0: i32) -> (i32, i32, i32) {
    %c0_i32 = arith.constant 0 : i32
    %c0_i32_0 = arith.constant 0 : i32
    %c0_i32_1 = arith.constant 0 : i32
    return %c0_i32, %arg0, %c0_i32_0 : i32, i32, i32
  }
  func.func @transform_2(%arg0: i32) -> (i32, i32) {
    %c0_i32 = arith.constant 0 : i32
    %c0_i32_0 = arith.constant 0 : i32
    return %arg0, %c0_i32 : i32, i32
  }
}

module attributes {stable_mosaic.version = 14 : i64} {
  func.func @_tc2_body(%arg0: i32, %arg1: memref<2000x64xf32, #tpu.memory_space<vmem>>, %arg2: memref<1x2x2000x64xf32, #tpu.memory_space<vmem>>, %arg3: memref<2x2000x8xf32, #tpu.memory_space<vmem>>, %arg4: memref<64x128xf32, #tpu.memory_space<vmem>>, %arg5: memref<1x64xf32, #tpu.memory_space<vmem>>, %arg6: memref<2x2000x64xf32, #tpu.memory_space<vmem>>) attributes {dimension_semantics = [#tpu.dimension_semantics<arbitrary>], iteration_bounds = array<i64: 5>, scalar_prefetch = 0 : i64, scratch_operands = 0 : i64, tpu.core_type = #tpu.core_type<tc>, window_params = [{transform_indices = @transform_0, window_bounds = array<i64: 2000, 64>}, {transform_indices = @transform_1, window_bounds = array<i64: 1, 2, 2000, 64>}, {transform_indices = @transform_2, window_bounds = array<i64: 2, 2000, 8>}, {pipeline_mode = #tpu.pipeline_mode<synchronous>, transform_indices = @transform_3, window_bounds = array<i64: 64, 128>}, {pipeline_mode = #tpu.pipeline_mode<synchronous>, transform_indices = @transform_4, window_bounds = array<i64: 1, 64>}, {transform_indices = @transform_5, window_bounds = array<i64: 2, 2000, 64>}]} {
    %get3A = arith.constant 0 : index
    %get3A_0 = arith.constant 0 : index
    %get3A_1 = arith.constant 0 : index
    %get3A_2 = vector.load %arg3[%get3A, %get3A_0, %get3A_1] : memref<2x2000x8xf32, #tpu.memory_space<vmem>>, vector<1x2000x1xf32>
    %get3A_3 = vector.shape_cast %get3A_2 : vector<1x2000x1xf32> to vector<2000x1xf32>
    %get3A_4 = arith.constant 1 : index
    %get3A_5 = arith.constant 0 : index
    %get3A_6 = arith.constant 0 : index
    %get3A_7 = vector.load %arg3[%get3A_4, %get3A_5, %get3A_6] : memref<2x2000x8xf32, #tpu.memory_space<vmem>>, vector<1x2000x1xf32>
    %get3A_8 = vector.shape_cast %get3A_7 : vector<1x2000x1xf32> to vector<2000x1xf32>
    %add3A = arith.addf %get3A_3, %get3A_8 : vector<2000x1xf32>
    %add3A_9 = arith.constant 1.000000e+00 : f32
    %add3A_10 = vector.broadcast %add3A_9 : f32 to vector<2000x1xf32>
    %add3A_11 = arith.addf %add3A, %add3A_10 : vector<2000x1xf32>
    %rsqrt3A = math.rsqrt %add3A_11 : vector<2000x1xf32>
    %get3A_12 = arith.constant 0 : index
    %get3A_13 = arith.constant 0 : index
    %get3A_14 = arith.constant 0 : index
    %get3A_15 = arith.constant 0 : index
    %get3A_16 = vector.load %arg2[%get3A_12, %get3A_13, %get3A_14, %get3A_15] : memref<1x2x2000x64xf32, #tpu.memory_space<vmem>>, vector<1x1x2000x64xf32>
    %get3A_17 = vector.shape_cast %get3A_16 : vector<1x1x2000x64xf32> to vector<2000x64xf32>
    %get3A_18 = arith.constant 0 : index
    %get3A_19 = arith.constant 1 : index
    %get3A_20 = arith.constant 0 : index
    %get3A_21 = arith.constant 0 : index
    %get3A_22 = vector.load %arg2[%get3A_18, %get3A_19, %get3A_20, %get3A_21] : memref<1x2x2000x64xf32, #tpu.memory_space<vmem>>, vector<1x1x2000x64xf32>
    %get3A_23 = vector.shape_cast %get3A_22 : vector<1x1x2000x64xf32> to vector<2000x64xf32>
    %add3A_24 = arith.addf %get3A_17, %get3A_23 : vector<2000x64xf32>
    %get3A_25 = arith.constant 0 : index
    %get3A_26 = arith.constant 0 : index
    %get3A_27 = vector.load %arg1[%get3A_25, %get3A_26] : memref<2000x64xf32, #tpu.memory_space<vmem>>, vector<2000x64xf32>
    %add3A_28 = arith.addf %add3A_24, %get3A_27 : vector<2000x64xf32>
    %mul3A = vector.broadcast %rsqrt3A : vector<2000x1xf32> to vector<2000x64xf32>
    %mul3A_29 = arith.mulf %add3A_28, %mul3A : vector<2000x64xf32>
    %get3A_30 = arith.constant 0 : index
    %get3A_31 = arith.constant 0 : index
    %get3A_32 = vector.load %arg5[%get3A_30, %get3A_31] : memref<1x64xf32, #tpu.memory_space<vmem>>, vector<1x64xf32>
    %add3A_33 = vector.broadcast %get3A_32 : vector<1x64xf32> to vector<2000x64xf32>
    %add3A_34 = arith.addf %mul3A_29, %add3A_33 : vector<2000x64xf32>
    %max3A = arith.constant 0.000000e+00 : f32
    %max3A_35 = vector.broadcast %max3A : f32 to vector<2000x64xf32>
    %max3A_36 = arith.maximumf %add3A_34, %max3A_35 : vector<2000x64xf32>
    %get3A_37 = arith.constant 0 : index
    %get3A_38 = arith.constant 0 : index
    %get3A_39 = vector.load %arg4[%get3A_37, %get3A_38] : memref<64x128xf32, #tpu.memory_space<vmem>>, vector<64x128xf32>
    %dot_general3A = arith.constant dense<0.000000e+00> : vector<2000x128xf32>
    %dot_general3A_40 = tpu.matmul %max3A_36, %get3A_39, %dot_general3A {dimension_numbers = #tpu.dot_dimension_numbers<[1], [0], [0], [1], [0, 0, 1, 1], [], []>, transpose_lhs_hint = false} : vector<2000x64xf32>, vector<64x128xf32>, vector<2000x128xf32> -> vector<2000x128xf32>
    %mul3A_41 = vector.broadcast %rsqrt3A : vector<2000x1xf32> to vector<2000x128xf32>
    %mul3A_42 = arith.mulf %dot_general3A_40, %mul3A_41 : vector<2000x128xf32>
    %slice3A = vector.extract_strided_slice %mul3A_42 {offsets = [0, 0], sizes = [2000, 64], strides = [1, 1]} : vector<2000x128xf32> to vector<2000x64xf32>
    %swap3A = arith.constant 0 : index
    %swap3A_43 = arith.constant 0 : index
    %swap3A_44 = arith.constant 0 : index
    %swap3A_45 = vector.load %arg6[%swap3A, %swap3A_43, %swap3A_44] : memref<2x2000x64xf32, #tpu.memory_space<vmem>>, vector<1x2000x64xf32>
    %swap3A_46 = vector.shape_cast %swap3A_45 : vector<1x2000x64xf32> to vector<2000x64xf32>
    %swap3A_47 = vector.shape_cast %slice3A : vector<2000x64xf32> to vector<1x2000x64xf32>
    tpu.vector_store %arg6[%swap3A, %swap3A_43, %swap3A_44], %swap3A_47 {strides = array<i32>} : memref<2x2000x64xf32, #tpu.memory_space<vmem>>, vector<1x2000x64xf32>,
    %slice3A_48 = vector.extract_strided_slice %mul3A_42 {offsets = [0, 64], sizes = [2000, 64], strides = [1, 1]} : vector<2000x128xf32> to vector<2000x64xf32>
    %swap3A_49 = arith.constant 1 : index
    %swap3A_50 = arith.constant 0 : index
    %swap3A_51 = arith.constant 0 : index
    %swap3A_52 = vector.load %arg6[%swap3A_49, %swap3A_50, %swap3A_51] : memref<2x2000x64xf32, #tpu.memory_space<vmem>>, vector<1x2000x64xf32>
    %swap3A_53 = vector.shape_cast %swap3A_52 : vector<1x2000x64xf32> to vector<2000x64xf32>
    %swap3A_54 = vector.shape_cast %slice3A_48 : vector<2000x64xf32> to vector<1x2000x64xf32>
    tpu.vector_store %arg6[%swap3A_49, %swap3A_50, %swap3A_51], %swap3A_54 {strides = array<i32>} : memref<2x2000x64xf32, #tpu.memory_space<vmem>>, vector<1x2000x64xf32>,
    return
  }
  func.func @transform_0(%arg0: i32) -> (i32, i32) {
    %c0_i32 = arith.constant 0 : i32
    %c0_i32_0 = arith.constant 0 : i32
    return %arg0, %c0_i32 : i32, i32
  }
  func.func @transform_1(%arg0: i32) -> (i32, i32, i32, i32) {
    %c0_i32 = arith.constant 0 : i32
    %c0_i32_0 = arith.constant 0 : i32
    %c0_i32_1 = arith.constant 0 : i32
    %c0_i32_2 = arith.constant 0 : i32
    return %c0_i32, %c0_i32_0, %arg0, %c0_i32_1 : i32, i32, i32, i32
  }
  func.func @transform_2(%arg0: i32) -> (i32, i32, i32) {
    %c0_i32 = arith.constant 0 : i32
    %c0_i32_0 = arith.constant 0 : i32
    %c0_i32_1 = arith.constant 0 : i32
    return %c0_i32, %arg0, %c0_i32_0 : i32, i32, i32
  }
  func.func @transform_3(%arg0: i32) -> (i32, i32) {
    %c0_i32 = arith.constant 0 : i32
    %c0_i32_0 = arith.constant 0 : i32
    %c0_i32_1 = arith.constant 0 : i32
    return %c0_i32, %c0_i32_0 : i32, i32
  }
  func.func @transform_4(%arg0: i32) -> (i32, i32) {
    %c0_i32 = arith.constant 0 : i32
    %c0_i32_0 = arith.constant 0 : i32
    %c0_i32_1 = arith.constant 0 : i32
    return %c0_i32, %c0_i32_0 : i32, i32
  }
  func.func @transform_5(%arg0: i32) -> (i32, i32, i32) {
    %c0_i32 = arith.constant 0 : i32
    %c0_i32_0 = arith.constant 0 : i32
    %c0_i32_1 = arith.constant 0 : i32
    return %c0_i32, %arg0, %c0_i32_0 : i32, i32, i32
  }
}

module attributes {stable_mosaic.version = 14 : i64} {
  func.func @_tc3_body(%arg0: i32, %arg1: memref<2x2000x64xf32, #tpu.memory_space<vmem>>, %arg2: memref<2x2x2000x64xf32, #tpu.memory_space<vmem>>, %arg3: memref<2x2000x8xf32, #tpu.memory_space<vmem>>, %arg4: memref<1x128xf32, #tpu.memory_space<vmem>>, %arg5: memref<2000x128xf32, #tpu.memory_space<vmem>>) attributes {dimension_semantics = [#tpu.dimension_semantics<arbitrary>], iteration_bounds = array<i64: 5>, scalar_prefetch = 0 : i64, scratch_operands = 0 : i64, tpu.core_type = #tpu.core_type<tc>, window_params = [{transform_indices = @transform_0, window_bounds = array<i64: 2, 2000, 64>}, {transform_indices = @transform_1, window_bounds = array<i64: 2, 2, 2000, 64>}, {transform_indices = @transform_2, window_bounds = array<i64: 2, 2000, 8>}, {pipeline_mode = #tpu.pipeline_mode<synchronous>, transform_indices = @transform_3, window_bounds = array<i64: 1, 128>}, {transform_indices = @transform_4, window_bounds = array<i64: 2000, 128>}]} {
    %get3A = arith.constant 0 : index
    %get3A_0 = arith.constant 0 : index
    %get3A_1 = arith.constant 0 : index
    %get3A_2 = vector.load %arg3[%get3A, %get3A_0, %get3A_1] : memref<2x2000x8xf32, #tpu.memory_space<vmem>>, vector<1x2000x1xf32>
    %get3A_3 = vector.shape_cast %get3A_2 : vector<1x2000x1xf32> to vector<2000x1xf32>
    %get3A_4 = arith.constant 1 : index
    %get3A_5 = arith.constant 0 : index
    %get3A_6 = arith.constant 0 : index
    %get3A_7 = vector.load %arg3[%get3A_4, %get3A_5, %get3A_6] : memref<2x2000x8xf32, #tpu.memory_space<vmem>>, vector<1x2000x1xf32>
    %get3A_8 = vector.shape_cast %get3A_7 : vector<1x2000x1xf32> to vector<2000x1xf32>
    %add3A = arith.addf %get3A_3, %get3A_8 : vector<2000x1xf32>
    %add3A_9 = arith.constant 1.000000e+00 : f32
    %add3A_10 = vector.broadcast %add3A_9 : f32 to vector<2000x1xf32>
    %add3A_11 = arith.addf %add3A, %add3A_10 : vector<2000x1xf32>
    %rsqrt3A = math.rsqrt %add3A_11 : vector<2000x1xf32>
    %get3A_12 = arith.constant 0 : index
    %get3A_13 = arith.constant 0 : index
    %get3A_14 = arith.constant 0 : index
    %get3A_15 = arith.constant 0 : index
    %get3A_16 = vector.load %arg2[%get3A_12, %get3A_13, %get3A_14, %get3A_15] : memref<2x2x2000x64xf32, #tpu.memory_space<vmem>>, vector<1x1x2000x64xf32>
    %get3A_17 = vector.shape_cast %get3A_16 : vector<1x1x2000x64xf32> to vector<2000x64xf32>
    %get3A_18 = arith.constant 0 : index
    %get3A_19 = arith.constant 1 : index
    %get3A_20 = arith.constant 0 : index
    %get3A_21 = arith.constant 0 : index
    %get3A_22 = vector.load %arg2[%get3A_18, %get3A_19, %get3A_20, %get3A_21] : memref<2x2x2000x64xf32, #tpu.memory_space<vmem>>, vector<1x1x2000x64xf32>
    %get3A_23 = vector.shape_cast %get3A_22 : vector<1x1x2000x64xf32> to vector<2000x64xf32>
    %add3A_24 = arith.addf %get3A_17, %get3A_23 : vector<2000x64xf32>
    %get3A_25 = arith.constant 0 : index
    %get3A_26 = arith.constant 0 : index
    %get3A_27 = arith.constant 0 : index
    %get3A_28 = vector.load %arg1[%get3A_25, %get3A_26, %get3A_27] : memref<2x2000x64xf32, #tpu.memory_space<vmem>>, vector<1x2000x64xf32>
    %get3A_29 = vector.shape_cast %get3A_28 : vector<1x2000x64xf32> to vector<2000x64xf32>
    %add3A_30 = arith.addf %add3A_24, %get3A_29 : vector<2000x64xf32>
    %mul3A = vector.broadcast %rsqrt3A : vector<2000x1xf32> to vector<2000x64xf32>
    %mul3A_31 = arith.mulf %add3A_30, %mul3A : vector<2000x64xf32>
    %get3A_32 = arith.constant 1 : index
    %get3A_33 = arith.constant 0 : index
    %get3A_34 = arith.constant 0 : index
    %get3A_35 = arith.constant 0 : index
    %get3A_36 = vector.load %arg2[%get3A_32, %get3A_33, %get3A_34, %get3A_35] : memref<2x2x2000x64xf32, #tpu.memory_space<vmem>>, vector<1x1x2000x64xf32>
    %get3A_37 = vector.shape_cast %get3A_36 : vector<1x1x2000x64xf32> to vector<2000x64xf32>
    %get3A_38 = arith.constant 1 : index
    %get3A_39 = arith.constant 1 : index
    %get3A_40 = arith.constant 0 : index
    %get3A_41 = arith.constant 0 : index
    %get3A_42 = vector.load %arg2[%get3A_38, %get3A_39, %get3A_40, %get3A_41] : memref<2x2x2000x64xf32, #tpu.memory_space<vmem>>, vector<1x1x2000x64xf32>
    %get3A_43 = vector.shape_cast %get3A_42 : vector<1x1x2000x64xf32> to vector<2000x64xf32>
    %add3A_44 = arith.addf %get3A_37, %get3A_43 : vector<2000x64xf32>
    %get3A_45 = arith.constant 1 : index
    %get3A_46 = arith.constant 0 : index
    %get3A_47 = arith.constant 0 : index
    %get3A_48 = vector.load %arg1[%get3A_45, %get3A_46, %get3A_47] : memref<2x2000x64xf32, #tpu.memory_space<vmem>>, vector<1x2000x64xf32>
    %get3A_49 = vector.shape_cast %get3A_48 : vector<1x2000x64xf32> to vector<2000x64xf32>
    %add3A_50 = arith.addf %add3A_44, %get3A_49 : vector<2000x64xf32>
    %mul3A_51 = vector.broadcast %rsqrt3A : vector<2000x1xf32> to vector<2000x64xf32>
    %mul3A_52 = arith.mulf %add3A_50, %mul3A_51 : vector<2000x64xf32>
    %concatenate3A = tpu.concatenate %mul3A_31, %mul3A_52 in 1 : vector<2000x64xf32>, vector<2000x64xf32> -> vector<2000x128xf32>
    %get3A_53 = arith.constant 0 : index
    %get3A_54 = arith.constant 0 : index
    %get3A_55 = vector.load %arg4[%get3A_53, %get3A_54] : memref<1x128xf32, #tpu.memory_space<vmem>>, vector<1x128xf32>
    %add3A_56 = vector.broadcast %get3A_55 : vector<1x128xf32> to vector<2000x128xf32>
    %add3A_57 = arith.addf %concatenate3A, %add3A_56 : vector<2000x128xf32>
    %swap3A = arith.constant 0 : index
    %swap3A_58 = arith.constant 0 : index
    %swap3A_59 = vector.load %arg5[%swap3A, %swap3A_58] : memref<2000x128xf32, #tpu.memory_space<vmem>>, vector<2000x128xf32>
    tpu.vector_store %arg5[%swap3A, %swap3A_58], %add3A_57 {strides = array<i32>} : memref<2000x128xf32, #tpu.memory_space<vmem>>, vector<2000x128xf32>,
    return
  }
  func.func @transform_0(%arg0: i32) -> (i32, i32, i32) {
    %c0_i32 = arith.constant 0 : i32
    %c0_i32_0 = arith.constant 0 : i32
    %c0_i32_1 = arith.constant 0 : i32
    return %c0_i32, %arg0, %c0_i32_0 : i32, i32, i32
  }
  func.func @transform_1(%arg0: i32) -> (i32, i32, i32, i32) {
    %c0_i32 = arith.constant 0 : i32
    %c0_i32_0 = arith.constant 0 : i32
    %c0_i32_1 = arith.constant 0 : i32
    %c0_i32_2 = arith.constant 0 : i32
    return %c0_i32, %c0_i32_0, %arg0, %c0_i32_1 : i32, i32, i32, i32
  }
  func.func @transform_2(%arg0: i32) -> (i32, i32, i32) {
    %c0_i32 = arith.constant 0 : i32
    %c0_i32_0 = arith.constant 0 : i32
    %c0_i32_1 = arith.constant 0 : i32
    return %c0_i32, %arg0, %c0_i32_0 : i32, i32, i32
  }
  func.func @transform_3(%arg0: i32) -> (i32, i32) {
    %c0_i32 = arith.constant 0 : i32
    %c0_i32_0 = arith.constant 0 : i32
    %c0_i32_1 = arith.constant 0 : i32
    return %c0_i32, %c0_i32_0 : i32, i32
  }
  func.func @transform_4(%arg0: i32) -> (i32, i32) {
    %c0_i32 = arith.constant 0 : i32
    %c0_i32_0 = arith.constant 0 : i32
    return %arg0, %c0_i32 : i32, i32
  }
}

</mosaic_0001>

<sc_bundles>
// kernel: kernel.12.cloned.1.call-start
scs
__scs_entry_jumppad:
0x0: {  	(pc) =	sbr.rel $0x88, $3  }
0x1: {  	(tag) =	ssettag $0x0;
	lr =	simm.s32 $0x1  }
0x2: {  	[smem:$0x3F9B] =	sst lr;
	_ =	strace $0xD0000000  }
0x3: {  	_ = 	snop  }
0x4: {  	_ = 	snop  }
0x5: {  	_ = 	snop  }
0x6: {  	_ = 	snop  }
0x7: {  	_ = 	snop  }
__scs_overlays_trampoline_lowered:
0x8: {  	[smem:$0x3FAA] =	sst s0  }
0x9: {  	[smem:$0x3FAB] =	sst s1  }
0xa: {  	[smem:$0x3FAC] =	sst s2  }
0xb: {  	[smem:$0x3FAD] =	sst s3  }
0xc: {  	[smem:$0x3FAE] =	sst s4  }
0xd: {  	[smem:$0x3FAF] =	sst s5  }
0xe: {  	[smem:$0x3FB0] =	sst s6  }
0xf: {  	[smem:$0x3FB1] =	sst s7  }
0x10: {  	[smem:$0x3FB2] =	sst s8  }
0x11: {  	[smem:$0x3FB3] =	sst s9;
	s0 =	simm.s32 @!p0 $0x0  }
0x12: {  	s1 =	sld [smem:$0x3F99];
	s0 =	simm.s32 @p0 $0x1  }
0x13: {  	[smem:$0x3FB4] =	sst s0;
	s0 =	simm.s32 @!p1 $0x0  }
0x14: {  	s2 =	sld [smem:$0x3F98];
	s0 =	simm.s32 @p1 $0x1  }
0x15: {  	[smem:$0x3FB5] =	sst s0;
	s0 =	simm.s32 @!p2 $0x0  }
0x16: {  	s3 =	sld [smem:$0x3FDB];
	s0 =	simm.s32 @p2 $0x1  }
0x17: {  	s4 =	simm.s32 $0x1BF5;
	[smem:$0x3FB7] =	sst s0  }
0x18: {  	s0 =	sld [smem:$0x3F9A];
	_ =	swait.ge [sflag:s4], $0x0  }
0x19: {  	s7 =	sld [smem:$0x3F9B]  }
0x1a: {  	s8 =	sadd.s32 $0xFFFFE003, lr  }
0x1b: {  	s9 =	sadd.s32 $0xFFFFFEF7, lr;
	s5 =	simm.s32 $0xFFFFFFFF;
	p2 =	slt.u32 s8, $0xFFFFF086  }
0x1c: {  	p1 =	slt.u32 s9, $0xF7A;
	s5 =	simm.s32 @!p2 $0x0  }
0x1d: {  	s5 =	simm.s32 @p1 $0x1;
	p0 =	seq.s32 s7, s2  }
0x1e: {  	s7 =	smul.u32 @!p0 $0xF7A, s2;
	p2 =	seq.s32 @!p0 s5, $0x0  }
0x1f: {  	s9 =	smul.u32 $0xF7A, s1;
	s8 =	simm.s32 @!p0 $0x1BF5;
	p2 =	por !p2, p0  }
0x20: {  	[sflag:s8] =	ssyncset.s32 @!p0 $0xFFFFF086;
	s6 =	sadd.s32 @!p0 s3, s7;
	s7 =	simm.s32 @!p0 $0x108  }
0x21: {  	s3 =	sadd.s32 s3, s9;
	s6 =	sadd.s32 @!p0 $0x88, s6;
	s7 =	simm.s32 @p2 $0x1082  }
0x22: {  	[simem:s7], [sflag:s8] =	dma.local @!p0 [hbm:s6], $0xF7A  }
0x23: {  	s9 =	sor.u32 $0xD0000000, s2;
	s6 =	simm.s32 $0x108;
	_ =	swait.ge @!p0 [sflag:s8], $0x0  }
0x24: {  	s3 =	sadd.s32 $0x88, s3;
	s6 =	simm.s32 @!p1 $0x1082;
	[sflag:s4] =	ssyncset.s32 $0xFFFFF086  }
0x25: {  	[simem:s6], [sflag:s4] =	dma.local [hbm:s3], $0xF7A  }
0x26: {  	[smem:$0x3F9B] =	sst s1;
	(tag) =	ssettag s2;
	_ =	strace s9  }
0x27: {  	s1 =	sld [smem:$0x3FAB]  }
0x28: {  	s2 =	sld [smem:$0x3FAC]  }
0x29: {  	s4 =	sld [smem:$0x3FAE]  }
0x2a: {  	p0 =	seq.s32 s5, $0x0;
	s5 =	sld [smem:$0x3FAF]  }
0x2b: {  	s6 =	sld [smem:$0x3FB0]  }
0x2c: {  	s7 =	sld [smem:$0x3FB1]  }
0x2d: {  	s3 =	simm.s32 $0x108;
	s8 =	sld [smem:$0x3FB2]  }
0x2e: {  	s3 =	simm.s32 @!p0 $0x1082;
	s9 =	sld [smem:$0x3FB3]  }
0x2f: {  	lr =	sadd.s32 s0, s3;
	s0 =	sld [smem:$0x3FAA]  }
0x30: {  	s3 =	sld [smem:$0x3FAD]  }
0x31: {  	[smem:$0x3FB6] =	sst s10  }
0x32: {  	s10 =	sld [smem:$0x3FB4];
	_ =	sdelay $0x3  }
0x33: {  	p0 =	seq.s32 s10, $0x1;
	s10 =	sld [smem:$0x3FB6];
	_ =	sdelay $0x3  }
0x34: {  	[smem:$0x3FB6] =	sst s10  }
0x35: {  	s10 =	sld [smem:$0x3FB5];
	_ =	sdelay $0x3  }
0x36: {  	p1 =	seq.s32 s10, $0x1;
	s10 =	sld [smem:$0x3FB6];
	_ =	sdelay $0x3  }
0x37: {  	[smem:$0x3FB6] =	sst s10  }
0x38: {  	s10 =	sld [smem:$0x3FB7]  }
0x39: {  	_ = 	snop;
	(pc) =	sbr.ind lr, $3  }
0x3a: {  	_ = 	snop  }
0x3b: {  	_ = 	snop  }
0x3c: {  	p2 =	seq.s32 s10, $0x1;
	s10 =	sld [smem:$0x3FB6]  }
0x3d: {  	_ =	shalt  }
0x3e: {  	_ =	shalt  }
0x3f: {  	_ =	shalt  }
0x40: {  	_ =	shalt  }
0x41: {  	_ =	shalt  }
0x42: {  	_ =	shalt  }
0x43: {  	_ =	shalt  }
0x44: {  	_ =	shalt  }
0x45: {  	_ =	shalt  }
0x46: {  	_ =	shalt  }
0x47: {  	_ =	shalt  }
0x48: {  	_ =	shalt  }
0x49: {  	_ =	shalt  }
0x4a: {  	_ =	shalt  }
0x4b: {  	_ =	shalt  }
0x4c: {  	_ =	shalt  }
0x4d: {  	_ =	shalt  }
0x4e: {  	_ =	shalt  }
0x4f: {  	_ =	shalt  }
0x50: {  	_ =	shalt  }
0x51: {  	_ =	shalt  }
0x52: {  	_ =	shalt  }
0x53: {  	_ =	shalt  }
0x54: {  	_ =	shalt  }
0x55: {  	_ =	shalt  }
0x56: {  	_ =	shalt  }
0x57: {  	_ =	shalt  }
0x58: {  	_ =	shalt  }
0x59: {  	_ =	shalt  }
0x5a: {  	_ =	shalt  }
0x5b: {  	_ =	shalt  }
0x5c: {  	_ =	shalt  }
0x5d: {  	_ =	shalt  }
0x5e: {  	_ =	shalt  }
0x5f: {  	_ =	shalt  }
0x60: {  	_ =	shalt  }
0x61: {  	_ =	shalt  }
0x62: {  	_ =	shalt  }
0x63: {  	_ =	shalt  }
0x64: {  	_ =	shalt  }
0x65: {  	_ =	shalt  }
0x66: {  	_ =	shalt  }
0x67: {  	_ =	shalt  }
0x68: {  	_ =	shalt  }
0x69: {  	_ =	shalt  }
0x6a: {  	_ =	shalt  }
0x6b: {  	_ =	shalt  }
0x6c: {  	_ =	shalt  }
0x6d: {  	_ =	shalt  }
0x6e: {  	_ =	shalt  }
0x6f: {  	_ =	shalt  }
0x70: {  	_ =	shalt  }
0x71: {  	_ =	shalt  }
0x72: {  	_ =	shalt  }
0x73: {  	_ =	shalt  }
0x74: {  	_ =	shalt  }
0x75: {  	_ =	shalt  }
0x76: {  	_ =	shalt  }
0x77: {  	_ =	shalt  }
0x78: {  	_ =	shalt  }
0x79: {  	_ =	shalt  }
0x7a: {  	_ =	shalt  }
0x7b: {  	_ =	shalt  }
0x7c: {  	_ =	shalt  }
0x7d: {  	_ =	shalt  }
0x7e: {  	_ =	shalt  }
0x7f: {  	_ =	shalt  }
0x80: {  	_ =	shalt  }
0x81: {  	_ =	shalt  }
0x82: {  	_ =	shalt  }
0x83: {  	_ =	shalt  }
0x84: {  	_ =	shalt  }
0x85: {  	_ =	shalt  }
0x86: {  	_ =	shalt  }
0x87: {  	_ =	shalt  }
.Lfunc_end0:
.L_simem_size_0:
called_computation.1_lowered:
.L_overlay_start_0:
0x88: {  	s2 =	sld [smem:$0x3FD9]  }
0x89: {  	s3 =	sld [smem:$0x3FFE];
	_ =	sdelay $0x1  }
0x8a: {  	s1 =	srdreg.scid  }
0x8b: {  	s0 =	sand.u32 $0x1, s1  }
0x8c: {  	s17 =	sshll.u32 s0, $0xA;
	s2 =	sadd.s32 s3, s2  }
0x8d: {  	s2 =	sadd.s32 s2, s17  }
0x8e: {  	[smem:$0x3FC2] =	sst s2  }
0x8f: {  	_ = 	snop  }
0x90: {  	s2 =	sld [smem:$0x3FD0];
	(tm) =	ssettm $0x1  }
0x91: {  	s18 =	sld [smem:$0x3FFB];
	_ =	sdelay $0x3  }
0x92: {  	_ =	strace s18  }
0x93: {  	s3 =	sld [smem:$0x3FFC];
	_ =	sdelay $0x3  }
0x94: {  	_ =	strace s3  }
0x95: {  	s3 =	sld [smem:$0x3FFD];
	_ =	sdelay $0x3  }
0x96: {  	_ =	strace s3  }
0x97: {  	_ =	strace $0x8FFFFFFF  }
0x98: {  	s19 =	sld [smem:$0x3FDB];
	_ =	sdelay $0x1  }
0x99: {  	s4 =	simm.s32 $_scs_section_size  }
0x9a: {  	s5 =	simm.s32 $_size__tile_overlayer_lowered;
	s6 =	simm.s32 $_tile_overlayer_lowered  }
0x9b: {  	s22 =	simm.s32 $0x1BFF;
	s21 =	sshll.u32 s6, $0x1;
	s3 =	sadd.s32 s4, s19  }
0x9c: {  	s7 =	simm.s32 $0x0;
	s20 =	sshll.u32 s5, $0x1;
	s5 =	sadd.s32 s21, s3  }
0x9d: {  	[timem:s7], [sflag:s22] =	dma.local [hbm:s5], s20  }
0x9e: {  	_ =	swait.ge [sflag:s22], s20  }
0x9f: {  	s4 =	ssub.s32 $0x0, s20;
	[sflag:s22] =	ssyncset.done $0x0  }
0xa0: {  	[sflag:s22] =	ssyncadd.s32 s4;
	_ =	sdelay $0x1  }
0xa1: {  	s23 =	simm.s32 $0x1B8B  }
0xa2: {  	_ =	swait.ge [sflag:s23], $0x1  }
0xa3: {  	[sflag:s23] =	ssyncset.done $0x0  }
0xa4: {  	s25 =	simm.s32 $0x1B8E;
	s24 =	sld [smem:$0x3FFE];
	[sflag:s23] =	ssyncadd.s32 $0xFFFFFFFF  }
0xa5: {  	s26 =	simm.s32 $execute0_lowered;
	[smem:$0x3FD2] =	sst s25  }
0xa6: {  	s5 =	sshll.u32 s26, $0x1;
	_ =	strace $0x80000049;
	[dreg:$0x1] =	wrdreg $0xFFFFFFFF  }
0xa7: {  	s28 =	simm.s32 $_size_execute0_lowered;
	s3 =	sadd.s32 s3, s5;
	[dreg:$0x0] =	wrdreg $0x0  }
0xa8: {  	s5 =	sshll.u32 s28, $0x1;
	[dreg:$0x2] =	wrdreg s3  }
0xa9: {  	[dreg:$0x3] =	wrdreg s5  }
0xaa: {  	[dreg:$0x4] =	wrdreg $0xC0  }
0xab: {  	_ =	task [dreg:s7], $0x5FFFF  }
0xac: {  	[dreg:$0x1] =	wrdreg $0xFFFFFFFF  }
0xad: {  	[dreg:$0x0] =	wrdreg $0x60  }
0xae: {  	[dreg:$0x2] =	wrdreg s2  }
0xaf: {  	[dreg:$0x3] =	wrdreg s24  }
0xb0: {  	[dreg:$0x4] =	wrdreg $0xAF000  }
0xb1: {  	[dreg:$0x5] =	wrdreg $0x14D000  }
0xb2: {  	[dreg:$0x6] =	wrdreg $0x9  }
0xb3: {  	_ =	task.clear_ibuf [dreg:s7], $0x7FFFF;
	_ =	strace $0x90000049  }
0xb4: {  	s29 =	simm.s32 $0x9;
	_ =	strace $0x8000004B  }
0xb5: {  	_ =	swait.ge [sflag:s29], $0x1  }
0xb6: {  	[sflag:s29] =	ssyncadd.s32 $0xFFFFFFFF  }
0xb7: {  	_ =	strace $0x9000004B  }
0xb8: {  	_ =	sfence  }
0xb9: {  	s30 =	sld [smem:$0x0];
	_ =	sdelay $0x2  }
0xba: {  	s31 =	sshll.u32 s1, $0xD;
	s1 =	sshrl.u32 s1, $0x2  }
0xbb: {  	s3 =	sand.u32 $0x4000, s31;
	s1 =	sadd.s32 s1, s30  }
0xbc: {  	s0 =	sor.u32 s3, s0;
	s1 =	sshll.u32 s1, $0x11  }
0xbd: {  	s0 =	sor.u32 s1, s0  }
0xbe: {  	s0 =	sadd.s32 $0x8F2B, s0  }
0xbf: {  	[sflag:s0] =	ssyncadd.remote.s32 $0x1  }
0xc0: {  	_ =	sfence.sel $0xFFFF  }
0xc1: {  	[dreg:$0x0] =	wrdreg $0xFFFFFFFF;
	(pc) =	sbr.abs _section_cstart, $3  }
0xc2: {  	[dreg:$0x1] =	wrdreg $0xFFFFFFFF  }
0xc3: {  	_ =	task.clear_ibuf [dreg:s7], $0x2FFFF;
	_ =	strace $0x9FFFFFFF  }
0xc4: {  	(tm) =	ssettm $0x7FFFFFFF  }
0xc5: {  	_ =	shalt  }
tec
execute0_lowered:
.L_overlay_start_1:
0x0: {  	(tag) =	ssettag $0x1  }
0x1: {  	s1 =	rddreg [dreg:$0x0]  }
0x2: {  	s0 =	srdreg.scid;
	s5 =	rddreg [dreg:$0x1]  }
0x3: {  	s12 =	stileid.u32;
	s2 =	rddreg [dreg:$0x2]  }
0x4: {  	s11 =	simm.s32 $0x7;
	s16 =	simm.s32 $0x80;
	s17 =	simm.s32 $0x4F00  }
0x5: {  	s18 =	simm.s32 $0x6F00;
	s19 =	simm.s32 $0x1;
	s21 =	simm.s32 $0x8F00  }
0x6: {  	s22 =	simm.s32 $0x2;
	s28 =	simm.s32 $0x5;
	s29 =	simm.s32 $0x2880  }
0x7: {  	s30 =	simm.s32 $0x200;
	s31 =	simm.s32 $0x6;
	s7 =	smul.u32 $0x9E00, s12  }
0x8: {  	s0 =	sand.u32 $0x1, s0;
	s24 =	smul.u32 $0x9C40, s12;
	s26 =	sshll.u32 s12, $0x6  }
0x9: {  	s3 =	sshll.u32 s0, $0x4;
	s8 =	smul.u32 $0x9E000, s0;
	s0 =	ssub.s32 $0x2, s0  }
0xa: {  	s13 =	sor.u32 $0x1C07, s26;
	s26 =	simm.s32 $0x3;
	s4 =	sor.u32 s12, s3  }
0xb: {  	s3 =	rddreg [dreg:$0x3];
	s9 =	sshrl.u32 s7, $0x3;
	s23 =	sshrl.u32 s0, $0x1  }
0xc: {  	s14 =	sadd.s32 s7, s2;
	s25 =	sshrl.u32 s24, $0x3;
	s12 =	simm.s32 $0x2780  }
0xd: {  	s6 =	smul.u32 $0x2710, s4;
	s4 =	simm.s32 $0x0;
	s8 =	sadd.s32 s7, s8  }
0xe: {  	s9 =	sadd.s32 s9, s5;
	s0 =	ssub.s32 s0, s23;
	s15 =	sadd.s32 s24, s3  }
0xf: {  	s14 =	sshrl.u32 s14, $0x3;
	s23 =	simm.s32 $0x4;
	[smem:$0x7FF] =	sst s4  }
.Ltmp0:
0x10: {  	s8 =	sshrl.u32 s8, $0x3;
	s7 =	sadd.s32 $0x65400, s9;
	(pc) =	sbr.rel .LBB2_1-.Ltmp0, $4  }
0x11: {  	s15 =	sshrl.u32 s15, $0x3;
	_ =	strace $0x8000004A;
	s6 =	sshrl.u32 s6, $0x3  }
0x12: {  	s10 =	sadd.s32 s8, s5;
	s8 =	sadd.s32 s1, s25;
	s1 =	simm.s32 $0x4E80  }
0x13: {  	s6 =	sadd.s32 s6, s5;
	s9 =	sadd.s32 $0x79000, s10;
	s10 =	smax.u32 s0, $0x1  }
0x14: {  	v0 =	vimm.s32 $0x0;
	v1 =	vimm.s32 $0x2710;
	s0 =	simm.s32 $0x0;
	s5 =	sadd.s32 $0x2A00, s6;
	s6 =	sadd.s32 $0xC640, s6  }
.LBB2_4:
0x15: {  	_ =	swait.ge [sflag:s19], $0x2000  }
0x16: {  	[sflag:s19] =	ssyncset.done $0x0  }
0x17: {  	[sflag:s19] =	ssyncadd.s32 $0xFFFFE000  }
0x18: {  	_ =	swait.ge [sflag:s31], $0x2000  }
0x19: {  	[sflag:s31] =	ssyncset.done $0x0  }
0x1a: {  	[sflag:s31] =	ssyncadd.s32 $0xFFFFE000  }
0x1b: {  	[spmem:s2] =	stream.indirect.scatter.add.f32 [tilespmem:s17], [sflag:$0x4], $0x40, s1, s16, $0xb8;
	[tilespmem:$0x1E940] =	vst v63  }
0x1c: {  	_ =	swait.ge [sflag:s23], $0x2000  }
0x1d: {  	s0 =	sadd.s32 $0x1, s0;
	[sflag:s23] =	ssyncset.done $0x0  }
0x1e: {  	p0 =	sne.s32 s0, s10;
	[sflag:s23] =	ssyncadd.s32 $0xFFFFE000  }
.Ltmp1:
0x1f: {  	[bflag:$0x0] =	sbarrier.arrive $0xFFFF;
	(pc) =	sbr.rel @!p0 .LBB2_5-.Ltmp1, $4  }
0x20: {  	[hbm:s9], [sflag:s13] =	dma.local [spmem:s14], $0x13C0  }
0x21: {  	_ =	swait.ge [sflag:s11], $0x13C0  }
0x22: {  	[sflag:s11] =	ssyncset.done $0x0  }
0x23: {  	[sflag:s11] =	ssyncadd.s32 $0xFFFFEC40  }
.LBB2_1:
0x24: {  	[tilespmem:s4], [sflag:$0x7] =	stream.linear.gather [hbm4b:s5+s4], $0x2710, $0x38;
	[tilespmem:$0x1E940] =	vst v63  }
0x25: {  	_ =	swait.ge [sflag:s11], $0x2710  }
0x26: {  	[sflag:s11] =	ssyncset.done $0x0  }
0x27: {  	[sflag:s11] =	ssyncadd.s32 $0xFFFFD8F0  }
0x28: {  	[tilespmem:$0x2710] =	vst v0  }
0x29: {  	[tilespmem:$0x2720] =	vst v0  }
0x2a: {  	[tilespmem:$0x2730] =	vst v0  }
0x2b: {  	[tilespmem:$0x2740] =	vst v0  }
0x2c: {  	[tilespmem:$0x2750] =	vst v0  }
0x2d: {  	[tilespmem:$0x2760] =	vst v0  }
0x2e: {  	[tilespmem:$0x2770] =	vst v0  }
0x2f: {  	[tilespmem:s12], [sflag:$0x7] =	stream.linear.gather [hbm4b:s6+s4], $0x2710, $0x38;
	[tilespmem:$0x1E940] =	vst v63  }
0x30: {  	_ =	swait.ge [sflag:s11], $0x2710  }
0x31: {  	[sflag:s11] =	ssyncset.done $0x0  }
0x32: {  	[sflag:s11] =	ssyncadd.s32 $0xFFFFD8F0  }
0x33: {  	[tilespmem:$0x4E90] =	vst v1  }
0x34: {  	[tilespmem:$0x4EA0] =	vst v1  }
0x35: {  	[tilespmem:$0x4EB0] =	vst v1  }
0x36: {  	[tilespmem:$0x4EC0] =	vst v1  }
0x37: {  	[tilespmem:$0x4ED0] =	vst v1  }
0x38: {  	[tilespmem:$0x4EE0] =	vst v1  }
0x39: {  	[tilespmem:$0x4EF0] =	vst v1  }
0x3a: {  	[spmem:s14], [sflag:s13] =	dma.local [hbm:s7], $0x13C0  }
0x3b: {  	_ =	swait.ge [sflag:s11], $0x13C0  }
0x3c: {  	[sflag:s11] =	ssyncset.done $0x0  }
0x3d: {  	[sflag:s11] =	ssyncadd.s32 $0xFFFFEC40  }
0x3e: {  	[spmem:s15], [sflag:s13] =	dma.local [hbm:s8], $0x1388  }
0x3f: {  	_ =	swait.ge [sflag:s11], $0x1388  }
0x40: {  	[sflag:s11] =	ssyncset.done $0x0  }
0x41: {  	[sflag:s11] =	ssyncadd.s32 $0xFFFFEC78  }
0x42: {  	[bflag:$0x0] =	sbarrier.arrive $0xFFFF  }
0x43: {  	[tilespmem:s17], [sflag:$0x1] =	stream.indirect.gather [spmem:s3], $0x40, s4, s16, $0xb8;
	[tilespmem:$0x1E940] =	vst v63  }
0x44: {  	_ = 	snop  }
0x45: {  	[tilespmem:s18], [sflag:$0x2] =	stream.indirect.gather [spmem:s3], $0x40, s16, s16, $0xb8;
	[tilespmem:$0x1E940] =	vst v63  }
0x46: {  	_ =	swait.ge [sflag:s19], $0x2000  }
0x47: {  	[sflag:s19] =	ssyncset.done $0x0  }
0x48: {  	[sflag:s19] =	ssyncadd.s32 $0xFFFFE000  }
0x49: {  	[spmem:s2] =	stream.indirect.scatter.add.f32 [tilespmem:s17], [sflag:$0x4], $0x40, s12, s16, $0xb8;
	[tilespmem:$0x1E940] =	vst v63  }
0x4a: {  	s20 =	simm.s32 $0x100  }
0x4b: {  	[tilespmem:s21], [sflag:$0x3] =	stream.indirect.gather [spmem:s3], $0x40, s20, s16, $0xb8;
	[tilespmem:$0x1E940] =	vst v63  }
0x4c: {  	_ =	swait.ge [sflag:s22], $0x2000  }
0x4d: {  	[sflag:s22] =	ssyncset.done $0x0  }
0x4e: {  	[sflag:s22] =	ssyncadd.s32 $0xFFFFE000  }
0x4f: {  	_ =	swait.ge [sflag:s23], $0x2000  }
0x50: {  	[sflag:s23] =	ssyncset.done $0x0  }
0x51: {  	s24 =	simm.s32 $0x2800;
	[sflag:s23] =	ssyncadd.s32 $0xFFFFE000  }
0x52: {  	[spmem:s2] =	stream.indirect.scatter.add.f32 [tilespmem:s18], [sflag:$0x5], $0x40, s24, s16, $0xb8;
	[tilespmem:$0x1E940] =	vst v63  }
0x53: {  	s25 =	simm.s32 $0x180  }
0x54: {  	[tilespmem:s17], [sflag:$0x1] =	stream.indirect.gather [spmem:s3], $0x40, s25, s16, $0xb8;
	[tilespmem:$0x1E940] =	vst v63  }
0x55: {  	_ =	swait.ge [sflag:s26], $0x2000  }
0x56: {  	[sflag:s26] =	ssyncset.done $0x0  }
0x57: {  	[sflag:s26] =	ssyncadd.s32 $0xFFFFE000  }
0x58: {  	_ =	swait.ge [sflag:s28], $0x2000  }
0x59: {  	[sflag:s28] =	ssyncset.done $0x0  }
0x5a: {  	[sflag:s28] =	ssyncadd.s32 $0xFFFFE000  }
0x5b: {  	[spmem:s2] =	stream.indirect.scatter.add.f32 [tilespmem:s21], [sflag:$0x6], $0x40, s29, s16, $0xb8;
	[tilespmem:$0x1E940] =	vst v63  }
0x5c: {  	s20 =	simm.s32 $0x0  }
0x5d: {  	[tilespmem:s18], [sflag:$0x2] =	stream.indirect.gather [spmem:s3], $0x40, s30, s16, $0xb8;
	[tilespmem:$0x1E940] =	vst v63  }
.LBB2_2:
0x5e: {  	_ =	swait.ge [sflag:s19], $0x2000  }
0x5f: {  	[sflag:s19] =	ssyncset.done $0x0  }
0x60: {  	[sflag:s19] =	ssyncadd.s32 $0xFFFFE000  }
0x61: {  	_ =	swait.ge [sflag:s31], $0x2000  }
0x62: {  	s24 =	sshra.s32 s20, $0x2;
	[sflag:s31] =	ssyncset.done $0x0  }
0x63: {  	s25 =	sadd.s32 $0x2900, s24;
	[sflag:s31] =	ssyncadd.s32 $0xFFFFE000  }
0x64: {  	[spmem:s2] =	stream.indirect.scatter.add.f32 [tilespmem:s17], [sflag:$0x4], $0x40, s25, s16, $0xb8;
	[tilespmem:$0x1E940] =	vst v63  }
0x65: {  	s25 =	sadd.s32 $0x280, s24  }
0x66: {  	[tilespmem:s21], [sflag:$0x3] =	stream.indirect.gather [spmem:s3], $0x40, s25, s16, $0xb8;
	[tilespmem:$0x1E940] =	vst v63  }
0x67: {  	_ =	swait.ge [sflag:s22], $0x2000  }
0x68: {  	[sflag:s22] =	ssyncset.done $0x0  }
0x69: {  	[sflag:s22] =	ssyncadd.s32 $0xFFFFE000  }
0x6a: {  	_ =	swait.ge [sflag:s23], $0x2000  }
0x6b: {  	[sflag:s23] =	ssyncset.done $0x0  }
0x6c: {  	s25 =	sadd.s32 $0x2980, s24;
	[sflag:s23] =	ssyncadd.s32 $0xFFFFE000  }
0x6d: {  	[spmem:s2] =	stream.indirect.scatter.add.f32 [tilespmem:s18], [sflag:$0x5], $0x40, s25, s16, $0xb8;
	[tilespmem:$0x1E940] =	vst v63  }
0x6e: {  	s25 =	sadd.s32 $0x300, s24  }
0x6f: {  	[tilespmem:s17], [sflag:$0x1] =	stream.indirect.gather [spmem:s3], $0x40, s25, s16, $0xb8;
	[tilespmem:$0x1E940] =	vst v63  }
0x70: {  	_ =	swait.ge [sflag:s26], $0x2000  }
0x71: {  	p0 =	seq.s32 s20, $0x9000;
	[sflag:s26] =	ssyncset.done $0x0  }
.Ltmp2:
0x72: {  	[sflag:s26] =	ssyncadd.s32 $0xFFFFE000;
	(pc) =	sbr.rel @p0 .LBB2_4-.Ltmp2, $4  }
0x73: {  	_ =	swait.ge [sflag:s28], $0x2000  }
0x74: {  	[sflag:s28] =	ssyncset.done $0x0  }
0x75: {  	s25 =	sadd.s32 $0x2A00, s24;
	[sflag:s28] =	ssyncadd.s32 $0xFFFFE000  }
0x76: {  	[spmem:s2] =	stream.indirect.scatter.add.f32 [tilespmem:s21], [sflag:$0x6], $0x40, s25, s16, $0xb8;
	[tilespmem:$0x1E940] =	vst v63  }
.Ltmp3:
0x77: {  	(pc) =	sbr.rel .LBB2_2-.Ltmp3, $3  }
0x78: {  	_ =	sdelay $0x1  }
0x79: {  	s24 =	sadd.s32 $0x380, s24;
	s20 =	sadd.s32 $0x600, s20  }
0x7a: {  	[tilespmem:s18], [sflag:$0x2] =	stream.indirect.gather [spmem:s3], $0x40, s24, s16, $0xb8;
	[tilespmem:$0x1E940] =	vst v63  }
.LBB2_5:
0x7b: {  	_ =	sfence.sel $0x180000  }
0x7c: {  	[bflag:$0x0] =	sbarrier.arrive $0xFFFF  }
0x7d: {  	_ =	strace $0x9000004A  }
0x7e: {  	s0 =	stileid.u32;
	[bflag:$0x2] =	sbarrier.arrive $0xFFFF  }
0x7f: {  	p0 =	sne.s32 s0, $0x0;
	s0 =	rddreg [dreg:$0x4]  }
0x80: {  	s0 =	sadd.s32 @!p0 $0x100000, s0  }
0x81: {  	[sflag:s0] =	ssyncadd.tile.s32 @!p0 $0x1;
	_ =	shalt  }
.Lfunc_end2:
_tile_overlayer_lowered:
.L_overlay_start_2:
0x82: {  	(tag) =	ssettag $0x2  }
0x83: {  	s0 =	rddreg [dreg:$0x0];
	s2 =	stileid.u32  }
0x84: {  	s1 =	rddreg [dreg:$0x1];
	p0 =	sne.s32 s2, $0x0  }
0x85: {  	s3 =	rddreg [dreg:$0x2];
	[bflag:$0x3] =	sbarrier.arrive $0xFFFF;
	s2 =	simm.s32 @!p0 $0x1C07  }
0x86: {  	[timem:s3], [sflag:s2] =	dma.local @!p0 [hbm:s0], s1  }
0x87: {  	s0 =	simm.s32 @!p0 $0x7  }
0x88: {  	_ =	swait.ge @!p0 [sflag:s0], s1  }
0x89: {  	s1 =	ssub.s32 @!p0 $0x0, s1;
	[sflag:s0] =	ssyncset.done @!p0 $0x0  }
0x8a: {  	[sflag:s0] =	ssyncadd.s32 @!p0 s1  }
0x8b: {  	[bflag:$0x3] =	sbarrier.arrive $0xFFFF  }
0x8c: {  	_ =	shalt  }

// kernel: kernel.15.cloned.1.call-start
scs
__scs_entry_jumppad:
0x0: {  	(pc) =	sbr.rel $0x88, $3  }
0x1: {  	(tag) =	ssettag $0x0;
	lr =	simm.s32 $0x1  }
0x2: {  	[smem:$0x3F9B] =	sst lr;
	_ =	strace $0xD0000000  }
0x3: {  	_ = 	snop  }
0x4: {  	_ = 	snop  }
0x5: {  	_ = 	snop  }
0x6: {  	_ = 	snop  }
0x7: {  	_ = 	snop  }
__scs_overlays_trampoline_lowered:
0x8: {  	[smem:$0x3FAA] =	sst s0  }
0x9: {  	[smem:$0x3FAB] =	sst s1  }
0xa: {  	[smem:$0x3FAC] =	sst s2  }
0xb: {  	[smem:$0x3FAD] =	sst s3  }
0xc: {  	[smem:$0x3FAE] =	sst s4  }
0xd: {  	[smem:$0x3FAF] =	sst s5  }
0xe: {  	[smem:$0x3FB0] =	sst s6  }
0xf: {  	[smem:$0x3FB1] =	sst s7  }
0x10: {  	[smem:$0x3FB2] =	sst s8  }
0x11: {  	[smem:$0x3FB3] =	sst s9;
	s0 =	simm.s32 @!p0 $0x0  }
0x12: {  	s1 =	sld [smem:$0x3F99];
	s0 =	simm.s32 @p0 $0x1  }
0x13: {  	[smem:$0x3FB4] =	sst s0;
	s0 =	simm.s32 @!p1 $0x0  }
0x14: {  	s2 =	sld [smem:$0x3F98];
	s0 =	simm.s32 @p1 $0x1  }
0x15: {  	[smem:$0x3FB5] =	sst s0;
	s0 =	simm.s32 @!p2 $0x0  }
0x16: {  	s3 =	sld [smem:$0x3FDB];
	s0 =	simm.s32 @p2 $0x1  }
0x17: {  	s4 =	simm.s32 $0x1BF5;
	[smem:$0x3FB7] =	sst s0  }
0x18: {  	s0 =	sld [smem:$0x3F9A];
	_ =	swait.ge [sflag:s4], $0x0  }
0x19: {  	s7 =	sld [smem:$0x3F9B]  }
0x1a: {  	s8 =	sadd.s32 $0xFFFFE003, lr  }
0x1b: {  	s9 =	sadd.s32 $0xFFFFFEF7, lr;
	s5 =	simm.s32 $0xFFFFFFFF;
	p2 =	slt.u32 s8, $0xFFFFF086  }
0x1c: {  	p1 =	slt.u32 s9, $0xF7A;
	s5 =	simm.s32 @!p2 $0x0  }
0x1d: {  	s5 =	simm.s32 @p1 $0x1;
	p0 =	seq.s32 s7, s2  }
0x1e: {  	s7 =	smul.u32 @!p0 $0xF7A, s2;
	p2 =	seq.s32 @!p0 s5, $0x0  }
0x1f: {  	s9 =	smul.u32 $0xF7A, s1;
	s8 =	simm.s32 @!p0 $0x1BF5;
	p2 =	por !p2, p0  }
0x20: {  	[sflag:s8] =	ssyncset.s32 @!p0 $0xFFFFF086;
	s6 =	sadd.s32 @!p0 s3, s7;
	s7 =	simm.s32 @!p0 $0x108  }
0x21: {  	s3 =	sadd.s32 s3, s9;
	s6 =	sadd.s32 @!p0 $0x88, s6;
	s7 =	simm.s32 @p2 $0x1082  }
0x22: {  	[simem:s7], [sflag:s8] =	dma.local @!p0 [hbm:s6], $0xF7A  }
0x23: {  	s9 =	sor.u32 $0xD0000000, s2;
	s6 =	simm.s32 $0x108;
	_ =	swait.ge @!p0 [sflag:s8], $0x0  }
0x24: {  	s3 =	sadd.s32 $0x88, s3;
	s6 =	simm.s32 @!p1 $0x1082;
	[sflag:s4] =	ssyncset.s32 $0xFFFFF086  }
0x25: {  	[simem:s6], [sflag:s4] =	dma.local [hbm:s3], $0xF7A  }
0x26: {  	[smem:$0x3F9B] =	sst s1;
	(tag) =	ssettag s2;
	_ =	strace s9  }
0x27: {  	s1 =	sld [smem:$0x3FAB]  }
0x28: {  	s2 =	sld [smem:$0x3FAC]  }
0x29: {  	s4 =	sld [smem:$0x3FAE]  }
0x2a: {  	p0 =	seq.s32 s5, $0x0;
	s5 =	sld [smem:$0x3FAF]  }
0x2b: {  	s6 =	sld [smem:$0x3FB0]  }
0x2c: {  	s7 =	sld [smem:$0x3FB1]  }
0x2d: {  	s3 =	simm.s32 $0x108;
	s8 =	sld [smem:$0x3FB2]  }
0x2e: {  	s3 =	simm.s32 @!p0 $0x1082;
	s9 =	sld [smem:$0x3FB3]  }
0x2f: {  	lr =	sadd.s32 s0, s3;
	s0 =	sld [smem:$0x3FAA]  }
0x30: {  	s3 =	sld [smem:$0x3FAD]  }
0x31: {  	[smem:$0x3FB6] =	sst s10  }
0x32: {  	s10 =	sld [smem:$0x3FB4];
	_ =	sdelay $0x3  }
0x33: {  	p0 =	seq.s32 s10, $0x1;
	s10 =	sld [smem:$0x3FB6];
	_ =	sdelay $0x3  }
0x34: {  	[smem:$0x3FB6] =	sst s10  }
0x35: {  	s10 =	sld [smem:$0x3FB5];
	_ =	sdelay $0x3  }
0x36: {  	p1 =	seq.s32 s10, $0x1;
	s10 =	sld [smem:$0x3FB6];
	_ =	sdelay $0x3  }
0x37: {  	[smem:$0x3FB6] =	sst s10  }
0x38: {  	s10 =	sld [smem:$0x3FB7]  }
0x39: {  	_ = 	snop;
	(pc) =	sbr.ind lr, $3  }
0x3a: {  	_ = 	snop  }
0x3b: {  	_ = 	snop  }
0x3c: {  	p2 =	seq.s32 s10, $0x1;
	s10 =	sld [smem:$0x3FB6]  }
0x3d: {  	_ =	shalt  }
0x3e: {  	_ =	shalt  }
0x3f: {  	_ =	shalt  }
0x40: {  	_ =	shalt  }
0x41: {  	_ =	shalt  }
0x42: {  	_ =	shalt  }
0x43: {  	_ =	shalt  }
0x44: {  	_ =	shalt  }
0x45: {  	_ =	shalt  }
0x46: {  	_ =	shalt  }
0x47: {  	_ =	shalt  }
0x48: {  	_ =	shalt  }
0x49: {  	_ =	shalt  }
0x4a: {  	_ =	shalt  }
0x4b: {  	_ =	shalt  }
0x4c: {  	_ =	shalt  }
0x4d: {  	_ =	shalt  }
0x4e: {  	_ =	shalt  }
0x4f: {  	_ =	shalt  }
0x50: {  	_ =	shalt  }
0x51: {  	_ =	shalt  }
0x52: {  	_ =	shalt  }
0x53: {  	_ =	shalt  }
0x54: {  	_ =	shalt  }
0x55: {  	_ =	shalt  }
0x56: {  	_ =	shalt  }
0x57: {  	_ =	shalt  }
0x58: {  	_ =	shalt  }
0x59: {  	_ =	shalt  }
0x5a: {  	_ =	shalt  }
0x5b: {  	_ =	shalt  }
0x5c: {  	_ =	shalt  }
0x5d: {  	_ =	shalt  }
0x5e: {  	_ =	shalt  }
0x5f: {  	_ =	shalt  }
0x60: {  	_ =	shalt  }
0x61: {  	_ =	shalt  }
0x62: {  	_ =	shalt  }
0x63: {  	_ =	shalt  }
0x64: {  	_ =	shalt  }
0x65: {  	_ =	shalt  }
0x66: {  	_ =	shalt  }
0x67: {  	_ =	shalt  }
0x68: {  	_ =	shalt  }
0x69: {  	_ =	shalt  }
0x6a: {  	_ =	shalt  }
0x6b: {  	_ =	shalt  }
0x6c: {  	_ =	shalt  }
0x6d: {  	_ =	shalt  }
0x6e: {  	_ =	shalt  }
0x6f: {  	_ =	shalt  }
0x70: {  	_ =	shalt  }
0x71: {  	_ =	shalt  }
0x72: {  	_ =	shalt  }
0x73: {  	_ =	shalt  }
0x74: {  	_ =	shalt  }
0x75: {  	_ =	shalt  }
0x76: {  	_ =	shalt  }
0x77: {  	_ =	shalt  }
0x78: {  	_ =	shalt  }
0x79: {  	_ =	shalt  }
0x7a: {  	_ =	shalt  }
0x7b: {  	_ =	shalt  }
0x7c: {  	_ =	shalt  }
0x7d: {  	_ =	shalt  }
0x7e: {  	_ =	shalt  }
0x7f: {  	_ =	shalt  }
0x80: {  	_ =	shalt  }
0x81: {  	_ =	shalt  }
0x82: {  	_ =	shalt  }
0x83: {  	_ =	shalt  }
0x84: {  	_ =	shalt  }
0x85: {  	_ =	shalt  }
0x86: {  	_ =	shalt  }
0x87: {  	_ =	shalt  }
.Lfunc_end0:
.L_simem_size_0:
called_computation.2_lowered:
.L_overlay_start_0:
0x88: {  	s2 =	sld [smem:$0x3FD9]  }
0x89: {  	s3 =	sld [smem:$0x3FFE];
	_ =	sdelay $0x1  }
0x8a: {  	s1 =	srdreg.scid  }
0x8b: {  	s0 =	sand.u32 $0x1, s1  }
0x8c: {  	s17 =	sshll.u32 s0, $0xA;
	s2 =	sadd.s32 s3, s2  }
0x8d: {  	s2 =	sadd.s32 s2, s17  }
0x8e: {  	[smem:$0x3FC2] =	sst s2  }
0x8f: {  	_ = 	snop  }
0x90: {  	s2 =	sld [smem:$0x3FD0];
	(tm) =	ssettm $0x1  }
0x91: {  	s18 =	sld [smem:$0x3FFB];
	_ =	sdelay $0x3  }
0x92: {  	_ =	strace s18  }
0x93: {  	s3 =	sld [smem:$0x3FFC];
	_ =	sdelay $0x3  }
0x94: {  	_ =	strace s3  }
0x95: {  	s3 =	sld [smem:$0x3FFD];
	_ =	sdelay $0x3  }
0x96: {  	_ =	strace s3  }
0x97: {  	_ =	strace $0x8FFFFFFF  }
0x98: {  	s19 =	sld [smem:$0x3FDB];
	_ =	sdelay $0x1  }
0x99: {  	s4 =	simm.s32 $_scs_section_size  }
0x9a: {  	s5 =	simm.s32 $_size__tile_overlayer_lowered;
	s6 =	simm.s32 $_tile_overlayer_lowered  }
0x9b: {  	s22 =	simm.s32 $0x1BFF;
	s21 =	sshll.u32 s6, $0x1;
	s3 =	sadd.s32 s4, s19  }
0x9c: {  	s7 =	simm.s32 $0x0;
	s20 =	sshll.u32 s5, $0x1;
	s5 =	sadd.s32 s21, s3  }
0x9d: {  	[timem:s7], [sflag:s22] =	dma.local [hbm:s5], s20  }
0x9e: {  	_ =	swait.ge [sflag:s22], s20  }
0x9f: {  	s4 =	ssub.s32 $0x0, s20;
	[sflag:s22] =	ssyncset.done $0x0  }
0xa0: {  	[sflag:s22] =	ssyncadd.s32 s4;
	_ =	sdelay $0x1  }
0xa1: {  	s23 =	simm.s32 $0x1B8B  }
0xa2: {  	_ =	swait.ge [sflag:s23], $0x1  }
0xa3: {  	[sflag:s23] =	ssyncset.done $0x0  }
0xa4: {  	s25 =	simm.s32 $0x1B8E;
	s24 =	sld [smem:$0x3FFE];
	[sflag:s23] =	ssyncadd.s32 $0xFFFFFFFF  }
0xa5: {  	s26 =	simm.s32 $execute0_lowered;
	[smem:$0x3FD2] =	sst s25  }
0xa6: {  	s5 =	sshll.u32 s26, $0x1;
	_ =	strace $0x8000004C;
	[dreg:$0x1] =	wrdreg $0xFFFFFFFF  }
0xa7: {  	s28 =	simm.s32 $_size_execute0_lowered;
	s3 =	sadd.s32 s3, s5;
	[dreg:$0x0] =	wrdreg $0x0  }
0xa8: {  	s5 =	sshll.u32 s28, $0x1;
	[dreg:$0x2] =	wrdreg s3  }
0xa9: {  	[dreg:$0x3] =	wrdreg s5  }
0xaa: {  	[dreg:$0x4] =	wrdreg $0xC0  }
0xab: {  	_ =	task [dreg:s7], $0x5FFFF  }
0xac: {  	[dreg:$0x1] =	wrdreg $0xFFFFFFFF  }
0xad: {  	[dreg:$0x0] =	wrdreg $0x60  }
0xae: {  	[dreg:$0x2] =	wrdreg s2  }
0xaf: {  	[dreg:$0x3] =	wrdreg s24  }
0xb0: {  	[dreg:$0x4] =	wrdreg $0xAF000  }
0xb1: {  	[dreg:$0x5] =	wrdreg $0x14D000  }
0xb2: {  	[dreg:$0x6] =	wrdreg $0x9  }
0xb3: {  	_ =	task.clear_ibuf [dreg:s7], $0x7FFFF;
	_ =	strace $0x9000004C  }
0xb4: {  	s29 =	simm.s32 $0x9;
	_ =	strace $0x8000004E  }
0xb5: {  	_ =	swait.ge [sflag:s29], $0x1  }
0xb6: {  	[sflag:s29] =	ssyncadd.s32 $0xFFFFFFFF  }
0xb7: {  	_ =	strace $0x9000004E  }
0xb8: {  	_ =	sfence  }
0xb9: {  	s30 =	sld [smem:$0x0];
	_ =	sdelay $0x2  }
0xba: {  	s31 =	sshll.u32 s1, $0xD;
	s1 =	sshrl.u32 s1, $0x2  }
0xbb: {  	s3 =	sand.u32 $0x4000, s31;
	s1 =	sadd.s32 s1, s30  }
0xbc: {  	s0 =	sor.u32 s3, s0;
	s1 =	sshll.u32 s1, $0x11  }
0xbd: {  	s0 =	sor.u32 s1, s0  }
0xbe: {  	s0 =	sadd.s32 $0x8F2B, s0  }
0xbf: {  	[sflag:s0] =	ssyncadd.remote.s32 $0x1  }
0xc0: {  	_ =	sfence.sel $0xFFFF  }
0xc1: {  	[dreg:$0x0] =	wrdreg $0xFFFFFFFF;
	(pc) =	sbr.abs _section_cstart, $3  }
0xc2: {  	[dreg:$0x1] =	wrdreg $0xFFFFFFFF  }
0xc3: {  	_ =	task.clear_ibuf [dreg:s7], $0x2FFFF;
	_ =	strace $0x9FFFFFFF  }
0xc4: {  	(tm) =	ssettm $0x7FFFFFFF  }
0xc5: {  	_ =	shalt  }
tec
execute0_lowered:
.L_overlay_start_1:
0x0: {  	(tag) =	ssettag $0x1  }
0x1: {  	s1 =	rddreg [dreg:$0x0]  }
0x2: {  	s0 =	srdreg.scid;
	s5 =	rddreg [dreg:$0x1]  }
0x3: {  	s14 =	stileid.u32;
	s2 =	rddreg [dreg:$0x2];
	s13 =	simm.s32 $0x7  }
0x4: {  	s18 =	simm.s32 $0x80;
	s28 =	simm.s32 $0x180;
	s29 =	simm.s32 $0x3  }
0x5: {  	s30 =	simm.s32 $0x5;
	s31 =	simm.s32 $0x2880;
	s7 =	smul.u32 $0x9E00, s14  }
0x6: {  	s0 =	sand.u32 $0x1, s0;
	s11 =	smul.u32 $0x9C40, s14;
	s26 =	sshll.u32 s14, $0x6  }
0x7: {  	s3 =	sshll.u32 s0, $0x4;
	s8 =	smul.u32 $0x9E000, s0;
	s0 =	ssub.s32 $0x2, s0  }
0x8: {  	s15 =	sor.u32 $0x1C07, s26;
	s26 =	simm.s32 $0x2800;
	s4 =	sor.u32 s14, s3  }
0x9: {  	s3 =	rddreg [dreg:$0x3];
	s9 =	sshrl.u32 s7, $0x3;
	s10 =	sshrl.u32 s0, $0x1  }
0xa: {  	s20 =	sadd.s32 s7, s2;
	s21 =	sshrl.u32 s11, $0x3;
	s14 =	simm.s32 $0x2780  }
0xb: {  	s6 =	smul.u32 $0x2710, s4;
	s4 =	simm.s32 $0x0;
	s9 =	sadd.s32 s9, s5  }
0xc: {  	s8 =	sadd.s32 s7, s8;
	s0 =	ssub.s32 s0, s10;
	s22 =	sadd.s32 s11, s3  }
0xd: {  	s16 =	sshrl.u32 s20, $0x3;
	s20 =	simm.s32 $0x6F00;
	[smem:$0x7FF] =	sst s4  }
0xe: {  	s8 =	sshrl.u32 s8, $0x3;
	s7 =	sadd.s32 $0x65400, s9;
	s12 =	smax.u32 s0, $0x1  }
0xf: {  	s17 =	sshrl.u32 s22, $0x3;
	s22 =	simm.s32 $0x100;
	s6 =	sshrl.u32 s6, $0x3  }
0x10: {  	s0 =	simm.s32 $0x6;
	_ =	strace $0x8000004D;
	s6 =	sadd.s32 s6, s5  }
0x11: {  	s5 =	sadd.s32 s8, s5;
	s8 =	sadd.s32 s1, s21;
	s19 =	sadd.s32 $0x2A00, s6  }
0x12: {  	s21 =	simm.s32 $0x1;
	s6 =	sadd.s32 $0xC640, s6;
	[dreg:$0x5] =	wrdreg s19  }
.Ltmp0:
0x13: {  	s23 =	sadd.s32 $0x79000, s5;
	[dreg:$0x6] =	wrdreg s6;
	(pc) =	sbr.rel .LBB2_1-.Ltmp0, $4  }
0x14: {  	s1 =	simm.s32 $0x200;
	s24 =	sadd.s32 $0x13880, s8;
	[dreg:$0x7] =	wrdreg s23  }
0x15: {  	s25 =	sadd.s32 $0xA0800, s5;
	s5 =	simm.s32 $0x4E80;
	[dreg:$0x8] =	wrdreg s24  }
0x16: {  	[dreg:$0x9] =	wrdreg s25;
	s19 =	simm.s32 $0x4F00;
	s23 =	simm.s32 $0x8F00  }
0x17: {  	v0 =	vimm.s32 $0x0;
	v1 =	vimm.s32 $0x2710;
	s24 =	simm.s32 $0x2;
	s25 =	simm.s32 $0x4;
	s6 =	simm.s32 $0x0  }
.LBB2_7:
0x18: {  	_ =	swait.ge [sflag:s21], $0x2000  }
0x19: {  	[sflag:s21] =	ssyncset.done $0x0  }
0x1a: {  	[sflag:s21] =	ssyncadd.s32 $0xFFFFE000  }
0x1b: {  	_ =	swait.ge [sflag:s0], $0x2000  }
0x1c: {  	[sflag:s0] =	ssyncset.done $0x0  }
0x1d: {  	[sflag:s0] =	ssyncadd.s32 $0xFFFFE000  }
0x1e: {  	[spmem:s2] =	stream.indirect.scatter.add.f32 [tilespmem:s19], [sflag:$0x4], $0x40, s5, s18, $0xb8;
	[tilespmem:$0x1E940] =	vst v63  }
0x1f: {  	_ =	swait.ge [sflag:s25], $0x2000  }
0x20: {  	[sflag:s25] =	ssyncset.done $0x0  }
0x21: {  	s6 =	sadd.s32 $0x1, s6;
	[sflag:s25] =	ssyncadd.s32 $0xFFFFE000  }
0x22: {  	p0 =	sne.s32 s6, s12;
	[bflag:$0x0] =	sbarrier.arrive $0xFFFF  }
.Ltmp1:
0x23: {  	s9 =	rddreg [dreg:$0x9];
	(pc) =	sbr.rel @!p0 .LBB2_8-.Ltmp1, $4  }
0x24: {  	[hbm:s9], [sflag:s15] =	dma.local [spmem:s16], $0x13C0  }
0x25: {  	_ =	swait.ge [sflag:s13], $0x13C0  }
0x26: {  	[sflag:s13] =	ssyncset.done $0x0  }
0x27: {  	[sflag:s13] =	ssyncadd.s32 $0xFFFFEC40  }
.LBB2_1:
0x28: {  	s9 =	rddreg [dreg:$0x5]  }
0x29: {  	[tilespmem:s4], [sflag:$0x7] =	stream.linear.gather [hbm4b:s9+s4], $0x2710, $0x38;
	[tilespmem:$0x1E940] =	vst v63  }
0x2a: {  	_ =	swait.ge [sflag:s13], $0x2710  }
0x2b: {  	[sflag:s13] =	ssyncset.done $0x0  }
0x2c: {  	[sflag:s13] =	ssyncadd.s32 $0xFFFFD8F0  }
0x2d: {  	[tilespmem:$0x2710] =	vst v0  }
0x2e: {  	[tilespmem:$0x2720] =	vst v0  }
0x2f: {  	[tilespmem:$0x2730] =	vst v0  }
0x30: {  	[tilespmem:$0x2740] =	vst v0  }
0x31: {  	[tilespmem:$0x2750] =	vst v0  }
0x32: {  	[tilespmem:$0x2760] =	vst v0  }
0x33: {  	s11 =	rddreg [dreg:$0x6];
	[tilespmem:$0x2770] =	vst v0  }
0x34: {  	[tilespmem:s14], [sflag:$0x7] =	stream.linear.gather [hbm4b:s11+s4], $0x2710, $0x38;
	[tilespmem:$0x1E940] =	vst v63  }
0x35: {  	_ =	swait.ge [sflag:s13], $0x2710  }
0x36: {  	[sflag:s13] =	ssyncset.done $0x0  }
0x37: {  	[sflag:s13] =	ssyncadd.s32 $0xFFFFD8F0  }
0x38: {  	[tilespmem:$0x4E90] =	vst v1  }
0x39: {  	[tilespmem:$0x4EA0] =	vst v1  }
0x3a: {  	[tilespmem:$0x4EB0] =	vst v1  }
0x3b: {  	[tilespmem:$0x4EC0] =	vst v1  }
0x3c: {  	[tilespmem:$0x4ED0] =	vst v1  }
0x3d: {  	[tilespmem:$0x4EE0] =	vst v1  }
0x3e: {  	[tilespmem:$0x4EF0] =	vst v1  }
0x3f: {  	[spmem:s16], [sflag:s15] =	dma.local [hbm:s7], $0x13C0  }
0x40: {  	_ =	swait.ge [sflag:s13], $0x13C0  }
0x41: {  	[sflag:s13] =	ssyncset.done $0x0  }
0x42: {  	[sflag:s13] =	ssyncadd.s32 $0xFFFFEC40  }
0x43: {  	[spmem:s17], [sflag:s15] =	dma.local [hbm:s8], $0x1388  }
0x44: {  	_ =	swait.ge [sflag:s13], $0x1388  }
0x45: {  	[sflag:s13] =	ssyncset.done $0x0  }
0x46: {  	[sflag:s13] =	ssyncadd.s32 $0xFFFFEC78  }
0x47: {  	[bflag:$0x0] =	sbarrier.arrive $0xFFFF  }
0x48: {  	[tilespmem:s19], [sflag:$0x1] =	stream.indirect.gather [spmem:s3], $0x40, s4, s18, $0xb8;
	[tilespmem:$0x1E940] =	vst v63  }
0x49: {  	_ = 	snop  }
0x4a: {  	[tilespmem:s20], [sflag:$0x2] =	stream.indirect.gather [spmem:s3], $0x40, s18, s18, $0xb8;
	[tilespmem:$0x1E940] =	vst v63  }
0x4b: {  	_ =	swait.ge [sflag:s21], $0x2000  }
0x4c: {  	[sflag:s21] =	ssyncset.done $0x0  }
0x4d: {  	[sflag:s21] =	ssyncadd.s32 $0xFFFFE000  }
0x4e: {  	[spmem:s2] =	stream.indirect.scatter.add.f32 [tilespmem:s19], [sflag:$0x4], $0x40, s14, s18, $0xb8;
	[tilespmem:$0x1E940] =	vst v63  }
0x4f: {  	_ = 	snop  }
0x50: {  	[tilespmem:s23], [sflag:$0x3] =	stream.indirect.gather [spmem:s3], $0x40, s22, s18, $0xb8;
	[tilespmem:$0x1E940] =	vst v63  }
0x51: {  	_ =	swait.ge [sflag:s24], $0x2000  }
0x52: {  	[sflag:s24] =	ssyncset.done $0x0  }
0x53: {  	[sflag:s24] =	ssyncadd.s32 $0xFFFFE000  }
0x54: {  	_ =	swait.ge [sflag:s25], $0x2000  }
0x55: {  	[sflag:s25] =	ssyncset.done $0x0  }
0x56: {  	[sflag:s25] =	ssyncadd.s32 $0xFFFFE000  }
0x57: {  	[spmem:s2] =	stream.indirect.scatter.add.f32 [tilespmem:s20], [sflag:$0x5], $0x40, s26, s18, $0xb8;
	[tilespmem:$0x1E940] =	vst v63  }
0x58: {  	_ = 	snop  }
0x59: {  	[tilespmem:s19], [sflag:$0x1] =	stream.indirect.gather [spmem:s3], $0x40, s28, s18, $0xb8;
	[tilespmem:$0x1E940] =	vst v63  }
0x5a: {  	_ =	swait.ge [sflag:s29], $0x2000  }
0x5b: {  	[sflag:s29] =	ssyncset.done $0x0  }
0x5c: {  	[sflag:s29] =	ssyncadd.s32 $0xFFFFE000  }
0x5d: {  	_ =	swait.ge [sflag:s30], $0x2000  }
0x5e: {  	[sflag:s30] =	ssyncset.done $0x0  }
0x5f: {  	[sflag:s30] =	ssyncadd.s32 $0xFFFFE000  }
0x60: {  	[spmem:s2] =	stream.indirect.scatter.add.f32 [tilespmem:s23], [sflag:$0x6], $0x40, s31, s18, $0xb8;
	[tilespmem:$0x1E940] =	vst v63  }
0x61: {  	s9 =	simm.s32 $0x0  }
0x62: {  	[tilespmem:s20], [sflag:$0x2] =	stream.indirect.gather [spmem:s3], $0x40, s1, s18, $0xb8;
	[tilespmem:$0x1E940] =	vst v63  }
.LBB2_2:
0x63: {  	_ =	swait.ge [sflag:s21], $0x2000  }
0x64: {  	[sflag:s21] =	ssyncset.done $0x0  }
0x65: {  	[sflag:s21] =	ssyncadd.s32 $0xFFFFE000  }
0x66: {  	_ =	swait.ge [sflag:s0], $0x2000  }
0x67: {  	s10 =	sshra.s32 s9, $0x2;
	[sflag:s0] =	ssyncset.done $0x0  }
0x68: {  	s11 =	sadd.s32 $0x2900, s10;
	[sflag:s0] =	ssyncadd.s32 $0xFFFFE000  }
0x69: {  	[spmem:s2] =	stream.indirect.scatter.add.f32 [tilespmem:s19], [sflag:$0x4], $0x40, s11, s18, $0xb8;
	[tilespmem:$0x1E940] =	vst v63  }
0x6a: {  	s11 =	sadd.s32 $0x280, s10  }
0x6b: {  	[tilespmem:s23], [sflag:$0x3] =	stream.indirect.gather [spmem:s3], $0x40, s11, s18, $0xb8;
	[tilespmem:$0x1E940] =	vst v63  }
0x6c: {  	_ =	swait.ge [sflag:s24], $0x2000  }
0x6d: {  	[sflag:s24] =	ssyncset.done $0x0  }
0x6e: {  	[sflag:s24] =	ssyncadd.s32 $0xFFFFE000  }
0x6f: {  	_ =	swait.ge [sflag:s25], $0x2000  }
0x70: {  	[sflag:s25] =	ssyncset.done $0x0  }
0x71: {  	s11 =	sadd.s32 $0x2980, s10;
	[sflag:s25] =	ssyncadd.s32 $0xFFFFE000  }
0x72: {  	[spmem:s2] =	stream.indirect.scatter.add.f32 [tilespmem:s20], [sflag:$0x5], $0x40, s11, s18, $0xb8;
	[tilespmem:$0x1E940] =	vst v63  }
0x73: {  	s11 =	sadd.s32 $0x300, s10  }
0x74: {  	[tilespmem:s19], [sflag:$0x1] =	stream.indirect.gather [spmem:s3], $0x40, s11, s18, $0xb8;
	[tilespmem:$0x1E940] =	vst v63  }
0x75: {  	_ =	swait.ge [sflag:s29], $0x2000  }
0x76: {  	p0 =	seq.s32 s9, $0x9000;
	[sflag:s29] =	ssyncset.done $0x0  }
.Ltmp2:
0x77: {  	[sflag:s29] =	ssyncadd.s32 $0xFFFFE000;
	(pc) =	sbr.rel @p0 .LBB2_4-.Ltmp2, $4  }
0x78: {  	_ =	swait.ge [sflag:s30], $0x2000  }
0x79: {  	[sflag:s30] =	ssyncset.done $0x0  }
0x7a: {  	s11 =	sadd.s32 $0x2A00, s10;
	[sflag:s30] =	ssyncadd.s32 $0xFFFFE000  }
0x7b: {  	[spmem:s2] =	stream.indirect.scatter.add.f32 [tilespmem:s23], [sflag:$0x6], $0x40, s11, s18, $0xb8;
	[tilespmem:$0x1E940] =	vst v63  }
.Ltmp3:
0x7c: {  	(pc) =	sbr.rel .LBB2_2-.Ltmp3, $3  }
0x7d: {  	_ =	sdelay $0x1  }
0x7e: {  	s10 =	sadd.s32 $0x380, s10;
	s9 =	sadd.s32 $0x600, s9  }
0x7f: {  	[tilespmem:s20], [sflag:$0x2] =	stream.indirect.gather [spmem:s3], $0x40, s10, s18, $0xb8;
	[tilespmem:$0x1E940] =	vst v63  }
.LBB2_4:
0x80: {  	_ =	swait.ge [sflag:s21], $0x2000  }
0x81: {  	[sflag:s21] =	ssyncset.done $0x0  }
0x82: {  	[sflag:s21] =	ssyncadd.s32 $0xFFFFE000  }
0x83: {  	_ =	swait.ge [sflag:s0], $0x2000  }
0x84: {  	[sflag:s0] =	ssyncset.done $0x0  }
0x85: {  	[sflag:s0] =	ssyncadd.s32 $0xFFFFE000  }
0x86: {  	[spmem:s2] =	stream.indirect.scatter.add.f32 [tilespmem:s19], [sflag:$0x4], $0x40, s5, s18, $0xb8;
	[tilespmem:$0x1E940] =	vst v63  }
0x87: {  	_ =	swait.ge [sflag:s25], $0x2000  }
0x88: {  	[sflag:s25] =	ssyncset.done $0x0  }
0x89: {  	[sflag:s25] =	ssyncadd.s32 $0xFFFFE000  }
0x8a: {  	[bflag:$0x0] =	sbarrier.arrive $0xFFFF  }
0x8b: {  	s9 =	rddreg [dreg:$0x7]  }
0x8c: {  	[hbm:s9], [sflag:s15] =	dma.local [spmem:s16], $0x13C0  }
0x8d: {  	_ =	swait.ge [sflag:s13], $0x13C0  }
0x8e: {  	[sflag:s13] =	ssyncset.done $0x0  }
0x8f: {  	[sflag:s13] =	ssyncadd.s32 $0xFFFFEC40  }
0x90: {  	[spmem:s16], [sflag:s15] =	dma.local [hbm:s7], $0x13C0  }
0x91: {  	_ =	swait.ge [sflag:s13], $0x13C0  }
0x92: {  	[sflag:s13] =	ssyncset.done $0x0  }
0x93: {  	s11 =	rddreg [dreg:$0x8];
	[sflag:s13] =	ssyncadd.s32 $0xFFFFEC40  }
0x94: {  	[spmem:s17], [sflag:s15] =	dma.local [hbm:s11], $0x1388  }
0x95: {  	_ =	swait.ge [sflag:s13], $0x1388  }
0x96: {  	[sflag:s13] =	ssyncset.done $0x0  }
0x97: {  	[sflag:s13] =	ssyncadd.s32 $0xFFFFEC78  }
0x98: {  	s9 =	simm.s32 $0x0;
	[bflag:$0x0] =	sbarrier.arrive $0xFFFF  }
0x99: {  	[tilespmem:s19], [sflag:$0x1] =	stream.indirect.gather [spmem:s3], $0x40, s9, s18, $0xb8;
	[tilespmem:$0x1E940] =	vst v63  }
0x9a: {  	_ = 	snop  }
0x9b: {  	[tilespmem:s20], [sflag:$0x2] =	stream.indirect.gather [spmem:s3], $0x40, s18, s18, $0xb8;
	[tilespmem:$0x1E940] =	vst v63  }
0x9c: {  	_ =	swait.ge [sflag:s21], $0x2000  }
0x9d: {  	[sflag:s21] =	ssyncset.done $0x0  }
0x9e: {  	[sflag:s21] =	ssyncadd.s32 $0xFFFFE000  }
0x9f: {  	[spmem:s2] =	stream.indirect.scatter.add.f32 [tilespmem:s19], [sflag:$0x4], $0x40, s14, s18, $0xb8;
	[tilespmem:$0x1E940] =	vst v63  }
0xa0: {  	_ = 	snop  }
0xa1: {  	[tilespmem:s23], [sflag:$0x3] =	stream.indirect.gather [spmem:s3], $0x40, s22, s18, $0xb8;
	[tilespmem:$0x1E940] =	vst v63  }
0xa2: {  	_ =	swait.ge [sflag:s24], $0x2000  }
0xa3: {  	[sflag:s24] =	ssyncset.done $0x0  }
0xa4: {  	[sflag:s24] =	ssyncadd.s32 $0xFFFFE000  }
0xa5: {  	_ =	swait.ge [sflag:s25], $0x2000  }
0xa6: {  	[sflag:s25] =	ssyncset.done $0x0  }
0xa7: {  	[sflag:s25] =	ssyncadd.s32 $0xFFFFE000  }
0xa8: {  	[spmem:s2] =	stream.indirect.scatter.add.f32 [tilespmem:s20], [sflag:$0x5], $0x40, s26, s18, $0xb8;
	[tilespmem:$0x1E940] =	vst v63  }
0xa9: {  	_ = 	snop  }
0xaa: {  	[tilespmem:s19], [sflag:$0x1] =	stream.indirect.gather [spmem:s3], $0x40, s28, s18, $0xb8;
	[tilespmem:$0x1E940] =	vst v63  }
0xab: {  	_ =	swait.ge [sflag:s29], $0x2000  }
0xac: {  	[sflag:s29] =	ssyncset.done $0x0  }
0xad: {  	[sflag:s29] =	ssyncadd.s32 $0xFFFFE000  }
0xae: {  	_ =	swait.ge [sflag:s30], $0x2000  }
0xaf: {  	[sflag:s30] =	ssyncset.done $0x0  }
0xb0: {  	[sflag:s30] =	ssyncadd.s32 $0xFFFFE000  }
0xb1: {  	[spmem:s2] =	stream.indirect.scatter.add.f32 [tilespmem:s23], [sflag:$0x6], $0x40, s31, s18, $0xb8;
	[tilespmem:$0x1E940] =	vst v63  }
0xb2: {  	_ = 	snop  }
0xb3: {  	[tilespmem:s20], [sflag:$0x2] =	stream.indirect.gather [spmem:s3], $0x40, s1, s18, $0xb8;
	[tilespmem:$0x1E940] =	vst v63  }
.LBB2_5:
0xb4: {  	_ =	swait.ge [sflag:s21], $0x2000  }
0xb5: {  	[sflag:s21] =	ssyncset.done $0x0  }
0xb6: {  	[sflag:s21] =	ssyncadd.s32 $0xFFFFE000  }
0xb7: {  	_ =	swait.ge [sflag:s0], $0x2000  }
0xb8: {  	s10 =	sshra.s32 s9, $0x2;
	[sflag:s0] =	ssyncset.done $0x0  }
0xb9: {  	s11 =	sadd.s32 $0x2900, s10;
	[sflag:s0] =	ssyncadd.s32 $0xFFFFE000  }
0xba: {  	[spmem:s2] =	stream.indirect.scatter.add.f32 [tilespmem:s19], [sflag:$0x4], $0x40, s11, s18, $0xb8;
	[tilespmem:$0x1E940] =	vst v63  }
0xbb: {  	s11 =	sadd.s32 $0x280, s10  }
0xbc: {  	[tilespmem:s23], [sflag:$0x3] =	stream.indirect.gather [spmem:s3], $0x40, s11, s18, $0xb8;
	[tilespmem:$0x1E940] =	vst v63  }
0xbd: {  	_ =	swait.ge [sflag:s24], $0x2000  }
0xbe: {  	[sflag:s24] =	ssyncset.done $0x0  }
0xbf: {  	[sflag:s24] =	ssyncadd.s32 $0xFFFFE000  }
0xc0: {  	_ =	swait.ge [sflag:s25], $0x2000  }
0xc1: {  	[sflag:s25] =	ssyncset.done $0x0  }
0xc2: {  	s11 =	sadd.s32 $0x2980, s10;
	[sflag:s25] =	ssyncadd.s32 $0xFFFFE000  }
0xc3: {  	[spmem:s2] =	stream.indirect.scatter.add.f32 [tilespmem:s20], [sflag:$0x5], $0x40, s11, s18, $0xb8;
	[tilespmem:$0x1E940] =	vst v63  }
0xc4: {  	s11 =	sadd.s32 $0x300, s10  }
0xc5: {  	[tilespmem:s19], [sflag:$0x1] =	stream.indirect.gather [spmem:s3], $0x40, s11, s18, $0xb8;
	[tilespmem:$0x1E940] =	vst v63  }
0xc6: {  	_ =	swait.ge [sflag:s29], $0x2000  }
0xc7: {  	p0 =	seq.s32 s9, $0x9000;
	[sflag:s29] =	ssyncset.done $0x0  }
.Ltmp4:
0xc8: {  	[sflag:s29] =	ssyncadd.s32 $0xFFFFE000;
	(pc) =	sbr.rel @p0 .LBB2_7-.Ltmp4, $4  }
0xc9: {  	_ =	swait.ge [sflag:s30], $0x2000  }
0xca: {  	[sflag:s30] =	ssyncset.done $0x0  }
0xcb: {  	s11 =	sadd.s32 $0x2A00, s10;
	[sflag:s30] =	ssyncadd.s32 $0xFFFFE000  }
0xcc: {  	[spmem:s2] =	stream.indirect.scatter.add.f32 [tilespmem:s23], [sflag:$0x6], $0x40, s11, s18, $0xb8;
	[tilespmem:$0x1E940] =	vst v63  }
.Ltmp5:
0xcd: {  	(pc) =	sbr.rel .LBB2_5-.Ltmp5, $3  }
0xce: {  	_ =	sdelay $0x1  }
0xcf: {  	s10 =	sadd.s32 $0x380, s10;
	s9 =	sadd.s32 $0x600, s9  }
0xd0: {  	[tilespmem:s20], [sflag:$0x2] =	stream.indirect.gather [spmem:s3], $0x40, s10, s18, $0xb8;
	[tilespmem:$0x1E940] =	vst v63  }
.LBB2_8:
0xd1: {  	_ =	sfence.sel $0x180000  }
0xd2: {  	[bflag:$0x0] =	sbarrier.arrive $0xFFFF  }
0xd3: {  	_ =	strace $0x9000004D  }
0xd4: {  	s0 =	stileid.u32;
	[bflag:$0x2] =	sbarrier.arrive $0xFFFF  }
0xd5: {  	p0 =	sne.s32 s0, $0x0;
	s0 =	rddreg [dreg:$0x4]  }
0xd6: {  	s0 =	sadd.s32 @!p0 $0x100000, s0  }
0xd7: {  	[sflag:s0] =	ssyncadd.tile.s32 @!p0 $0x1;
	_ =	shalt  }
.Lfunc_end2:
_tile_overlayer_lowered:
.L_overlay_start_2:
0xd8: {  	(tag) =	ssettag $0x2  }
0xd9: {  	s0 =	rddreg [dreg:$0x0];
	s2 =	stileid.u32  }
0xda: {  	s1 =	rddreg [dreg:$0x1];
	p0 =	sne.s32 s2, $0x0  }
0xdb: {  	s3 =	rddreg [dreg:$0x2];
	[bflag:$0x3] =	sbarrier.arrive $0xFFFF;
	s2 =	simm.s32 @!p0 $0x1C07  }
0xdc: {  	[timem:s3], [sflag:s2] =	dma.local @!p0 [hbm:s0], s1  }
0xdd: {  	s0 =	simm.s32 @!p0 $0x7  }
0xde: {  	_ =	swait.ge @!p0 [sflag:s0], s1  }
0xdf: {  	s1 =	ssub.s32 @!p0 $0x0, s1;
	[sflag:s0] =	ssyncset.done @!p0 $0x0  }
0xe0: {  	[sflag:s0] =	ssyncadd.s32 @!p0 s1  }
0xe1: {  	[bflag:$0x3] =	sbarrier.arrive $0xFFFF  }
0xe2: {  	_ =	shalt  }

// kernel: kernel.9.cloned.1.call-start
scs
__scs_entry_jumppad:
0x0: {  	(pc) =	sbr.rel $0x88, $3  }
0x1: {  	(tag) =	ssettag $0x0;
	lr =	simm.s32 $0x1  }
0x2: {  	[smem:$0x3F9B] =	sst lr;
	_ =	strace $0xD0000000  }
0x3: {  	_ = 	snop  }
0x4: {  	_ = 	snop  }
0x5: {  	_ = 	snop  }
0x6: {  	_ = 	snop  }
0x7: {  	_ = 	snop  }
__scs_overlays_trampoline_lowered:
0x8: {  	[smem:$0x3FAA] =	sst s0  }
0x9: {  	[smem:$0x3FAB] =	sst s1  }
0xa: {  	[smem:$0x3FAC] =	sst s2  }
0xb: {  	[smem:$0x3FAD] =	sst s3  }
0xc: {  	[smem:$0x3FAE] =	sst s4  }
0xd: {  	[smem:$0x3FAF] =	sst s5  }
0xe: {  	[smem:$0x3FB0] =	sst s6  }
0xf: {  	[smem:$0x3FB1] =	sst s7  }
0x10: {  	[smem:$0x3FB2] =	sst s8  }
0x11: {  	[smem:$0x3FB3] =	sst s9;
	s0 =	simm.s32 @!p0 $0x0  }
0x12: {  	s1 =	sld [smem:$0x3F99];
	s0 =	simm.s32 @p0 $0x1  }
0x13: {  	[smem:$0x3FB4] =	sst s0;
	s0 =	simm.s32 @!p1 $0x0  }
0x14: {  	s2 =	sld [smem:$0x3F98];
	s0 =	simm.s32 @p1 $0x1  }
0x15: {  	[smem:$0x3FB5] =	sst s0;
	s0 =	simm.s32 @!p2 $0x0  }
0x16: {  	s3 =	sld [smem:$0x3FDB];
	s0 =	simm.s32 @p2 $0x1  }
0x17: {  	s4 =	simm.s32 $0x1BF5;
	[smem:$0x3FB7] =	sst s0  }
0x18: {  	s0 =	sld [smem:$0x3F9A];
	_ =	swait.ge [sflag:s4], $0x0  }
0x19: {  	s7 =	sld [smem:$0x3F9B]  }
0x1a: {  	s8 =	sadd.s32 $0xFFFFE003, lr  }
0x1b: {  	s9 =	sadd.s32 $0xFFFFFEF7, lr;
	s5 =	simm.s32 $0xFFFFFFFF;
	p2 =	slt.u32 s8, $0xFFFFF086  }
0x1c: {  	p1 =	slt.u32 s9, $0xF7A;
	s5 =	simm.s32 @!p2 $0x0  }
0x1d: {  	s5 =	simm.s32 @p1 $0x1;
	p0 =	seq.s32 s7, s2  }
0x1e: {  	s7 =	smul.u32 @!p0 $0xF7A, s2;
	p2 =	seq.s32 @!p0 s5, $0x0  }
0x1f: {  	s9 =	smul.u32 $0xF7A, s1;
	s8 =	simm.s32 @!p0 $0x1BF5;
	p2 =	por !p2, p0  }
0x20: {  	[sflag:s8] =	ssyncset.s32 @!p0 $0xFFFFF086;
	s6 =	sadd.s32 @!p0 s3, s7;
	s7 =	simm.s32 @!p0 $0x108  }
0x21: {  	s3 =	sadd.s32 s3, s9;
	s6 =	sadd.s32 @!p0 $0x88, s6;
	s7 =	simm.s32 @p2 $0x1082  }
0x22: {  	[simem:s7], [sflag:s8] =	dma.local @!p0 [hbm:s6], $0xF7A  }
0x23: {  	s9 =	sor.u32 $0xD0000000, s2;
	s6 =	simm.s32 $0x108;
	_ =	swait.ge @!p0 [sflag:s8], $0x0  }
0x24: {  	s3 =	sadd.s32 $0x88, s3;
	s6 =	simm.s32 @!p1 $0x1082;
	[sflag:s4] =	ssyncset.s32 $0xFFFFF086  }
0x25: {  	[simem:s6], [sflag:s4] =	dma.local [hbm:s3], $0xF7A  }
0x26: {  	[smem:$0x3F9B] =	sst s1;
	(tag) =	ssettag s2;
	_ =	strace s9  }
0x27: {  	s1 =	sld [smem:$0x3FAB]  }
0x28: {  	s2 =	sld [smem:$0x3FAC]  }
0x29: {  	s4 =	sld [smem:$0x3FAE]  }
0x2a: {  	p0 =	seq.s32 s5, $0x0;
	s5 =	sld [smem:$0x3FAF]  }
0x2b: {  	s6 =	sld [smem:$0x3FB0]  }
0x2c: {  	s7 =	sld [smem:$0x3FB1]  }
0x2d: {  	s3 =	simm.s32 $0x108;
	s8 =	sld [smem:$0x3FB2]  }
0x2e: {  	s3 =	simm.s32 @!p0 $0x1082;
	s9 =	sld [smem:$0x3FB3]  }
0x2f: {  	lr =	sadd.s32 s0, s3;
	s0 =	sld [smem:$0x3FAA]  }
0x30: {  	s3 =	sld [smem:$0x3FAD]  }
0x31: {  	[smem:$0x3FB6] =	sst s10  }
0x32: {  	s10 =	sld [smem:$0x3FB4];
	_ =	sdelay $0x3  }
0x33: {  	p0 =	seq.s32 s10, $0x1;
	s10 =	sld [smem:$0x3FB6];
	_ =	sdelay $0x3  }
0x34: {  	[smem:$0x3FB6] =	sst s10  }
0x35: {  	s10 =	sld [smem:$0x3FB5];
	_ =	sdelay $0x3  }
0x36: {  	p1 =	seq.s32 s10, $0x1;
	s10 =	sld [smem:$0x3FB6];
	_ =	sdelay $0x3  }
0x37: {  	[smem:$0x3FB6] =	sst s10  }
0x38: {  	s10 =	sld [smem:$0x3FB7]  }
0x39: {  	_ = 	snop;
	(pc) =	sbr.ind lr, $3  }
0x3a: {  	_ = 	snop  }
0x3b: {  	_ = 	snop  }
0x3c: {  	p2 =	seq.s32 s10, $0x1;
	s10 =	sld [smem:$0x3FB6]  }
0x3d: {  	_ =	shalt  }
0x3e: {  	_ =	shalt  }
0x3f: {  	_ =	shalt  }
0x40: {  	_ =	shalt  }
0x41: {  	_ =	shalt  }
0x42: {  	_ =	shalt  }
0x43: {  	_ =	shalt  }
0x44: {  	_ =	shalt  }
0x45: {  	_ =	shalt  }
0x46: {  	_ =	shalt  }
0x47: {  	_ =	shalt  }
0x48: {  	_ =	shalt  }
0x49: {  	_ =	shalt  }
0x4a: {  	_ =	shalt  }
0x4b: {  	_ =	shalt  }
0x4c: {  	_ =	shalt  }
0x4d: {  	_ =	shalt  }
0x4e: {  	_ =	shalt  }
0x4f: {  	_ =	shalt  }
0x50: {  	_ =	shalt  }
0x51: {  	_ =	shalt  }
0x52: {  	_ =	shalt  }
0x53: {  	_ =	shalt  }
0x54: {  	_ =	shalt  }
0x55: {  	_ =	shalt  }
0x56: {  	_ =	shalt  }
0x57: {  	_ =	shalt  }
0x58: {  	_ =	shalt  }
0x59: {  	_ =	shalt  }
0x5a: {  	_ =	shalt  }
0x5b: {  	_ =	shalt  }
0x5c: {  	_ =	shalt  }
0x5d: {  	_ =	shalt  }
0x5e: {  	_ =	shalt  }
0x5f: {  	_ =	shalt  }
0x60: {  	_ =	shalt  }
0x61: {  	_ =	shalt  }
0x62: {  	_ =	shalt  }
0x63: {  	_ =	shalt  }
0x64: {  	_ =	shalt  }
0x65: {  	_ =	shalt  }
0x66: {  	_ =	shalt  }
0x67: {  	_ =	shalt  }
0x68: {  	_ =	shalt  }
0x69: {  	_ =	shalt  }
0x6a: {  	_ =	shalt  }
0x6b: {  	_ =	shalt  }
0x6c: {  	_ =	shalt  }
0x6d: {  	_ =	shalt  }
0x6e: {  	_ =	shalt  }
0x6f: {  	_ =	shalt  }
0x70: {  	_ =	shalt  }
0x71: {  	_ =	shalt  }
0x72: {  	_ =	shalt  }
0x73: {  	_ =	shalt  }
0x74: {  	_ =	shalt  }
0x75: {  	_ =	shalt  }
0x76: {  	_ =	shalt  }
0x77: {  	_ =	shalt  }
0x78: {  	_ =	shalt  }
0x79: {  	_ =	shalt  }
0x7a: {  	_ =	shalt  }
0x7b: {  	_ =	shalt  }
0x7c: {  	_ =	shalt  }
0x7d: {  	_ =	shalt  }
0x7e: {  	_ =	shalt  }
0x7f: {  	_ =	shalt  }
0x80: {  	_ =	shalt  }
0x81: {  	_ =	shalt  }
0x82: {  	_ =	shalt  }
0x83: {  	_ =	shalt  }
0x84: {  	_ =	shalt  }
0x85: {  	_ =	shalt  }
0x86: {  	_ =	shalt  }
0x87: {  	_ =	shalt  }
.Lfunc_end0:
.L_simem_size_0:
called_computation_lowered:
.L_overlay_start_0:
0x88: {  	s2 =	sld [smem:$0x3FD9]  }
0x89: {  	s3 =	sld [smem:$0x3FFE];
	_ =	sdelay $0x1  }
0x8a: {  	s1 =	srdreg.scid  }
0x8b: {  	s0 =	sand.u32 $0x1, s1  }
0x8c: {  	s17 =	sshll.u32 s0, $0xA;
	s2 =	sadd.s32 s3, s2  }
0x8d: {  	s2 =	sadd.s32 s2, s17  }
0x8e: {  	[smem:$0x3FC2] =	sst s2  }
0x8f: {  	_ = 	snop  }
0x90: {  	s2 =	sld [smem:$0x3FD0];
	(tm) =	ssettm $0x1  }
0x91: {  	s18 =	sld [smem:$0x3FFB];
	_ =	sdelay $0x3  }
0x92: {  	_ =	strace s18  }
0x93: {  	s3 =	sld [smem:$0x3FFC];
	_ =	sdelay $0x3  }
0x94: {  	_ =	strace s3  }
0x95: {  	s3 =	sld [smem:$0x3FFD];
	_ =	sdelay $0x3  }
0x96: {  	_ =	strace s3  }
0x97: {  	_ =	strace $0x8FFFFFFF  }
0x98: {  	s19 =	sld [smem:$0x3FDB];
	_ =	sdelay $0x1  }
0x99: {  	s4 =	simm.s32 $_scs_section_size  }
0x9a: {  	s5 =	simm.s32 $_size__tile_overlayer_lowered;
	s6 =	simm.s32 $_tile_overlayer_lowered  }
0x9b: {  	s22 =	simm.s32 $0x1BFF;
	s21 =	sshll.u32 s6, $0x1;
	s3 =	sadd.s32 s4, s19  }
0x9c: {  	s7 =	simm.s32 $0x0;
	s20 =	sshll.u32 s5, $0x1;
	s5 =	sadd.s32 s21, s3  }
0x9d: {  	[timem:s7], [sflag:s22] =	dma.local [hbm:s5], s20  }
0x9e: {  	_ =	swait.ge [sflag:s22], s20  }
0x9f: {  	s4 =	ssub.s32 $0x0, s20;
	[sflag:s22] =	ssyncset.done $0x0  }
0xa0: {  	[sflag:s22] =	ssyncadd.s32 s4;
	_ =	sdelay $0x1  }
0xa1: {  	s23 =	simm.s32 $0x1B8B  }
0xa2: {  	_ =	swait.ge [sflag:s23], $0x1  }
0xa3: {  	[sflag:s23] =	ssyncset.done $0x0  }
0xa4: {  	s25 =	simm.s32 $0x1B8E;
	s24 =	sld [smem:$0x3FFE];
	[sflag:s23] =	ssyncadd.s32 $0xFFFFFFFF  }
0xa5: {  	s26 =	simm.s32 $execute0_lowered;
	[smem:$0x3FD2] =	sst s25  }
0xa6: {  	s5 =	sshll.u32 s26, $0x1;
	_ =	strace $0x80000046;
	[dreg:$0x1] =	wrdreg $0xFFFFFFFF  }
0xa7: {  	s28 =	simm.s32 $_size_execute0_lowered;
	s3 =	sadd.s32 s3, s5;
	[dreg:$0x0] =	wrdreg $0x0  }
0xa8: {  	s5 =	sshll.u32 s28, $0x1;
	[dreg:$0x2] =	wrdreg s3  }
0xa9: {  	[dreg:$0x3] =	wrdreg s5  }
0xaa: {  	[dreg:$0x4] =	wrdreg $0xC0  }
0xab: {  	_ =	task [dreg:s7], $0x5FFFF  }
0xac: {  	[dreg:$0x1] =	wrdreg $0xFFFFFFFF  }
0xad: {  	[dreg:$0x0] =	wrdreg $0x60  }
0xae: {  	[dreg:$0x2] =	wrdreg s24  }
0xaf: {  	[dreg:$0x3] =	wrdreg s2  }
0xb0: {  	[dreg:$0x4] =	wrdreg $0x2B800  }
0xb1: {  	[dreg:$0x5] =	wrdreg $0x9  }
0xb2: {  	_ =	task.clear_ibuf [dreg:s7], $0x6FFFF;
	_ =	strace $0x90000046  }
0xb3: {  	s29 =	simm.s32 $0x9;
	_ =	strace $0x80000048  }
0xb4: {  	_ =	swait.ge [sflag:s29], $0x1  }
0xb5: {  	[sflag:s29] =	ssyncadd.s32 $0xFFFFFFFF  }
0xb6: {  	_ =	strace $0x90000048  }
0xb7: {  	_ =	sfence  }
0xb8: {  	s30 =	sld [smem:$0x0];
	_ =	sdelay $0x2  }
0xb9: {  	s31 =	sshll.u32 s1, $0xD;
	s1 =	sshrl.u32 s1, $0x2  }
0xba: {  	s3 =	sand.u32 $0x4000, s31;
	s1 =	sadd.s32 s1, s30  }
0xbb: {  	s0 =	sor.u32 s3, s0;
	s1 =	sshll.u32 s1, $0x11  }
0xbc: {  	s0 =	sor.u32 s1, s0  }
0xbd: {  	s0 =	sadd.s32 $0x8F2B, s0  }
0xbe: {  	[sflag:s0] =	ssyncadd.remote.s32 $0x1  }
0xbf: {  	_ =	sfence.sel $0xFFFF  }
0xc0: {  	[dreg:$0x0] =	wrdreg $0xFFFFFFFF;
	(pc) =	sbr.abs _section_cstart, $3  }
0xc1: {  	[dreg:$0x1] =	wrdreg $0xFFFFFFFF  }
0xc2: {  	_ =	task.clear_ibuf [dreg:s7], $0x2FFFF;
	_ =	strace $0x9FFFFFFF  }
0xc3: {  	(tm) =	ssettm $0x7FFFFFFF  }
tec
execute0_lowered:
.L_overlay_start_1:
0x0: {  	(tag) =	ssettag $0x1  }
0x1: {  	s6 =	rddreg [dreg:$0x0]  }
0x2: {  	s8 =	rddreg [dreg:$0x1]  }
0x3: {  	s1 =	rddreg [dreg:$0x2];
	s2 =	srdreg.scid  }
0x4: {  	s0 =	rddreg [dreg:$0x3];
	s3 =	simm.s32 $0x0;
	s14 =	simm.s32 $0x0  }
0x5: {  	s5 =	sand.u32 $0x1, s2;
	[smem:$0x7FF] =	sst s3;
	s2 =	stileid.u32  }
0x6: {  	s4 =	sshll.u32 s5, $0x4;
	_ =	strace $0x80000047;
	s7 =	smul.u32 $0x13C0, s2  }
0x7: {  	s10 =	ssub.s32 $0x2, s5;
	s13 =	smul.u32 $0x13C00, s5;
	s31 =	sshll.u32 s2, $0x6  }
0x8: {  	s9 =	sor.u32 s2, s4;
	s4 =	sadd.s32 $0x16400, s6;
	s12 =	sshrl.u32 s10, $0x1  }
0x9: {  	s9 =	smul.u32 $0x2710, s9;
	s11 =	sshrl.u32 s7, $0x3;
	s10 =	ssub.s32 s10, s12  }
0xa: {  	s30 =	sadd.s32 s7, s1;
	s7 =	sadd.s32 s7, s13;
	s12 =	simm.s32 $0x2780  }
0xb: {  	s29 =	sadd.s32 s11, s6;
	s13 =	sshrl.u32 s7, $0x3;
	s11 =	simm.s32 $0x1  }
0xc: {  	s5 =	sadd.s32 $0x16600, s29;
	s9 =	sshrl.u32 s9, $0x3;
	s8 =	sadd.s32 s8, s13  }
0xd: {  	s13 =	simm.s32 $0x80;
	s9 =	sadd.s32 s6, s9;
	s6 =	sor.u32 $0x1C01, s31  }
0xe: {  	v0 =	vimm.s32 $0x2710;
	s7 =	sadd.s32 $0xC640, s9;
	s9 =	smax.u32 s10, $0x1;
	s10 =	sshrl.u32 s30, $0x3  }
.LBB2_1:
0xf: {  	[spmem:s10], [sflag:s6] =	dma.local [hbm:s5], $0x278  }
0x10: {  	_ =	swait.ge [sflag:s11], $0x278  }
0x11: {  	[sflag:s11] =	ssyncset.done $0x0  }
0x12: {  	[sflag:s11] =	ssyncadd.s32 $0xFFFFFD88  }
0x13: {  	[tilespmem:s12], [sflag:$0x1] =	stream.linear.gather [hbm4b:s4+s3], $0x400, $0x38;
	[tilespmem:$0x3F40] =	vst v63  }
0x14: {  	_ =	swait.ge [sflag:s11], $0x400  }
0x15: {  	[sflag:s11] =	ssyncset.done $0x0  }
0x16: {  	[sflag:s11] =	ssyncadd.s32 $0xFFFFFC00  }
0x17: {  	[tilespmem:s3], [sflag:$0x1] =	stream.linear.gather [hbm4b:s7+s3], $0x2710, $0x38;
	[tilespmem:$0x3F40] =	vst v63  }
0x18: {  	_ =	swait.ge [sflag:s11], $0x2710  }
0x19: {  	[sflag:s11] =	ssyncset.done $0x0  }
0x1a: {  	[sflag:s11] =	ssyncadd.s32 $0xFFFFD8F0  }
0x1b: {  	[tilespmem:$0x2710] =	vst v0  }
0x1c: {  	[tilespmem:$0x2720] =	vst v0  }
0x1d: {  	[tilespmem:$0x2730] =	vst v0  }
0x1e: {  	[tilespmem:$0x2740] =	vst v0  }
0x1f: {  	[tilespmem:$0x2750] =	vst v0  }
0x20: {  	[tilespmem:$0x2760] =	vst v0  }
0x21: {  	[tilespmem:$0x2770] =	vst v0  }
0x22: {  	s15 =	simm.s32 $0x0;
	[bflag:$0x0] =	sbarrier.arrive $0xFFFF  }
0x23: {  	[spmem:s1] =	stream.indirect.scatter.add.f32 [tilespmem:s12], [sflag:$0x1], $0x8, s15, s13, $0xb8;
	[tilespmem:$0x3F40] =	vst v63  }
0x24: {  	_ =	swait.ge [sflag:s11], $0x400  }
0x25: {  	s15 =	simm.s32 $0x200;
	[sflag:s11] =	ssyncset.done $0x0  }
.LBB2_2:
0x26: {  	s16 =	sshra.s32 s15, $0x2;
	[sflag:s11] =	ssyncadd.s32 $0xFFFFFC00;
	p0 =	sne.s32 s15, $0x9C00  }
0x27: {  	[spmem:s1] =	stream.indirect.scatter.add.f32 [tilespmem:s12], [sflag:$0x1], $0x8, s16, s13, $0xb8;
	[tilespmem:$0x3F40] =	vst v63  }
.Ltmp0:
0x28: {  	_ = 	snop;
	(pc) =	sbr.rel @p0 .LBB2_2-.Ltmp0, $4  }
0x29: {  	_ = 	snop  }
0x2a: {  	s15 =	sadd.s32 $0x200, s15  }
0x2b: {  	_ =	swait.ge [sflag:s11], $0x400  }
0x2c: {  	[sflag:s11] =	ssyncset.done $0x0  }
0x2d: {  	s14 =	sadd.s32 $0x1, s14  }
0x2e: {  	[sflag:s11] =	ssyncadd.s32 $0xFFFFFC00;
	p0 =	sne.s32 s14, s9  }
.Ltmp1:
0x2f: {  	[bflag:$0x0] =	sbarrier.arrive $0xFFFF;
	(pc) =	sbr.rel @p0 .LBB2_1-.Ltmp1, $4  }
0x30: {  	[hbm:s8], [sflag:s6] =	dma.local [spmem:s10], $0x278  }
0x31: {  	_ =	swait.ge [sflag:s11], $0x278  }
0x32: {  	[sflag:s11] =	ssyncset.done $0x0  }
0x33: {  	[sflag:s11] =	ssyncadd.s32 $0xFFFFFD88  }
0x34: {  	_ =	sfence.sel $0x180000  }
0x35: {  	[bflag:$0x0] =	sbarrier.arrive $0xFFFF  }
0x36: {  	p0 =	sne.s32 s2, $0x0;
	_ =	strace $0x90000047  }
0x37: {  	s0 =	sadd.s32 @!p0 $0x100000, s0;
	[bflag:$0x2] =	sbarrier.arrive $0xFFFF  }
0x38: {  	[sflag:s0] =	ssyncadd.tile.s32 @!p0 $0x1;
	_ =	shalt  }
.Lfunc_end2:
_tile_overlayer_lowered:
.L_overlay_start_2:
0x39: {  	(tag) =	ssettag $0x2  }
0x3a: {  	s0 =	rddreg [dreg:$0x0];
	s2 =	stileid.u32  }
0x3b: {  	s1 =	rddreg [dreg:$0x1];
	p0 =	sne.s32 s2, $0x0  }
0x3c: {  	s3 =	rddreg [dreg:$0x2];
	[bflag:$0x3] =	sbarrier.arrive $0xFFFF;
	s2 =	simm.s32 @!p0 $0x1C01  }
0x3d: {  	[timem:s3], [sflag:s2] =	dma.local @!p0 [hbm:s0], s1  }
0x3e: {  	s0 =	simm.s32 @!p0 $0x1  }
0x3f: {  	_ =	swait.ge @!p0 [sflag:s0], s1  }
0x40: {  	s1 =	ssub.s32 @!p0 $0x0, s1;
	[sflag:s0] =	ssyncset.done @!p0 $0x0  }
0x41: {  	[sflag:s0] =	ssyncadd.s32 @!p0 s1  }
0x42: {  	[bflag:$0x3] =	sbarrier.arrive $0xFFFF  }
0x43: {  	_ =	shalt  }

</sc_bundles>
